<compile_context>
chip_gen: v7x
topology: tpu7x:2x2x1
jax: 0.10.2.dev20260603
libtpu: 0.0.44.dev20260713+nightly
codegen_flags: <defaults>
</compile_context>

<pallas_src>
import functools

import jax
import jax.numpy as jnp
from jax import lax
from jax.experimental import pallas as pl
from jax.experimental.pallas import tpu as pltpu
from jax.experimental.pallas import tpu_sc as plsc

D = 768
F = 2048
E = 64
C = 80
T = 2048
NSLOT = E * C
NPAD = NSLOT + 8
NW = 32
TPW = T // NW



def _excl_cumsum(mask, tri):
    G = tri.shape[0]
    ng = T // G
    locs = []
    sums = []
    for g in range(ng):
        mg = mask[g * G:(g + 1) * G]
        locs.append(jnp.dot(tri, mg, preferred_element_type=jnp.float32))
        sums.append(jnp.sum(mg, axis=0, keepdims=True))
    off = jnp.zeros_like(sums[0])
    out = []
    for g in range(ng):
        out.append(locs[g] + off)
        off = off + sums[g]
    return jnp.concatenate(out, axis=0), off


def _gating_body(x_ref, wg_ref, s1d_ref, s2d_ref, s1c_ref, s2c_ref,
                 g1_ref, g2_ref, used_ref):
    xf = x_ref[...]
    logits = jnp.dot(xf, wg_ref[...], preferred_element_type=jnp.float32)
    m = jnp.max(logits, axis=1, keepdims=True)
    ex = jnp.exp(logits - m)
    gates = ex / jnp.sum(ex, axis=1, keepdims=True)

    iota_e = lax.broadcasted_iota(jnp.int32, (T, E), 1)
    m1 = jnp.max(gates, axis=1, keepdims=True)
    idx1 = jnp.min(jnp.where(gates == m1, iota_e, E), axis=1, keepdims=True)
    mask1 = (iota_e == idx1).astype(jnp.float32)
    gates2 = gates * (1.0 - mask1)
    m2 = jnp.max(gates2, axis=1, keepdims=True)
    idx2 = jnp.min(jnp.where(gates2 == m2, iota_e, E), axis=1, keepdims=True)
    mask2 = (iota_e == idx2).astype(jnp.float32)

    G = 256
    tri = (lax.broadcasted_iota(jnp.int32, (G, G), 0)
           > lax.broadcasted_iota(jnp.int32, (G, G), 1)).astype(jnp.float32)
    loc1, n1 = _excl_cumsum(mask1, tri)
    loc2, n2 = _excl_cumsum(mask2, tri)
    loc2 = loc2 + n1

    kept1 = mask1 * (loc1 < C).astype(jnp.float32)
    kept2 = mask2 * (loc2 < C).astype(jnp.float32)
    pos1 = jnp.sum(loc1 * kept1, axis=1, keepdims=True).astype(jnp.int32)
    pos2 = jnp.sum(loc2 * kept2, axis=1, keepdims=True).astype(jnp.int32)
    k1 = jnp.sum(kept1, axis=1, keepdims=True)
    k2 = jnp.sum(kept2, axis=1, keepdims=True)
    g1 = jnp.sum(gates * kept1, axis=1, keepdims=True)
    g2 = jnp.sum(gates * kept2, axis=1, keepdims=True)
    denom = g1 + g2 + 1e-9
    ones16 = jnp.ones((1, 16), jnp.float32)
    g1_ref[...] = (g1 / denom) * ones16
    g2_ref[...] = (g2 / denom) * ones16

    s1 = idx1 * C + pos1
    s2 = idx2 * C + pos2
    s1d_ref[...] = jnp.where(k1 > 0, s1, NSLOT)
    s2d_ref[...] = jnp.where(k2 > 0, s2, NSLOT)
    s1c_ref[...] = jnp.where(k1 > 0, s1, 0)
    s2c_ref[...] = jnp.where(k2 > 0, s2, 0)
    used_ref[...] = jnp.minimum(n1 + n2, float(C)).astype(jnp.int32)


def _gating_call(xf, wg):
    return pl.pallas_call(
        _gating_body,
        out_shape=(
            jax.ShapeDtypeStruct((T, 1), jnp.int32),
            jax.ShapeDtypeStruct((T, 1), jnp.int32),
            jax.ShapeDtypeStruct((T, 1), jnp.int32),
            jax.ShapeDtypeStruct((T, 1), jnp.int32),
            jax.ShapeDtypeStruct((T, 16), jnp.float32),
            jax.ShapeDtypeStruct((T, 16), jnp.float32),
            jax.ShapeDtypeStruct((1, E), jnp.int32),
        ),
    )(xf, wg)



def _dispatch_body(xf_hbm, s1_hbm, s2_hbm, out_hbm, rows_v, idx1_v, idx2_v,
                   sem1, sem2):
    wid = lax.axis_index("s") * 2 + lax.axis_index("c")
    base = wid * TPW
    pltpu.sync_copy(s1_hbm.at[pl.ds(base, TPW)], idx1_v)
    pltpu.sync_copy(s2_hbm.at[pl.ds(base, TPW)], idx2_v)
    pltpu.sync_copy(xf_hbm.at[pl.ds(base, TPW)], rows_v)
    c1 = pltpu.async_copy(rows_v, out_hbm.at[idx1_v], sem1)
    c2 = pltpu.async_copy(rows_v, out_hbm.at[idx2_v], sem2)
    c1.wait()
    c2.wait()


def _dispatch_call(xf, s1d, s2d):
    mesh = plsc.VectorSubcoreMesh(core_axis_name="c", subcore_axis_name="s")
    f = functools.partial(
        pl.kernel,
        mesh=mesh,
        out_type=jax.ShapeDtypeStruct((NPAD, D), jnp.float32),
        scratch_types=[
            pltpu.VMEM((TPW, D), jnp.float32),
            pltpu.VMEM((TPW,), jnp.int32),
            pltpu.VMEM((TPW,), jnp.int32),
            pltpu.SemaphoreType.DMA,
            pltpu.SemaphoreType.DMA,
        ],
    )(_dispatch_body)
    return f(xf, s1d, s2d)



def _ffn_body(used_ref, x_ref, w1_ref, b1_ref, w2_ref, b2_ref, o_ref):
    used = used_ref[0, 0, 0]
    rid = lax.broadcasted_iota(jnp.int32, (C, 1), 0)
    x = jnp.where(rid < used, x_ref[...], 0.0)
    h = jnp.dot(x, w1_ref[0], preferred_element_type=jnp.float32) + b1_ref[0]
    h = 0.5 * h * (1.0 + lax.erf(h * 0.7071067811865476))
    o_ref[...] = (jnp.dot(h, w2_ref[0], preferred_element_type=jnp.float32)
                  + b2_ref[0])


def _ffn_call(used, disp, W1, b1, W2, b2):
    return pl.pallas_call(
        _ffn_body,
        grid=(E,),
        in_specs=[
            pl.BlockSpec((1, 1, 1), lambda e: (e, 0, 0),
                         memory_space=pltpu.SMEM),
            pl.BlockSpec((C, D), lambda e: (e, 0)),
            pl.BlockSpec((1, D, F), lambda e: (e, 0, 0)),
            pl.BlockSpec((1, 1, F), lambda e: (e, 0, 0)),
            pl.BlockSpec((1, F, D), lambda e: (e, 0, 0)),
            pl.BlockSpec((1, 1, D), lambda e: (e, 0, 0)),
        ],
        out_specs=pl.BlockSpec((C, D), lambda e: (e, 0)),
        out_shape=jax.ShapeDtypeStruct((NSLOT, D), jnp.float32),
        compiler_params=pltpu.CompilerParams(
            dimension_semantics=("parallel",)),
    )(used, disp, W1, b1.reshape(E, 1, F), W2, b2.reshape(E, 1, D))



def _gather_body(eo_hbm, s1_hbm, s2_hbm, g1_hbm, g2_hbm, out_hbm,
                 r1_v, r2_v, idx1_v, idx2_v, g1_v, g2_v, sem1, sem2):
    wid = lax.axis_index("s") * 2 + lax.axis_index("c")
    base = wid * TPW
    pltpu.sync_copy(s1_hbm.at[pl.ds(base, TPW)], idx1_v)
    pltpu.sync_copy(s2_hbm.at[pl.ds(base, TPW)], idx2_v)
    c1 = pltpu.async_copy(eo_hbm.at[idx1_v], r1_v, sem1)
    c2 = pltpu.async_copy(eo_hbm.at[idx2_v], r2_v, sem2)
    pltpu.sync_copy(g1_hbm.at[pl.ds(base, TPW)], g1_v)
    pltpu.sync_copy(g2_hbm.at[pl.ds(base, TPW)], g2_v)
    c1.wait()
    c2.wait()

    @plsc.parallel_loop(0, TPW, unroll=4)
    def _(t):
        g1s = g1_v[t, pl.ds(0, 16)]
        g2s = g2_v[t, pl.ds(0, 16)]
        for j in range(D // 16):
            a = r1_v[t, pl.ds(j * 16, 16)]
            b = r2_v[t, pl.ds(j * 16, 16)]
            r1_v[t, pl.ds(j * 16, 16)] = g1s * a + g2s * b

    pltpu.sync_copy(r1_v, out_hbm.at[pl.ds(base, TPW)])


def _gather_call(eo, s1c, s2c, g1n, g2n):
    mesh = plsc.VectorSubcoreMesh(core_axis_name="c", subcore_axis_name="s")
    f = functools.partial(
        pl.kernel,
        mesh=mesh,
        out_type=jax.ShapeDtypeStruct((T, D), jnp.float32),
        scratch_types=[
            pltpu.VMEM((TPW, D), jnp.float32),
            pltpu.VMEM((TPW, D), jnp.float32),
            pltpu.VMEM((TPW,), jnp.int32),
            pltpu.VMEM((TPW,), jnp.int32),
            pltpu.VMEM((TPW, 16), jnp.float32),
            pltpu.VMEM((TPW, 16), jnp.float32),
            pltpu.SemaphoreType.DMA,
            pltpu.SemaphoreType.DMA,
        ],
    )(_gather_body)
    return f(eo, s1c, s2c, g1n, g2n)



def kernel(x, wg, W1, b1, W2, b2):
    xf = x.reshape(T, D)
    s1d, s2d, s1c, s2c, g1n, g2n, used = _gating_call(xf, wg)
    disp = _dispatch_call(xf, s1d.reshape(T), s2d.reshape(T))
    eo = _ffn_call(used.reshape(E, 1, 1), disp, W1, b1, W2, b2)
    out = _gather_call(eo, s1c.reshape(T), s2c.reshape(T), g1n, g2n)
    return out.reshape(1, T, D)

# --- scband reference (transcript-rebuilt; emitter-appended) ---
"""Pipeline reference for scband-mo-eblock-3633542333083 (READ-ONLY COPY).

The authoritative reference and input builder live on the scoring server;
editing this copy changes nothing except your own understanding.
"""

import jax, jax.numpy as jnp
import numpy as np

D_MODEL = 768
D_FF = 2048
NUM_EXPERTS = 64
TOP_K = 2
CAP_FACTOR = 1.25
B, S = 1, 2048


def setup_inputs(seed: int = 0):
    key = jax.random.key(seed)
    ks = jax.random.split(key, 5)
    x = jax.random.normal(ks[0], (B, S, D_MODEL), dtype=jnp.float32)
    wg = jax.random.normal(ks[1], (D_MODEL, NUM_EXPERTS), dtype=jnp.float32) * 0.02
    W1 = jax.random.normal(ks[2], (NUM_EXPERTS, D_MODEL, D_FF), dtype=jnp.float32) * 0.02
    b1 = jnp.zeros((NUM_EXPERTS, D_FF), dtype=jnp.float32)
    W2 = jax.random.normal(ks[3], (NUM_EXPERTS, D_FF, D_MODEL), dtype=jnp.float32) * 0.02
    b2 = jnp.zeros((NUM_EXPERTS, D_MODEL), dtype=jnp.float32)
    return {"x": x, "wg": wg, "W1": W1, "b1": b1, "W2": W2, "b2": b2}


def _moe_forward(x, wg, W1, b1, W2, b2):
    Bb, Ss, D = x.shape
    T = Bb * Ss
    E = wg.shape[1]
    C = int(TOP_K * T * CAP_FACTOR / E)
    xf = x.reshape(T, D)
    # fp32 gate (fp32_gate=True in tutel config)
    logits = xf.astype(jnp.float32) @ wg.astype(jnp.float32)
    gates = jax.nn.softmax(logits, axis=-1)
    # top-1 expert
    idx1 = jnp.argmax(gates, axis=-1)
    mask1 = jax.nn.one_hot(idx1, E, dtype=jnp.float32)
    # top-2 expert (mask out top-1)
    gates_no1 = gates * (1.0 - mask1)
    idx2 = jnp.argmax(gates_no1, axis=-1)
    mask2 = jax.nn.one_hot(idx2, E, dtype=jnp.float32)
    # positions within each expert's capacity buffer (GShard-style)
    loc1 = jnp.cumsum(mask1, axis=0) - mask1
    loc2 = jnp.cumsum(mask2, axis=0) - mask2 + jnp.sum(mask1, axis=0, keepdims=True)
    mask1 = mask1 * (loc1 < C).astype(jnp.float32)
    mask2 = mask2 * (loc2 < C).astype(jnp.float32)
    pos1 = jnp.sum(loc1 * mask1, axis=1).astype(jnp.int32)
    pos2 = jnp.sum(loc2 * mask2, axis=1).astype(jnp.int32)
    # gate weights, renormalized over the selected top-2
    g1 = jnp.sum(gates * mask1, axis=1)
    g2 = jnp.sum(gates * mask2, axis=1)
    denom = g1 + g2 + 1e-9
    g1n = g1 / denom
    g2n = g2 / denom
    oh1 = jax.nn.one_hot(pos1, C, dtype=jnp.float32)
    oh2 = jax.nn.one_hot(pos2, C, dtype=jnp.float32)
    combine = (g1n[:, None, None] * mask1[:, :, None] * oh1[:, None, :]
               + g2n[:, None, None] * mask2[:, :, None] * oh2[:, None, :])
    dispatch = jax.lax.stop_gradient((combine > 0.0).astype(xf.dtype))
    # dispatch tokens to experts (scatter into capacity slots)
    disp_x = jnp.einsum('tec,td->ecd', dispatch, xf)
    # expert FFN: gelu(x W1 + b1) W2 + b2 (torch F.gelu is exact erf gelu)
    h = jax.nn.gelu(jnp.einsum('ecd,edf->ecf', disp_x, W1) + b1[:, None, :], approximate=False)
    eo = jnp.einsum('ecf,efd->ecd', h, W2) + b2[:, None, :]
    # combine expert outputs back to tokens (gather weighted by gates)
    out = jnp.einsum('tec,ecd->td', combine, eo)
    return out.reshape(Bb, Ss, D)


def reference(x, wg, W1, b1, W2, b2):
    return _moe_forward(x, wg, W1, b1, W2, b2)

if __name__ == "__main__":
    import jax
    _d = setup_inputs()
    print(jax.jit(kernel)(*tuple(_d.values())))

</pallas_src>

<mosaic_0001>
#map = affine_map<(d0, d1) -> (0, 0)>
#map1 = affine_map<(d0, d1) -> (0)>
module attributes {stable_mosaic.version = 14 : i64} {
  func.func @_gather_body(%arg0: i32, %arg1: i32, %arg2: memref<5120x768xf32, #tpu.memory_space<hbm>>, %arg3: memref<2048xi32, #tpu.memory_space<hbm>>, %arg4: memref<2048xi32, #tpu.memory_space<hbm>>, %arg5: memref<2048x16xf32, #tpu.memory_space<hbm>>, %arg6: memref<2048x16xf32, #tpu.memory_space<hbm>>, %arg7: memref<2048x768xf32, #tpu.memory_space<hbm>>, %arg8: memref<64x768xf32, #tpu.memory_space<vmem>>, %arg9: memref<64x768xf32, #tpu.memory_space<vmem>>, %arg10: memref<64xi32, #tpu.memory_space<vmem>>, %arg11: memref<64xi32, #tpu.memory_space<vmem>>, %arg12: memref<64x16xf32, #tpu.memory_space<vmem>>, %arg13: memref<64x16xf32, #tpu.memory_space<vmem>>, %arg14: memref<!tpu.dma_semaphore, #tpu.memory_space<semaphore_mem>>, %arg15: memref<!tpu.dma_semaphore, #tpu.memory_space<semaphore_mem>>) attributes {dimension_semantics = [#tpu.dimension_semantics<core_parallel>, #tpu.dimension_semantics<subcore_parallel>], iteration_bounds = array<i64: 2, 16>, scalar_prefetch = 0 : i64, scratch_operands = 8 : i64, tpu.core_type = #tpu.core_type<sc_vector_subcore>, window_params = [{transform_indices = #map}, {transform_indices = #map1}, {transform_indices = #map1}, {transform_indices = #map}, {transform_indices = #map}, {transform_indices = #map}]} {
    %mul3A = arith.constant 2 : i32
    %mul3A_0 = arith.muli %arg1, %mul3A : i32
    %add3A = arith.addi %mul3A_0, %arg0 : i32
    %mul3A_1 = arith.constant 64 : i32
    %mul3A_2 = arith.muli %add3A, %mul3A_1 : i32
    "tpu.region"() ({
      %run_scoped3A = tpu.sem_alloc : memref<!tpu.dma_semaphore, #tpu.memory_space<semaphore_mem>>
      %dma_start3A_15 = tpu.memref_slice %arg3[%mul3A_2] : memref<2048xi32, #tpu.memory_space<hbm>> -> memref<64xi32, #tpu.memory_space<hbm>>
      %dma_start3A_16 = tpu.memref_slice %arg3[%mul3A_2] : memref<2048xi32, #tpu.memory_space<hbm>> -> memref<64xi32, #tpu.memory_space<hbm>>
      tpu.enqueue_dma source(%dma_start3A_16 : memref<64xi32, #tpu.memory_space<hbm>>) target(%arg10 : memref<64xi32, #tpu.memory_space<vmem>>) target_semaphore(%run_scoped3A : memref<!tpu.dma_semaphore, #tpu.memory_space<semaphore_mem>>)
      %dma_wait3A_17 = tpu.memref_slice %arg3[%mul3A_2] : memref<2048xi32, #tpu.memory_space<hbm>> -> memref<64xi32, #tpu.memory_space<hbm>>
      %dma_wait3A_18 = tpu.memref_slice %arg3[%mul3A_2] : memref<2048xi32, #tpu.memory_space<hbm>> -> memref<64xi32, #tpu.memory_space<hbm>>
      tpu.wait_dma2 semaphore(%run_scoped3A : memref<!tpu.dma_semaphore, #tpu.memory_space<semaphore_mem>>) src(%dma_wait3A_18 : memref<64xi32, #tpu.memory_space<hbm>>) dst(%arg10 : memref<64xi32, #tpu.memory_space<vmem>>)
      tpu.yield
    }) : () -> ()
    "tpu.region"() ({
      %run_scoped3A = tpu.sem_alloc : memref<!tpu.dma_semaphore, #tpu.memory_space<semaphore_mem>>
      %dma_start3A_15 = tpu.memref_slice %arg4[%mul3A_2] : memref<2048xi32, #tpu.memory_space<hbm>> -> memref<64xi32, #tpu.memory_space<hbm>>
      %dma_start3A_16 = tpu.memref_slice %arg4[%mul3A_2] : memref<2048xi32, #tpu.memory_space<hbm>> -> memref<64xi32, #tpu.memory_space<hbm>>
      tpu.enqueue_dma source(%dma_start3A_16 : memref<64xi32, #tpu.memory_space<hbm>>) target(%arg11 : memref<64xi32, #tpu.memory_space<vmem>>) target_semaphore(%run_scoped3A : memref<!tpu.dma_semaphore, #tpu.memory_space<semaphore_mem>>)
      %dma_wait3A_17 = tpu.memref_slice %arg4[%mul3A_2] : memref<2048xi32, #tpu.memory_space<hbm>> -> memref<64xi32, #tpu.memory_space<hbm>>
      %dma_wait3A_18 = tpu.memref_slice %arg4[%mul3A_2] : memref<2048xi32, #tpu.memory_space<hbm>> -> memref<64xi32, #tpu.memory_space<hbm>>
      tpu.wait_dma2 semaphore(%run_scoped3A : memref<!tpu.dma_semaphore, #tpu.memory_space<semaphore_mem>>) src(%dma_wait3A_18 : memref<64xi32, #tpu.memory_space<hbm>>) dst(%arg11 : memref<64xi32, #tpu.memory_space<vmem>>)
      tpu.yield
    }) : () -> ()
    %dma_start3A = arith.constant 0 : i32
    %dma_start3A_3 = arith.constant 0 : i32
    %dma_start3A_4 = tpu.memref_slice %arg2[%dma_start3A, %dma_start3A_3] : memref<5120x768xf32, #tpu.memory_space<hbm>> -> memref<5120x768xf32, #tpu.memory_space<hbm>>
    tpu.enqueue_indirect_dma source(%dma_start3A_4 : memref<5120x768xf32, #tpu.memory_space<hbm>>) target(%arg8 : memref<64x768xf32, #tpu.memory_space<vmem>>) offsets(%arg10 : memref<64xi32, #tpu.memory_space<vmem>>) semaphore(%arg14 : memref<!tpu.dma_semaphore, #tpu.memory_space<semaphore_mem>>)
    %dma_start3A_5 = arith.constant 0 : i32
    %dma_start3A_6 = arith.constant 0 : i32
    %dma_start3A_7 = tpu.memref_slice %arg2[%dma_start3A_5, %dma_start3A_6] : memref<5120x768xf32, #tpu.memory_space<hbm>> -> memref<5120x768xf32, #tpu.memory_space<hbm>>
    tpu.enqueue_indirect_dma source(%dma_start3A_7 : memref<5120x768xf32, #tpu.memory_space<hbm>>) target(%arg9 : memref<64x768xf32, #tpu.memory_space<vmem>>) offsets(%arg11 : memref<64xi32, #tpu.memory_space<vmem>>) semaphore(%arg15 : memref<!tpu.dma_semaphore, #tpu.memory_space<semaphore_mem>>)
    "tpu.region"() ({
      %run_scoped3A = tpu.sem_alloc : memref<!tpu.dma_semaphore, #tpu.memory_space<semaphore_mem>>
      %dma_start3A_15 = arith.constant 0 : i32
      %dma_start3A_16 = tpu.memref_slice %arg5[%mul3A_2, %dma_start3A_15] : memref<2048x16xf32, #tpu.memory_space<hbm>> -> memref<64x16xf32, #tpu.memory_space<hbm>>
      %dma_start3A_17 = arith.constant 0 : i32
      %dma_start3A_18 = tpu.memref_slice %arg5[%mul3A_2, %dma_start3A_17] : memref<2048x16xf32, #tpu.memory_space<hbm>> -> memref<64x16xf32, #tpu.memory_space<hbm>>
      tpu.enqueue_dma source(%dma_start3A_18 : memref<64x16xf32, #tpu.memory_space<hbm>>) target(%arg12 : memref<64x16xf32, #tpu.memory_space<vmem>>) target_semaphore(%run_scoped3A : memref<!tpu.dma_semaphore, #tpu.memory_space<semaphore_mem>>)
      %dma_wait3A_19 = arith.constant 0 : i32
      %dma_wait3A_20 = tpu.memref_slice %arg5[%mul3A_2, %dma_wait3A_19] : memref<2048x16xf32, #tpu.memory_space<hbm>> -> memref<64x16xf32, #tpu.memory_space<hbm>>
      %dma_wait3A_21 = arith.constant 0 : i32
      %dma_wait3A_22 = tpu.memref_slice %arg5[%mul3A_2, %dma_wait3A_21] : memref<2048x16xf32, #tpu.memory_space<hbm>> -> memref<64x16xf32, #tpu.memory_space<hbm>>
      tpu.wait_dma2 semaphore(%run_scoped3A : memref<!tpu.dma_semaphore, #tpu.memory_space<semaphore_mem>>) src(%dma_wait3A_22 : memref<64x16xf32, #tpu.memory_space<hbm>>) dst(%arg12 : memref<64x16xf32, #tpu.memory_space<vmem>>)
      tpu.yield
    }) : () -> ()
    "tpu.region"() ({
      %run_scoped3A = tpu.sem_alloc : memref<!tpu.dma_semaphore, #tpu.memory_space<semaphore_mem>>
      %dma_start3A_15 = arith.constant 0 : i32
      %dma_start3A_16 = tpu.memref_slice %arg6[%mul3A_2, %dma_start3A_15] : memref<2048x16xf32, #tpu.memory_space<hbm>> -> memref<64x16xf32, #tpu.memory_space<hbm>>
      %dma_start3A_17 = arith.constant 0 : i32
      %dma_start3A_18 = tpu.memref_slice %arg6[%mul3A_2, %dma_start3A_17] : memref<2048x16xf32, #tpu.memory_space<hbm>> -> memref<64x16xf32, #tpu.memory_space<hbm>>
      tpu.enqueue_dma source(%dma_start3A_18 : memref<64x16xf32, #tpu.memory_space<hbm>>) target(%arg13 : memref<64x16xf32, #tpu.memory_space<vmem>>) target_semaphore(%run_scoped3A : memref<!tpu.dma_semaphore, #tpu.memory_space<semaphore_mem>>)
      %dma_wait3A_19 = arith.constant 0 : i32
      %dma_wait3A_20 = tpu.memref_slice %arg6[%mul3A_2, %dma_wait3A_19] : memref<2048x16xf32, #tpu.memory_space<hbm>> -> memref<64x16xf32, #tpu.memory_space<hbm>>
      %dma_wait3A_21 = arith.constant 0 : i32
      %dma_wait3A_22 = tpu.memref_slice %arg6[%mul3A_2, %dma_wait3A_21] : memref<2048x16xf32, #tpu.memory_space<hbm>> -> memref<64x16xf32, #tpu.memory_space<hbm>>
      tpu.wait_dma2 semaphore(%run_scoped3A : memref<!tpu.dma_semaphore, #tpu.memory_space<semaphore_mem>>) src(%dma_wait3A_22 : memref<64x16xf32, #tpu.memory_space<hbm>>) dst(%arg13 : memref<64x16xf32, #tpu.memory_space<vmem>>)
      tpu.yield
    }) : () -> ()
    %dma_wait3A = arith.constant 0 : i32
    %dma_wait3A_8 = arith.constant 0 : i32
    %dma_wait3A_9 = tpu.memref_slice %arg2[%dma_wait3A, %dma_wait3A_8] : memref<5120x768xf32, #tpu.memory_space<hbm>> -> memref<5120x768xf32, #tpu.memory_space<hbm>>
    tpu.wait_indirect_dma semaphore(%arg14 : memref<!tpu.dma_semaphore, #tpu.memory_space<semaphore_mem>>) src(%dma_wait3A_9 : memref<5120x768xf32, #tpu.memory_space<hbm>>) dst(%arg8 : memref<64x768xf32, #tpu.memory_space<vmem>>)
    %dma_wait3A_10 = arith.constant 0 : i32
    %dma_wait3A_11 = arith.constant 0 : i32
    %dma_wait3A_12 = tpu.memref_slice %arg2[%dma_wait3A_10, %dma_wait3A_11] : memref<5120x768xf32, #tpu.memory_space<hbm>> -> memref<5120x768xf32, #tpu.memory_space<hbm>>
    tpu.wait_indirect_dma semaphore(%arg15 : memref<!tpu.dma_semaphore, #tpu.memory_space<semaphore_mem>>) src(%dma_wait3A_12 : memref<5120x768xf32, #tpu.memory_space<hbm>>) dst(%arg9 : memref<64x768xf32, #tpu.memory_space<vmem>>)
    %parallel_loop3A = arith.constant 0 : i32
    %parallel_loop3A_13 = arith.constant 64 : i32
    %parallel_loop3A_14 = arith.constant 1 : i32
    scf.for %parallel_loop3A_15 = %parallel_loop3A to %parallel_loop3A_13 step %parallel_loop3A_14  : i32 {
      %parallel_loop3A_16 = arith.index_cast %parallel_loop3A_15 : i32 to index
      %parallel_loop3A_17 = arith.constant 0 : index
      %parallel_loop3A_18 = tpu.vector_load %arg12[%parallel_loop3A_16, %parallel_loop3A_17] {strides = array<i32>} : memref<64x16xf32, #tpu.memory_space<vmem>>, vector<1x16xf32>,
      %parallel_loop3A_19 = vector.shape_cast %parallel_loop3A_18 : vector<1x16xf32> to vector<16xf32>
      %parallel_loop3A_20 = arith.index_cast %parallel_loop3A_15 : i32 to index
      %parallel_loop3A_21 = arith.constant 0 : index
      %parallel_loop3A_22 = tpu.vector_load %arg13[%parallel_loop3A_20, %parallel_loop3A_21] {strides = array<i32>} : memref<64x16xf32, #tpu.memory_space<vmem>>, vector<1x16xf32>,
      %parallel_loop3A_23 = vector.shape_cast %parallel_loop3A_22 : vector<1x16xf32> to vector<16xf32>
      %parallel_loop3A_24 = arith.index_cast %parallel_loop3A_15 : i32 to index
      %parallel_loop3A_25 = arith.constant 0 : index
      %parallel_loop3A_26 = tpu.vector_load %arg8[%parallel_loop3A_24, %parallel_loop3A_25] {strides = array<i32>} : memref<64x768xf32, #tpu.memory_space<vmem>>, vector<1x16xf32>,
      %parallel_loop3A_27 = vector.shape_cast %parallel_loop3A_26 : vector<1x16xf32> to vector<16xf32>
      %parallel_loop3A_28 = arith.index_cast %parallel_loop3A_15 : i32 to index
      %parallel_loop3A_29 = arith.constant 0 : index
      %parallel_loop3A_30 = tpu.vector_load %arg9[%parallel_loop3A_28, %parallel_loop3A_29] {strides = array<i32>} : memref<64x768xf32, #tpu.memory_space<vmem>>, vector<1x16xf32>,
      %parallel_loop3A_31 = vector.shape_cast %parallel_loop3A_30 : vector<1x16xf32> to vector<16xf32>
      %parallel_loop3A_32 = arith.mulf %parallel_loop3A_19, %parallel_loop3A_27 : vector<16xf32>
      %parallel_loop3A_33 = arith.mulf %parallel_loop3A_23, %parallel_loop3A_31 : vector<16xf32>
      %parallel_loop3A_34 = arith.addf %parallel_loop3A_32, %parallel_loop3A_33 : vector<16xf32>
      %parallel_loop3A_35 = arith.index_cast %parallel_loop3A_15 : i32 to index
      %parallel_loop3A_36 = arith.constant 0 : index
      %parallel_loop3A_37 = tpu.vector_load %arg8[%parallel_loop3A_35, %parallel_loop3A_36] {strides = array<i32>} : memref<64x768xf32, #tpu.memory_space<vmem>>, vector<1x16xf32>,
      %parallel_loop3A_38 = vector.shape_cast %parallel_loop3A_37 : vector<1x16xf32> to vector<16xf32>
      %parallel_loop3A_39 = vector.shape_cast %parallel_loop3A_34 : vector<16xf32> to vector<1x16xf32>
      tpu.vector_store %arg8[%parallel_loop3A_35, %parallel_loop3A_36], %parallel_loop3A_39 {strides = array<i32>} : memref<64x768xf32, #tpu.memory_space<vmem>>, vector<1x16xf32>,
      %parallel_loop3A_40 = arith.index_cast %parallel_loop3A_15 : i32 to index
      %parallel_loop3A_41 = arith.constant 16 : index
      %parallel_loop3A_42 = tpu.vector_load %arg8[%parallel_loop3A_40, %parallel_loop3A_41] {strides = array<i32>} : memref<64x768xf32, #tpu.memory_space<vmem>>, vector<1x16xf32>,
      %parallel_loop3A_43 = vector.shape_cast %parallel_loop3A_42 : vector<1x16xf32> to vector<16xf32>
      %parallel_loop3A_44 = arith.index_cast %parallel_loop3A_15 : i32 to index
      %parallel_loop3A_45 = arith.constant 16 : index
      %parallel_loop3A_46 = tpu.vector_load %arg9[%parallel_loop3A_44, %parallel_loop3A_45] {strides = array<i32>} : memref<64x768xf32, #tpu.memory_space<vmem>>, vector<1x16xf32>,
      %parallel_loop3A_47 = vector.shape_cast %parallel_loop3A_46 : vector<1x16xf32> to vector<16xf32>
      %parallel_loop3A_48 = arith.mulf %parallel_loop3A_19, %parallel_loop3A_43 : vector<16xf32>
      %parallel_loop3A_49 = arith.mulf %parallel_loop3A_23, %parallel_loop3A_47 : vector<16xf32>
      %parallel_loop3A_50 = arith.addf %parallel_loop3A_48, %parallel_loop3A_49 : vector<16xf32>
      %parallel_loop3A_51 = arith.index_cast %parallel_loop3A_15 : i32 to index
      %parallel_loop3A_52 = arith.constant 16 : index
      %parallel_loop3A_53 = tpu.vector_load %arg8[%parallel_loop3A_51, %parallel_loop3A_52] {strides = array<i32>} : memref<64x768xf32, #tpu.memory_space<vmem>>, vector<1x16xf32>,
      %parallel_loop3A_54 = vector.shape_cast %parallel_loop3A_53 : vector<1x16xf32> to vector<16xf32>
      %parallel_loop3A_55 = vector.shape_cast %parallel_loop3A_50 : vector<16xf32> to vector<1x16xf32>
      tpu.vector_store %arg8[%parallel_loop3A_51, %parallel_loop3A_52], %parallel_loop3A_55 {strides = array<i32>} : memref<64x768xf32, #tpu.memory_space<vmem>>, vector<1x16xf32>,
      %parallel_loop3A_56 = arith.index_cast %parallel_loop3A_15 : i32 to index
      %parallel_loop3A_57 = arith.constant 32 : index
      %parallel_loop3A_58 = tpu.vector_load %arg8[%parallel_loop3A_56, %parallel_loop3A_57] {strides = array<i32>} : memref<64x768xf32, #tpu.memory_space<vmem>>, vector<1x16xf32>,
      %parallel_loop3A_59 = vector.shape_cast %parallel_loop3A_58 : vector<1x16xf32> to vector<16xf32>
      %parallel_loop3A_60 = arith.index_cast %parallel_loop3A_15 : i32 to index
      %parallel_loop3A_61 = arith.constant 32 : index
      %parallel_loop3A_62 = tpu.vector_load %arg9[%parallel_loop3A_60, %parallel_loop3A_61] {strides = array<i32>} : memref<64x768xf32, #tpu.memory_space<vmem>>, vector<1x16xf32>,
      %parallel_loop3A_63 = vector.shape_cast %parallel_loop3A_62 : vector<1x16xf32> to vector<16xf32>
      %parallel_loop3A_64 = arith.mulf %parallel_loop3A_19, %parallel_loop3A_59 : vector<16xf32>
      %parallel_loop3A_65 = arith.mulf %parallel_loop3A_23, %parallel_loop3A_63 : vector<16xf32>
      %parallel_loop3A_66 = arith.addf %parallel_loop3A_64, %parallel_loop3A_65 : vector<16xf32>
      %parallel_loop3A_67 = arith.index_cast %parallel_loop3A_15 : i32 to index
      %parallel_loop3A_68 = arith.constant 32 : index
      %parallel_loop3A_69 = tpu.vector_load %arg8[%parallel_loop3A_67, %parallel_loop3A_68] {strides = array<i32>} : memref<64x768xf32, #tpu.memory_space<vmem>>, vector<1x16xf32>,
      %parallel_loop3A_70 = vector.shape_cast %parallel_loop3A_69 : vector<1x16xf32> to vector<16xf32>
      %parallel_loop3A_71 = vector.shape_cast %parallel_loop3A_66 : vector<16xf32> to vector<1x16xf32>
      tpu.vector_store %arg8[%parallel_loop3A_67, %parallel_loop3A_68], %parallel_loop3A_71 {strides = array<i32>} : memref<64x768xf32, #tpu.memory_space<vmem>>, vector<1x16xf32>,
      %parallel_loop3A_72 = arith.index_cast %parallel_loop3A_15 : i32 to index
      %parallel_loop3A_73 = arith.constant 48 : index
      %parallel_loop3A_74 = tpu.vector_load %arg8[%parallel_loop3A_72, %parallel_loop3A_73] {strides = array<i32>} : memref<64x768xf32, #tpu.memory_space<vmem>>, vector<1x16xf32>,
      %parallel_loop3A_75 = vector.shape_cast %parallel_loop3A_74 : vector<1x16xf32> to vector<16xf32>
      %parallel_loop3A_76 = arith.index_cast %parallel_loop3A_15 : i32 to index
      %parallel_loop3A_77 = arith.constant 48 : index
      %parallel_loop3A_78 = tpu.vector_load %arg9[%parallel_loop3A_76, %parallel_loop3A_77] {strides = array<i32>} : memref<64x768xf32, #tpu.memory_space<vmem>>, vector<1x16xf32>,
      %parallel_loop3A_79 = vector.shape_cast %parallel_loop3A_78 : vector<1x16xf32> to vector<16xf32>
      %parallel_loop3A_80 = arith.mulf %parallel_loop3A_19, %parallel_loop3A_75 : vector<16xf32>
      %parallel_loop3A_81 = arith.mulf %parallel_loop3A_23, %parallel_loop3A_79 : vector<16xf32>
      %parallel_loop3A_82 = arith.addf %parallel_loop3A_80, %parallel_loop3A_81 : vector<16xf32>
      %parallel_loop3A_83 = arith.index_cast %parallel_loop3A_15 : i32 to index
      %parallel_loop3A_84 = arith.constant 48 : index
      %parallel_loop3A_85 = tpu.vector_load %arg8[%parallel_loop3A_83, %parallel_loop3A_84] {strides = array<i32>} : memref<64x768xf32, #tpu.memory_space<vmem>>, vector<1x16xf32>,
      %parallel_loop3A_86 = vector.shape_cast %parallel_loop3A_85 : vector<1x16xf32> to vector<16xf32>
      %parallel_loop3A_87 = vector.shape_cast %parallel_loop3A_82 : vector<16xf32> to vector<1x16xf32>
      tpu.vector_store %arg8[%parallel_loop3A_83, %parallel_loop3A_84], %parallel_loop3A_87 {strides = array<i32>} : memref<64x768xf32, #tpu.memory_space<vmem>>, vector<1x16xf32>,
      %parallel_loop3A_88 = arith.index_cast %parallel_loop3A_15 : i32 to index
      %parallel_loop3A_89 = arith.constant 64 : index
      %parallel_loop3A_90 = tpu.vector_load %arg8[%parallel_loop3A_88, %parallel_loop3A_89] {strides = array<i32>} : memref<64x768xf32, #tpu.memory_space<vmem>>, vector<1x16xf32>,
      %parallel_loop3A_91 = vector.shape_cast %parallel_loop3A_90 : vector<1x16xf32> to vector<16xf32>
      %parallel_loop3A_92 = arith.index_cast %parallel_loop3A_15 : i32 to index
      %parallel_loop3A_93 = arith.constant 64 : index
      %parallel_loop3A_94 = tpu.vector_load %arg9[%parallel_loop3A_92, %parallel_loop3A_93] {strides = array<i32>} : memref<64x768xf32, #tpu.memory_space<vmem>>, vector<1x16xf32>,
      %parallel_loop3A_95 = vector.shape_cast %parallel_loop3A_94 : vector<1x16xf32> to vector<16xf32>
      %parallel_loop3A_96 = arith.mulf %parallel_loop3A_19, %parallel_loop3A_91 : vector<16xf32>
      %parallel_loop3A_97 = arith.mulf %parallel_loop3A_23, %parallel_loop3A_95 : vector<16xf32>
      %parallel_loop3A_98 = arith.addf %parallel_loop3A_96, %parallel_loop3A_97 : vector<16xf32>
      %parallel_loop3A_99 = arith.index_cast %parallel_loop3A_15 : i32 to index
      %parallel_loop3A_100 = arith.constant 64 : index
      %parallel_loop3A_101 = tpu.vector_load %arg8[%parallel_loop3A_99, %parallel_loop3A_100] {strides = array<i32>} : memref<64x768xf32, #tpu.memory_space<vmem>>, vector<1x16xf32>,
      %parallel_loop3A_102 = vector.shape_cast %parallel_loop3A_101 : vector<1x16xf32> to vector<16xf32>
      %parallel_loop3A_103 = vector.shape_cast %parallel_loop3A_98 : vector<16xf32> to vector<1x16xf32>
      tpu.vector_store %arg8[%parallel_loop3A_99, %parallel_loop3A_100], %parallel_loop3A_103 {strides = array<i32>} : memref<64x768xf32, #tpu.memory_space<vmem>>, vector<1x16xf32>,
      %parallel_loop3A_104 = arith.index_cast %parallel_loop3A_15 : i32 to index
      %parallel_loop3A_105 = arith.constant 80 : index
      %parallel_loop3A_106 = tpu.vector_load %arg8[%parallel_loop3A_104, %parallel_loop3A_105] {strides = array<i32>} : memref<64x768xf32, #tpu.memory_space<vmem>>, vector<1x16xf32>,
      %parallel_loop3A_107 = vector.shape_cast %parallel_loop3A_106 : vector<1x16xf32> to vector<16xf32>
      %parallel_loop3A_108 = arith.index_cast %parallel_loop3A_15 : i32 to index
      %parallel_loop3A_109 = arith.constant 80 : index
      %parallel_loop3A_110 = tpu.vector_load %arg9[%parallel_loop3A_108, %parallel_loop3A_109] {strides = array<i32>} : memref<64x768xf32, #tpu.memory_space<vmem>>, vector<1x16xf32>,
      %parallel_loop3A_111 = vector.shape_cast %parallel_loop3A_110 : vector<1x16xf32> to vector<16xf32>
      %parallel_loop3A_112 = arith.mulf %parallel_loop3A_19, %parallel_loop3A_107 : vector<16xf32>
      %parallel_loop3A_113 = arith.mulf %parallel_loop3A_23, %parallel_loop3A_111 : vector<16xf32>
      %parallel_loop3A_114 = arith.addf %parallel_loop3A_112, %parallel_loop3A_113 : vector<16xf32>
      %parallel_loop3A_115 = arith.index_cast %parallel_loop3A_15 : i32 to index
      %parallel_loop3A_116 = arith.constant 80 : index
      %parallel_loop3A_117 = tpu.vector_load %arg8[%parallel_loop3A_115, %parallel_loop3A_116] {strides = array<i32>} : memref<64x768xf32, #tpu.memory_space<vmem>>, vector<1x16xf32>,
      %parallel_loop3A_118 = vector.shape_cast %parallel_loop3A_117 : vector<1x16xf32> to vector<16xf32>
      %parallel_loop3A_119 = vector.shape_cast %parallel_loop3A_114 : vector<16xf32> to vector<1x16xf32>
      tpu.vector_store %arg8[%parallel_loop3A_115, %parallel_loop3A_116], %parallel_loop3A_119 {strides = array<i32>} : memref<64x768xf32, #tpu.memory_space<vmem>>, vector<1x16xf32>,
      %parallel_loop3A_120 = arith.index_cast %parallel_loop3A_15 : i32 to index
      %parallel_loop3A_121 = arith.constant 96 : index
      %parallel_loop3A_122 = tpu.vector_load %arg8[%parallel_loop3A_120, %parallel_loop3A_121] {strides = array<i32>} : memref<64x768xf32, #tpu.memory_space<vmem>>, vector<1x16xf32>,
      %parallel_loop3A_123 = vector.shape_cast %parallel_loop3A_122 : vector<1x16xf32> to vector<16xf32>
      %parallel_loop3A_124 = arith.index_cast %parallel_loop3A_15 : i32 to index
      %parallel_loop3A_125 = arith.constant 96 : index
      %parallel_loop3A_126 = tpu.vector_load %arg9[%parallel_loop3A_124, %parallel_loop3A_125] {strides = array<i32>} : memref<64x768xf32, #tpu.memory_space<vmem>>, vector<1x16xf32>,
      %parallel_loop3A_127 = vector.shape_cast %parallel_loop3A_126 : vector<1x16xf32> to vector<16xf32>
      %parallel_loop3A_128 = arith.mulf %parallel_loop3A_19, %parallel_loop3A_123 : vector<16xf32>
      %parallel_loop3A_129 = arith.mulf %parallel_loop3A_23, %parallel_loop3A_127 : vector<16xf32>
      %parallel_loop3A_130 = arith.addf %parallel_loop3A_128, %parallel_loop3A_129 : vector<16xf32>
      %parallel_loop3A_131 = arith.index_cast %parallel_loop3A_15 : i32 to index
      %parallel_loop3A_132 = arith.constant 96 : index
      %parallel_loop3A_133 = tpu.vector_load %arg8[%parallel_loop3A_131, %parallel_loop3A_132] {strides = array<i32>} : memref<64x768xf32, #tpu.memory_space<vmem>>, vector<1x16xf32>,
      %parallel_loop3A_134 = vector.shape_cast %parallel_loop3A_133 : vector<1x16xf32> to vector<16xf32>
      %parallel_loop3A_135 = vector.shape_cast %parallel_loop3A_130 : vector<16xf32> to vector<1x16xf32>
      tpu.vector_store %arg8[%parallel_loop3A_131, %parallel_loop3A_132], %parallel_loop3A_135 {strides = array<i32>} : memref<64x768xf32, #tpu.memory_space<vmem>>, vector<1x16xf32>,
      %parallel_loop3A_136 = arith.index_cast %parallel_loop3A_15 : i32 to index
      %parallel_loop3A_137 = arith.constant 112 : index
      %parallel_loop3A_138 = tpu.vector_load %arg8[%parallel_loop3A_136, %parallel_loop3A_137] {strides = array<i32>} : memref<64x768xf32, #tpu.memory_space<vmem>>, vector<1x16xf32>,
      %parallel_loop3A_139 = vector.shape_cast %parallel_loop3A_138 : vector<1x16xf32> to vector<16xf32>
      %parallel_loop3A_140 = arith.index_cast %parallel_loop3A_15 : i32 to index
      %parallel_loop3A_141 = arith.constant 112 : index
      %parallel_loop3A_142 = tpu.vector_load %arg9[%parallel_loop3A_140, %parallel_loop3A_141] {strides = array<i32>} : memref<64x768xf32, #tpu.memory_space<vmem>>, vector<1x16xf32>,
      %parallel_loop3A_143 = vector.shape_cast %parallel_loop3A_142 : vector<1x16xf32> to vector<16xf32>
      %parallel_loop3A_144 = arith.mulf %parallel_loop3A_19, %parallel_loop3A_139 : vector<16xf32>
      %parallel_loop3A_145 = arith.mulf %parallel_loop3A_23, %parallel_loop3A_143 : vector<16xf32>
      %parallel_loop3A_146 = arith.addf %parallel_loop3A_144, %parallel_loop3A_145 : vector<16xf32>
      %parallel_loop3A_147 = arith.index_cast %parallel_loop3A_15 : i32 to index
      %parallel_loop3A_148 = arith.constant 112 : index
      %parallel_loop3A_149 = tpu.vector_load %arg8[%parallel_loop3A_147, %parallel_loop3A_148] {strides = array<i32>} : memref<64x768xf32, #tpu.memory_space<vmem>>, vector<1x16xf32>,
      %parallel_loop3A_150 = vector.shape_cast %parallel_loop3A_149 : vector<1x16xf32> to vector<16xf32>
      %parallel_loop3A_151 = vector.shape_cast %parallel_loop3A_146 : vector<16xf32> to vector<1x16xf32>
      tpu.vector_store %arg8[%parallel_loop3A_147, %parallel_loop3A_148], %parallel_loop3A_151 {strides = array<i32>} : memref<64x768xf32, #tpu.memory_space<vmem>>, vector<1x16xf32>,
      %parallel_loop3A_152 = arith.index_cast %parallel_loop3A_15 : i32 to index
      %parallel_loop3A_153 = arith.constant 128 : index
      %parallel_loop3A_154 = tpu.vector_load %arg8[%parallel_loop3A_152, %parallel_loop3A_153] {strides = array<i32>} : memref<64x768xf32, #tpu.memory_space<vmem>>, vector<1x16xf32>,
      %parallel_loop3A_155 = vector.shape_cast %parallel_loop3A_154 : vector<1x16xf32> to vector<16xf32>
      %parallel_loop3A_156 = arith.index_cast %parallel_loop3A_15 : i32 to index
      %parallel_loop3A_157 = arith.constant 128 : index
      %parallel_loop3A_158 = tpu.vector_load %arg9[%parallel_loop3A_156, %parallel_loop3A_157] {strides = array<i32>} : memref<64x768xf32, #tpu.memory_space<vmem>>, vector<1x16xf32>,
      %parallel_loop3A_159 = vector.shape_cast %parallel_loop3A_158 : vector<1x16xf32> to vector<16xf32>
      %parallel_loop3A_160 = arith.mulf %parallel_loop3A_19, %parallel_loop3A_155 : vector<16xf32>
      %parallel_loop3A_161 = arith.mulf %parallel_loop3A_23, %parallel_loop3A_159 : vector<16xf32>
      %parallel_loop3A_162 = arith.addf %parallel_loop3A_160, %parallel_loop3A_161 : vector<16xf32>
      %parallel_loop3A_163 = arith.index_cast %parallel_loop3A_15 : i32 to index
      %parallel_loop3A_164 = arith.constant 128 : index
      %parallel_loop3A_165 = tpu.vector_load %arg8[%parallel_loop3A_163, %parallel_loop3A_164] {strides = array<i32>} : memref<64x768xf32, #tpu.memory_space<vmem>>, vector<1x16xf32>,
      %parallel_loop3A_166 = vector.shape_cast %parallel_loop3A_165 : vector<1x16xf32> to vector<16xf32>
      %parallel_loop3A_167 = vector.shape_cast %parallel_loop3A_162 : vector<16xf32> to vector<1x16xf32>
      tpu.vector_store %arg8[%parallel_loop3A_163, %parallel_loop3A_164], %parallel_loop3A_167 {strides = array<i32>} : memref<64x768xf32, #tpu.memory_space<vmem>>, vector<1x16xf32>,
      %parallel_loop3A_168 = arith.index_cast %parallel_loop3A_15 : i32 to index
      %parallel_loop3A_169 = arith.constant 144 : index
      %parallel_loop3A_170 = tpu.vector_load %arg8[%parallel_loop3A_168, %parallel_loop3A_169] {strides = array<i32>} : memref<64x768xf32, #tpu.memory_space<vmem>>, vector<1x16xf32>,
      %parallel_loop3A_171 = vector.shape_cast %parallel_loop3A_170 : vector<1x16xf32> to vector<16xf32>
      %parallel_loop3A_172 = arith.index_cast %parallel_loop3A_15 : i32 to index
      %parallel_loop3A_173 = arith.constant 144 : index
      %parallel_loop3A_174 = tpu.vector_load %arg9[%parallel_loop3A_172, %parallel_loop3A_173] {strides = array<i32>} : memref<64x768xf32, #tpu.memory_space<vmem>>, vector<1x16xf32>,
      %parallel_loop3A_175 = vector.shape_cast %parallel_loop3A_174 : vector<1x16xf32> to vector<16xf32>
      %parallel_loop3A_176 = arith.mulf %parallel_loop3A_19, %parallel_loop3A_171 : vector<16xf32>
      %parallel_loop3A_177 = arith.mulf %parallel_loop3A_23, %parallel_loop3A_175 : vector<16xf32>
      %parallel_loop3A_178 = arith.addf %parallel_loop3A_176, %parallel_loop3A_177 : vector<16xf32>
      %parallel_loop3A_179 = arith.index_cast %parallel_loop3A_15 : i32 to index
      %parallel_loop3A_180 = arith.constant 144 : index
      %parallel_loop3A_181 = tpu.vector_load %arg8[%parallel_loop3A_179, %parallel_loop3A_180] {strides = array<i32>} : memref<64x768xf32, #tpu.memory_space<vmem>>, vector<1x16xf32>,
      %parallel_loop3A_182 = vector.shape_cast %parallel_loop3A_181 : vector<1x16xf32> to vector<16xf32>
      %parallel_loop3A_183 = vector.shape_cast %parallel_loop3A_178 : vector<16xf32> to vector<1x16xf32>
      tpu.vector_store %arg8[%parallel_loop3A_179, %parallel_loop3A_180], %parallel_loop3A_183 {strides = array<i32>} : memref<64x768xf32, #tpu.memory_space<vmem>>, vector<1x16xf32>,
      %parallel_loop3A_184 = arith.index_cast %parallel_loop3A_15 : i32 to index
      %parallel_loop3A_185 = arith.constant 160 : index
      %parallel_loop3A_186 = tpu.vector_load %arg8[%parallel_loop3A_184, %parallel_loop3A_185] {strides = array<i32>} : memref<64x768xf32, #tpu.memory_space<vmem>>, vector<1x16xf32>,
      %parallel_loop3A_187 = vector.shape_cast %parallel_loop3A_186 : vector<1x16xf32> to vector<16xf32>
      %parallel_loop3A_188 = arith.index_cast %parallel_loop3A_15 : i32 to index
      %parallel_loop3A_189 = arith.constant 160 : index
      %parallel_loop3A_190 = tpu.vector_load %arg9[%parallel_loop3A_188, %parallel_loop3A_189] {strides = array<i32>} : memref<64x768xf32, #tpu.memory_space<vmem>>, vector<1x16xf32>,
      %parallel_loop3A_191 = vector.shape_cast %parallel_loop3A_190 : vector<1x16xf32> to vector<16xf32>
      %parallel_loop3A_192 = arith.mulf %parallel_loop3A_19, %parallel_loop3A_187 : vector<16xf32>
      %parallel_loop3A_193 = arith.mulf %parallel_loop3A_23, %parallel_loop3A_191 : vector<16xf32>
      %parallel_loop3A_194 = arith.addf %parallel_loop3A_192, %parallel_loop3A_193 : vector<16xf32>
      %parallel_loop3A_195 = arith.index_cast %parallel_loop3A_15 : i32 to index
      %parallel_loop3A_196 = arith.constant 160 : index
      %parallel_loop3A_197 = tpu.vector_load %arg8[%parallel_loop3A_195, %parallel_loop3A_196] {strides = array<i32>} : memref<64x768xf32, #tpu.memory_space<vmem>>, vector<1x16xf32>,
      %parallel_loop3A_198 = vector.shape_cast %parallel_loop3A_197 : vector<1x16xf32> to vector<16xf32>
      %parallel_loop3A_199 = vector.shape_cast %parallel_loop3A_194 : vector<16xf32> to vector<1x16xf32>
      tpu.vector_store %arg8[%parallel_loop3A_195, %parallel_loop3A_196], %parallel_loop3A_199 {strides = array<i32>} : memref<64x768xf32, #tpu.memory_space<vmem>>, vector<1x16xf32>,
      %parallel_loop3A_200 = arith.index_cast %parallel_loop3A_15 : i32 to index
      %parallel_loop3A_201 = arith.constant 176 : index
      %parallel_loop3A_202 = tpu.vector_load %arg8[%parallel_loop3A_200, %parallel_loop3A_201] {strides = array<i32>} : memref<64x768xf32, #tpu.memory_space<vmem>>, vector<1x16xf32>,
      %parallel_loop3A_203 = vector.shape_cast %parallel_loop3A_202 : vector<1x16xf32> to vector<16xf32>
      %parallel_loop3A_204 = arith.index_cast %parallel_loop3A_15 : i32 to index
      %parallel_loop3A_205 = arith.constant 176 : index
      %parallel_loop3A_206 = tpu.vector_load %arg9[%parallel_loop3A_204, %parallel_loop3A_205] {strides = array<i32>} : memref<64x768xf32, #tpu.memory_space<vmem>>, vector<1x16xf32>,
      %parallel_loop3A_207 = vector.shape_cast %parallel_loop3A_206 : vector<1x16xf32> to vector<16xf32>
      %parallel_loop3A_208 = arith.mulf %parallel_loop3A_19, %parallel_loop3A_203 : vector<16xf32>
      %parallel_loop3A_209 = arith.mulf %parallel_loop3A_23, %parallel_loop3A_207 : vector<16xf32>
      %parallel_loop3A_210 = arith.addf %parallel_loop3A_208, %parallel_loop3A_209 : vector<16xf32>
      %parallel_loop3A_211 = arith.index_cast %parallel_loop3A_15 : i32 to index
      %parallel_loop3A_212 = arith.constant 176 : index
      %parallel_loop3A_213 = tpu.vector_load %arg8[%parallel_loop3A_211, %parallel_loop3A_212] {strides = array<i32>} : memref<64x768xf32, #tpu.memory_space<vmem>>, vector<1x16xf32>,
      %parallel_loop3A_214 = vector.shape_cast %parallel_loop3A_213 : vector<1x16xf32> to vector<16xf32>
      %parallel_loop3A_215 = vector.shape_cast %parallel_loop3A_210 : vector<16xf32> to vector<1x16xf32>
      tpu.vector_store %arg8[%parallel_loop3A_211, %parallel_loop3A_212], %parallel_loop3A_215 {strides = array<i32>} : memref<64x768xf32, #tpu.memory_space<vmem>>, vector<1x16xf32>,
      %parallel_loop3A_216 = arith.index_cast %parallel_loop3A_15 : i32 to index
      %parallel_loop3A_217 = arith.constant 192 : index
      %parallel_loop3A_218 = tpu.vector_load %arg8[%parallel_loop3A_216, %parallel_loop3A_217] {strides = array<i32>} : memref<64x768xf32, #tpu.memory_space<vmem>>, vector<1x16xf32>,
      %parallel_loop3A_219 = vector.shape_cast %parallel_loop3A_218 : vector<1x16xf32> to vector<16xf32>
      %parallel_loop3A_220 = arith.index_cast %parallel_loop3A_15 : i32 to index
      %parallel_loop3A_221 = arith.constant 192 : index
      %parallel_loop3A_222 = tpu.vector_load %arg9[%parallel_loop3A_220, %parallel_loop3A_221] {strides = array<i32>} : memref<64x768xf32, #tpu.memory_space<vmem>>, vector<1x16xf32>,
      %parallel_loop3A_223 = vector.shape_cast %parallel_loop3A_222 : vector<1x16xf32> to vector<16xf32>
      %parallel_loop3A_224 = arith.mulf %parallel_loop3A_19, %parallel_loop3A_219 : vector<16xf32>
      %parallel_loop3A_225 = arith.mulf %parallel_loop3A_23, %parallel_loop3A_223 : vector<16xf32>
      %parallel_loop3A_226 = arith.addf %parallel_loop3A_224, %parallel_loop3A_225 : vector<16xf32>
      %parallel_loop3A_227 = arith.index_cast %parallel_loop3A_15 : i32 to index
      %parallel_loop3A_228 = arith.constant 192 : index
      %parallel_loop3A_229 = tpu.vector_load %arg8[%parallel_loop3A_227, %parallel_loop3A_228] {strides = array<i32>} : memref<64x768xf32, #tpu.memory_space<vmem>>, vector<1x16xf32>,
      %parallel_loop3A_230 = vector.shape_cast %parallel_loop3A_229 : vector<1x16xf32> to vector<16xf32>
      %parallel_loop3A_231 = vector.shape_cast %parallel_loop3A_226 : vector<16xf32> to vector<1x16xf32>
      tpu.vector_store %arg8[%parallel_loop3A_227, %parallel_loop3A_228], %parallel_loop3A_231 {strides = array<i32>} : memref<64x768xf32, #tpu.memory_space<vmem>>, vector<1x16xf32>,
      %parallel_loop3A_232 = arith.index_cast %parallel_loop3A_15 : i32 to index
      %parallel_loop3A_233 = arith.constant 208 : index
      %parallel_loop3A_234 = tpu.vector_load %arg8[%parallel_loop3A_232, %parallel_loop3A_233] {strides = array<i32>} : memref<64x768xf32, #tpu.memory_space<vmem>>, vector<1x16xf32>,
      %parallel_loop3A_235 = vector.shape_cast %parallel_loop3A_234 : vector<1x16xf32> to vector<16xf32>
      %parallel_loop3A_236 = arith.index_cast %parallel_loop3A_15 : i32 to index
      %parallel_loop3A_237 = arith.constant 208 : index
      %parallel_loop3A_238 = tpu.vector_load %arg9[%parallel_loop3A_236, %parallel_loop3A_237] {strides = array<i32>} : memref<64x768xf32, #tpu.memory_space<vmem>>, vector<1x16xf32>,
      %parallel_loop3A_239 = vector.shape_cast %parallel_loop3A_238 : vector<1x16xf32> to vector<16xf32>
      %parallel_loop3A_240 = arith.mulf %parallel_loop3A_19, %parallel_loop3A_235 : vector<16xf32>
      %parallel_loop3A_241 = arith.mulf %parallel_loop3A_23, %parallel_loop3A_239 : vector<16xf32>
      %parallel_loop3A_242 = arith.addf %parallel_loop3A_240, %parallel_loop3A_241 : vector<16xf32>
      %parallel_loop3A_243 = arith.index_cast %parallel_loop3A_15 : i32 to index
      %parallel_loop3A_244 = arith.constant 208 : index
      %parallel_loop3A_245 = tpu.vector_load %arg8[%parallel_loop3A_243, %parallel_loop3A_244] {strides = array<i32>} : memref<64x768xf32, #tpu.memory_space<vmem>>, vector<1x16xf32>,
      %parallel_loop3A_246 = vector.shape_cast %parallel_loop3A_245 : vector<1x16xf32> to vector<16xf32>
      %parallel_loop3A_247 = vector.shape_cast %parallel_loop3A_242 : vector<16xf32> to vector<1x16xf32>
      tpu.vector_store %arg8[%parallel_loop3A_243, %parallel_loop3A_244], %parallel_loop3A_247 {strides = array<i32>} : memref<64x768xf32, #tpu.memory_space<vmem>>, vector<1x16xf32>,
      %parallel_loop3A_248 = arith.index_cast %parallel_loop3A_15 : i32 to index
      %parallel_loop3A_249 = arith.constant 224 : index
      %parallel_loop3A_250 = tpu.vector_load %arg8[%parallel_loop3A_248, %parallel_loop3A_249] {strides = array<i32>} : memref<64x768xf32, #tpu.memory_space<vmem>>, vector<1x16xf32>,
      %parallel_loop3A_251 = vector.shape_cast %parallel_loop3A_250 : vector<1x16xf32> to vector<16xf32>
      %parallel_loop3A_252 = arith.index_cast %parallel_loop3A_15 : i32 to index
      %parallel_loop3A_253 = arith.constant 224 : index
      %parallel_loop3A_254 = tpu.vector_load %arg9[%parallel_loop3A_252, %parallel_loop3A_253] {strides = array<i32>} : memref<64x768xf32, #tpu.memory_space<vmem>>, vector<1x16xf32>,
      %parallel_loop3A_255 = vector.shape_cast %parallel_loop3A_254 : vector<1x16xf32> to vector<16xf32>
      %parallel_loop3A_256 = arith.mulf %parallel_loop3A_19, %parallel_loop3A_251 : vector<16xf32>
      %parallel_loop3A_257 = arith.mulf %parallel_loop3A_23, %parallel_loop3A_255 : vector<16xf32>
      %parallel_loop3A_258 = arith.addf %parallel_loop3A_256, %parallel_loop3A_257 : vector<16xf32>
      %parallel_loop3A_259 = arith.index_cast %parallel_loop3A_15 : i32 to index
      %parallel_loop3A_260 = arith.constant 224 : index
      %parallel_loop3A_261 = tpu.vector_load %arg8[%parallel_loop3A_259, %parallel_loop3A_260] {strides = array<i32>} : memref<64x768xf32, #tpu.memory_space<vmem>>, vector<1x16xf32>,
      %parallel_loop3A_262 = vector.shape_cast %parallel_loop3A_261 : vector<1x16xf32> to vector<16xf32>
      %parallel_loop3A_263 = vector.shape_cast %parallel_loop3A_258 : vector<16xf32> to vector<1x16xf32>
      tpu.vector_store %arg8[%parallel_loop3A_259, %parallel_loop3A_260], %parallel_loop3A_263 {strides = array<i32>} : memref<64x768xf32, #tpu.memory_space<vmem>>, vector<1x16xf32>,
      %parallel_loop3A_264 = arith.index_cast %parallel_loop3A_15 : i32 to index
      %parallel_loop3A_265 = arith.constant 240 : index
      %parallel_loop3A_266 = tpu.vector_load %arg8[%parallel_loop3A_264, %parallel_loop3A_265] {strides = array<i32>} : memref<64x768xf32, #tpu.memory_space<vmem>>, vector<1x16xf32>,
      %parallel_loop3A_267 = vector.shape_cast %parallel_loop3A_266 : vector<1x16xf32> to vector<16xf32>
      %parallel_loop3A_268 = arith.index_cast %parallel_loop3A_15 : i32 to index
      %parallel_loop3A_269 = arith.constant 240 : index
      %parallel_loop3A_270 = tpu.vector_load %arg9[%parallel_loop3A_268, %parallel_loop3A_269] {strides = array<i32>} : memref<64x768xf32, #tpu.memory_space<vmem>>, vector<1x16xf32>,
      %parallel_loop3A_271 = vector.shape_cast %parallel_loop3A_270 : vector<1x16xf32> to vector<16xf32>
      %parallel_loop3A_272 = arith.mulf %parallel_loop3A_19, %parallel_loop3A_267 : vector<16xf32>
      %parallel_loop3A_273 = arith.mulf %parallel_loop3A_23, %parallel_loop3A_271 : vector<16xf32>
      %parallel_loop3A_274 = arith.addf %parallel_loop3A_272, %parallel_loop3A_273 : vector<16xf32>
      %parallel_loop3A_275 = arith.index_cast %parallel_loop3A_15 : i32 to index
      %parallel_loop3A_276 = arith.constant 240 : index
      %parallel_loop3A_277 = tpu.vector_load %arg8[%parallel_loop3A_275, %parallel_loop3A_276] {strides = array<i32>} : memref<64x768xf32, #tpu.memory_space<vmem>>, vector<1x16xf32>,
      %parallel_loop3A_278 = vector.shape_cast %parallel_loop3A_277 : vector<1x16xf32> to vector<16xf32>
      %parallel_loop3A_279 = vector.shape_cast %parallel_loop3A_274 : vector<16xf32> to vector<1x16xf32>
      tpu.vector_store %arg8[%parallel_loop3A_275, %parallel_loop3A_276], %parallel_loop3A_279 {strides = array<i32>} : memref<64x768xf32, #tpu.memory_space<vmem>>, vector<1x16xf32>,
      %parallel_loop3A_280 = arith.index_cast %parallel_loop3A_15 : i32 to index
      %parallel_loop3A_281 = arith.constant 256 : index
      %parallel_loop3A_282 = tpu.vector_load %arg8[%parallel_loop3A_280, %parallel_loop3A_281] {strides = array<i32>} : memref<64x768xf32, #tpu.memory_space<vmem>>, vector<1x16xf32>,
      %parallel_loop3A_283 = vector.shape_cast %parallel_loop3A_282 : vector<1x16xf32> to vector<16xf32>
      %parallel_loop3A_284 = arith.index_cast %parallel_loop3A_15 : i32 to index
      %parallel_loop3A_285 = arith.constant 256 : index
      %parallel_loop3A_286 = tpu.vector_load %arg9[%parallel_loop3A_284, %parallel_loop3A_285] {strides = array<i32>} : memref<64x768xf32, #tpu.memory_space<vmem>>, vector<1x16xf32>,
      %parallel_loop3A_287 = vector.shape_cast %parallel_loop3A_286 : vector<1x16xf32> to vector<16xf32>
      %parallel_loop3A_288 = arith.mulf %parallel_loop3A_19, %parallel_loop3A_283 : vector<16xf32>
      %parallel_loop3A_289 = arith.mulf %parallel_loop3A_23, %parallel_loop3A_287 : vector<16xf32>
      %parallel_loop3A_290 = arith.addf %parallel_loop3A_288, %parallel_loop3A_289 : vector<16xf32>
      %parallel_loop3A_291 = arith.index_cast %parallel_loop3A_15 : i32 to index
      %parallel_loop3A_292 = arith.constant 256 : index
      %parallel_loop3A_293 = tpu.vector_load %arg8[%parallel_loop3A_291, %parallel_loop3A_292] {strides = array<i32>} : memref<64x768xf32, #tpu.memory_space<vmem>>, vector<1x16xf32>,
      %parallel_loop3A_294 = vector.shape_cast %parallel_loop3A_293 : vector<1x16xf32> to vector<16xf32>
      %parallel_loop3A_295 = vector.shape_cast %parallel_loop3A_290 : vector<16xf32> to vector<1x16xf32>
      tpu.vector_store %arg8[%parallel_loop3A_291, %parallel_loop3A_292], %parallel_loop3A_295 {strides = array<i32>} : memref<64x768xf32, #tpu.memory_space<vmem>>, vector<1x16xf32>,
      %parallel_loop3A_296 = arith.index_cast %parallel_loop3A_15 : i32 to index
      %parallel_loop3A_297 = arith.constant 272 : index
      %parallel_loop3A_298 = tpu.vector_load %arg8[%parallel_loop3A_296, %parallel_loop3A_297] {strides = array<i32>} : memref<64x768xf32, #tpu.memory_space<vmem>>, vector<1x16xf32>,
      %parallel_loop3A_299 = vector.shape_cast %parallel_loop3A_298 : vector<1x16xf32> to vector<16xf32>
      %parallel_loop3A_300 = arith.index_cast %parallel_loop3A_15 : i32 to index
      %parallel_loop3A_301 = arith.constant 272 : index
      %parallel_loop3A_302 = tpu.vector_load %arg9[%parallel_loop3A_300, %parallel_loop3A_301] {strides = array<i32>} : memref<64x768xf32, #tpu.memory_space<vmem>>, vector<1x16xf32>,
      %parallel_loop3A_303 = vector.shape_cast %parallel_loop3A_302 : vector<1x16xf32> to vector<16xf32>
      %parallel_loop3A_304 = arith.mulf %parallel_loop3A_19, %parallel_loop3A_299 : vector<16xf32>
      %parallel_loop3A_305 = arith.mulf %parallel_loop3A_23, %parallel_loop3A_303 : vector<16xf32>
      %parallel_loop3A_306 = arith.addf %parallel_loop3A_304, %parallel_loop3A_305 : vector<16xf32>
      %parallel_loop3A_307 = arith.index_cast %parallel_loop3A_15 : i32 to index
      %parallel_loop3A_308 = arith.constant 272 : index
      %parallel_loop3A_309 = tpu.vector_load %arg8[%parallel_loop3A_307, %parallel_loop3A_308] {strides = array<i32>} : memref<64x768xf32, #tpu.memory_space<vmem>>, vector<1x16xf32>,
      %parallel_loop3A_310 = vector.shape_cast %parallel_loop3A_309 : vector<1x16xf32> to vector<16xf32>
      %parallel_loop3A_311 = vector.shape_cast %parallel_loop3A_306 : vector<16xf32> to vector<1x16xf32>
      tpu.vector_store %arg8[%parallel_loop3A_307, %parallel_loop3A_308], %parallel_loop3A_311 {strides = array<i32>} : memref<64x768xf32, #tpu.memory_space<vmem>>, vector<1x16xf32>,
      %parallel_loop3A_312 = arith.index_cast %parallel_loop3A_15 : i32 to index
      %parallel_loop3A_313 = arith.constant 288 : index
      %parallel_loop3A_314 = tpu.vector_load %arg8[%parallel_loop3A_312, %parallel_loop3A_313] {strides = array<i32>} : memref<64x768xf32, #tpu.memory_space<vmem>>, vector<1x16xf32>,
      %parallel_loop3A_315 = vector.shape_cast %parallel_loop3A_314 : vector<1x16xf32> to vector<16xf32>
      %parallel_loop3A_316 = arith.index_cast %parallel_loop3A_15 : i32 to index
      %parallel_loop3A_317 = arith.constant 288 : index
      %parallel_loop3A_318 = tpu.vector_load %arg9[%parallel_loop3A_316, %parallel_loop3A_317] {strides = array<i32>} : memref<64x768xf32, #tpu.memory_space<vmem>>, vector<1x16xf32>,
      %parallel_loop3A_319 = vector.shape_cast %parallel_loop3A_318 : vector<1x16xf32> to vector<16xf32>
      %parallel_loop3A_320 = arith.mulf %parallel_loop3A_19, %parallel_loop3A_315 : vector<16xf32>
      %parallel_loop3A_321 = arith.mulf %parallel_loop3A_23, %parallel_loop3A_319 : vector<16xf32>
      %parallel_loop3A_322 = arith.addf %parallel_loop3A_320, %parallel_loop3A_321 : vector<16xf32>
      %parallel_loop3A_323 = arith.index_cast %parallel_loop3A_15 : i32 to index
      %parallel_loop3A_324 = arith.constant 288 : index
      %parallel_loop3A_325 = tpu.vector_load %arg8[%parallel_loop3A_323, %parallel_loop3A_324] {strides = array<i32>} : memref<64x768xf32, #tpu.memory_space<vmem>>, vector<1x16xf32>,
      %parallel_loop3A_326 = vector.shape_cast %parallel_loop3A_325 : vector<1x16xf32> to vector<16xf32>
      %parallel_loop3A_327 = vector.shape_cast %parallel_loop3A_322 : vector<16xf32> to vector<1x16xf32>
      tpu.vector_store %arg8[%parallel_loop3A_323, %parallel_loop3A_324], %parallel_loop3A_327 {strides = array<i32>} : memref<64x768xf32, #tpu.memory_space<vmem>>, vector<1x16xf32>,
      %parallel_loop3A_328 = arith.index_cast %parallel_loop3A_15 : i32 to index
      %parallel_loop3A_329 = arith.constant 304 : index
      %parallel_loop3A_330 = tpu.vector_load %arg8[%parallel_loop3A_328, %parallel_loop3A_329] {strides = array<i32>} : memref<64x768xf32, #tpu.memory_space<vmem>>, vector<1x16xf32>,
      %parallel_loop3A_331 = vector.shape_cast %parallel_loop3A_330 : vector<1x16xf32> to vector<16xf32>
      %parallel_loop3A_332 = arith.index_cast %parallel_loop3A_15 : i32 to index
      %parallel_loop3A_333 = arith.constant 304 : index
      %parallel_loop3A_334 = tpu.vector_load %arg9[%parallel_loop3A_332, %parallel_loop3A_333] {strides = array<i32>} : memref<64x768xf32, #tpu.memory_space<vmem>>, vector<1x16xf32>,
      %parallel_loop3A_335 = vector.shape_cast %parallel_loop3A_334 : vector<1x16xf32> to vector<16xf32>
      %parallel_loop3A_336 = arith.mulf %parallel_loop3A_19, %parallel_loop3A_331 : vector<16xf32>
      %parallel_loop3A_337 = arith.mulf %parallel_loop3A_23, %parallel_loop3A_335 : vector<16xf32>
      %parallel_loop3A_338 = arith.addf %parallel_loop3A_336, %parallel_loop3A_337 : vector<16xf32>
      %parallel_loop3A_339 = arith.index_cast %parallel_loop3A_15 : i32 to index
      %parallel_loop3A_340 = arith.constant 304 : index
      %parallel_loop3A_341 = tpu.vector_load %arg8[%parallel_loop3A_339, %parallel_loop3A_340] {strides = array<i32>} : memref<64x768xf32, #tpu.memory_space<vmem>>, vector<1x16xf32>,
      %parallel_loop3A_342 = vector.shape_cast %parallel_loop3A_341 : vector<1x16xf32> to vector<16xf32>
      %parallel_loop3A_343 = vector.shape_cast %parallel_loop3A_338 : vector<16xf32> to vector<1x16xf32>
      tpu.vector_store %arg8[%parallel_loop3A_339, %parallel_loop3A_340], %parallel_loop3A_343 {strides = array<i32>} : memref<64x768xf32, #tpu.memory_space<vmem>>, vector<1x16xf32>,
      %parallel_loop3A_344 = arith.index_cast %parallel_loop3A_15 : i32 to index
      %parallel_loop3A_345 = arith.constant 320 : index
      %parallel_loop3A_346 = tpu.vector_load %arg8[%parallel_loop3A_344, %parallel_loop3A_345] {strides = array<i32>} : memref<64x768xf32, #tpu.memory_space<vmem>>, vector<1x16xf32>,
      %parallel_loop3A_347 = vector.shape_cast %parallel_loop3A_346 : vector<1x16xf32> to vector<16xf32>
      %parallel_loop3A_348 = arith.index_cast %parallel_loop3A_15 : i32 to index
      %parallel_loop3A_349 = arith.constant 320 : index
      %parallel_loop3A_350 = tpu.vector_load %arg9[%parallel_loop3A_348, %parallel_loop3A_349] {strides = array<i32>} : memref<64x768xf32, #tpu.memory_space<vmem>>, vector<1x16xf32>,
      %parallel_loop3A_351 = vector.shape_cast %parallel_loop3A_350 : vector<1x16xf32> to vector<16xf32>
      %parallel_loop3A_352 = arith.mulf %parallel_loop3A_19, %parallel_loop3A_347 : vector<16xf32>
      %parallel_loop3A_353 = arith.mulf %parallel_loop3A_23, %parallel_loop3A_351 : vector<16xf32>
      %parallel_loop3A_354 = arith.addf %parallel_loop3A_352, %parallel_loop3A_353 : vector<16xf32>
      %parallel_loop3A_355 = arith.index_cast %parallel_loop3A_15 : i32 to index
      %parallel_loop3A_356 = arith.constant 320 : index
      %parallel_loop3A_357 = tpu.vector_load %arg8[%parallel_loop3A_355, %parallel_loop3A_356] {strides = array<i32>} : memref<64x768xf32, #tpu.memory_space<vmem>>, vector<1x16xf32>,
      %parallel_loop3A_358 = vector.shape_cast %parallel_loop3A_357 : vector<1x16xf32> to vector<16xf32>
      %parallel_loop3A_359 = vector.shape_cast %parallel_loop3A_354 : vector<16xf32> to vector<1x16xf32>
      tpu.vector_store %arg8[%parallel_loop3A_355, %parallel_loop3A_356], %parallel_loop3A_359 {strides = array<i32>} : memref<64x768xf32, #tpu.memory_space<vmem>>, vector<1x16xf32>,
      %parallel_loop3A_360 = arith.index_cast %parallel_loop3A_15 : i32 to index
      %parallel_loop3A_361 = arith.constant 336 : index
      %parallel_loop3A_362 = tpu.vector_load %arg8[%parallel_loop3A_360, %parallel_loop3A_361] {strides = array<i32>} : memref<64x768xf32, #tpu.memory_space<vmem>>, vector<1x16xf32>,
      %parallel_loop3A_363 = vector.shape_cast %parallel_loop3A_362 : vector<1x16xf32> to vector<16xf32>
      %parallel_loop3A_364 = arith.index_cast %parallel_loop3A_15 : i32 to index
      %parallel_loop3A_365 = arith.constant 336 : index
      %parallel_loop3A_366 = tpu.vector_load %arg9[%parallel_loop3A_364, %parallel_loop3A_365] {strides = array<i32>} : memref<64x768xf32, #tpu.memory_space<vmem>>, vector<1x16xf32>,
      %parallel_loop3A_367 = vector.shape_cast %parallel_loop3A_366 : vector<1x16xf32> to vector<16xf32>
      %parallel_loop3A_368 = arith.mulf %parallel_loop3A_19, %parallel_loop3A_363 : vector<16xf32>
      %parallel_loop3A_369 = arith.mulf %parallel_loop3A_23, %parallel_loop3A_367 : vector<16xf32>
      %parallel_loop3A_370 = arith.addf %parallel_loop3A_368, %parallel_loop3A_369 : vector<16xf32>
      %parallel_loop3A_371 = arith.index_cast %parallel_loop3A_15 : i32 to index
      %parallel_loop3A_372 = arith.constant 336 : index
      %parallel_loop3A_373 = tpu.vector_load %arg8[%parallel_loop3A_371, %parallel_loop3A_372] {strides = array<i32>} : memref<64x768xf32, #tpu.memory_space<vmem>>, vector<1x16xf32>,
      %parallel_loop3A_374 = vector.shape_cast %parallel_loop3A_373 : vector<1x16xf32> to vector<16xf32>
      %parallel_loop3A_375 = vector.shape_cast %parallel_loop3A_370 : vector<16xf32> to vector<1x16xf32>
      tpu.vector_store %arg8[%parallel_loop3A_371, %parallel_loop3A_372], %parallel_loop3A_375 {strides = array<i32>} : memref<64x768xf32, #tpu.memory_space<vmem>>, vector<1x16xf32>,
      %parallel_loop3A_376 = arith.index_cast %parallel_loop3A_15 : i32 to index
      %parallel_loop3A_377 = arith.constant 352 : index
      %parallel_loop3A_378 = tpu.vector_load %arg8[%parallel_loop3A_376, %parallel_loop3A_377] {strides = array<i32>} : memref<64x768xf32, #tpu.memory_space<vmem>>, vector<1x16xf32>,
      %parallel_loop3A_379 = vector.shape_cast %parallel_loop3A_378 : vector<1x16xf32> to vector<16xf32>
      %parallel_loop3A_380 = arith.index_cast %parallel_loop3A_15 : i32 to index
      %parallel_loop3A_381 = arith.constant 352 : index
      %parallel_loop3A_382 = tpu.vector_load %arg9[%parallel_loop3A_380, %parallel_loop3A_381] {strides = array<i32>} : memref<64x768xf32, #tpu.memory_space<vmem>>, vector<1x16xf32>,
      %parallel_loop3A_383 = vector.shape_cast %parallel_loop3A_382 : vector<1x16xf32> to vector<16xf32>
      %parallel_loop3A_384 = arith.mulf %parallel_loop3A_19, %parallel_loop3A_379 : vector<16xf32>
      %parallel_loop3A_385 = arith.mulf %parallel_loop3A_23, %parallel_loop3A_383 : vector<16xf32>
      %parallel_loop3A_386 = arith.addf %parallel_loop3A_384, %parallel_loop3A_385 : vector<16xf32>
      %parallel_loop3A_387 = arith.index_cast %parallel_loop3A_15 : i32 to index
      %parallel_loop3A_388 = arith.constant 352 : index
      %parallel_loop3A_389 = tpu.vector_load %arg8[%parallel_loop3A_387, %parallel_loop3A_388] {strides = array<i32>} : memref<64x768xf32, #tpu.memory_space<vmem>>, vector<1x16xf32>,
      %parallel_loop3A_390 = vector.shape_cast %parallel_loop3A_389 : vector<1x16xf32> to vector<16xf32>
      %parallel_loop3A_391 = vector.shape_cast %parallel_loop3A_386 : vector<16xf32> to vector<1x16xf32>
      tpu.vector_store %arg8[%parallel_loop3A_387, %parallel_loop3A_388], %parallel_loop3A_391 {strides = array<i32>} : memref<64x768xf32, #tpu.memory_space<vmem>>, vector<1x16xf32>,
      %parallel_loop3A_392 = arith.index_cast %parallel_loop3A_15 : i32 to index
      %parallel_loop3A_393 = arith.constant 368 : index
      %parallel_loop3A_394 = tpu.vector_load %arg8[%parallel_loop3A_392, %parallel_loop3A_393] {strides = array<i32>} : memref<64x768xf32, #tpu.memory_space<vmem>>, vector<1x16xf32>,
      %parallel_loop3A_395 = vector.shape_cast %parallel_loop3A_394 : vector<1x16xf32> to vector<16xf32>
      %parallel_loop3A_396 = arith.index_cast %parallel_loop3A_15 : i32 to index
      %parallel_loop3A_397 = arith.constant 368 : index
      %parallel_loop3A_398 = tpu.vector_load %arg9[%parallel_loop3A_396, %parallel_loop3A_397] {strides = array<i32>} : memref<64x768xf32, #tpu.memory_space<vmem>>, vector<1x16xf32>,
      %parallel_loop3A_399 = vector.shape_cast %parallel_loop3A_398 : vector<1x16xf32> to vector<16xf32>
      %parallel_loop3A_400 = arith.mulf %parallel_loop3A_19, %parallel_loop3A_395 : vector<16xf32>
      %parallel_loop3A_401 = arith.mulf %parallel_loop3A_23, %parallel_loop3A_399 : vector<16xf32>
      %parallel_loop3A_402 = arith.addf %parallel_loop3A_400, %parallel_loop3A_401 : vector<16xf32>
      %parallel_loop3A_403 = arith.index_cast %parallel_loop3A_15 : i32 to index
      %parallel_loop3A_404 = arith.constant 368 : index
      %parallel_loop3A_405 = tpu.vector_load %arg8[%parallel_loop3A_403, %parallel_loop3A_404] {strides = array<i32>} : memref<64x768xf32, #tpu.memory_space<vmem>>, vector<1x16xf32>,
      %parallel_loop3A_406 = vector.shape_cast %parallel_loop3A_405 : vector<1x16xf32> to vector<16xf32>
      %parallel_loop3A_407 = vector.shape_cast %parallel_loop3A_402 : vector<16xf32> to vector<1x16xf32>
      tpu.vector_store %arg8[%parallel_loop3A_403, %parallel_loop3A_404], %parallel_loop3A_407 {strides = array<i32>} : memref<64x768xf32, #tpu.memory_space<vmem>>, vector<1x16xf32>,
      %parallel_loop3A_408 = arith.index_cast %parallel_loop3A_15 : i32 to index
      %parallel_loop3A_409 = arith.constant 384 : index
      %parallel_loop3A_410 = tpu.vector_load %arg8[%parallel_loop3A_408, %parallel_loop3A_409] {strides = array<i32>} : memref<64x768xf32, #tpu.memory_space<vmem>>, vector<1x16xf32>,
      %parallel_loop3A_411 = vector.shape_cast %parallel_loop3A_410 : vector<1x16xf32> to vector<16xf32>
      %parallel_loop3A_412 = arith.index_cast %parallel_loop3A_15 : i32 to index
      %parallel_loop3A_413 = arith.constant 384 : index
      %parallel_loop3A_414 = tpu.vector_load %arg9[%parallel_loop3A_412, %parallel_loop3A_413] {strides = array<i32>} : memref<64x768xf32, #tpu.memory_space<vmem>>, vector<1x16xf32>,
      %parallel_loop3A_415 = vector.shape_cast %parallel_loop3A_414 : vector<1x16xf32> to vector<16xf32>
      %parallel_loop3A_416 = arith.mulf %parallel_loop3A_19, %parallel_loop3A_411 : vector<16xf32>
      %parallel_loop3A_417 = arith.mulf %parallel_loop3A_23, %parallel_loop3A_415 : vector<16xf32>
      %parallel_loop3A_418 = arith.addf %parallel_loop3A_416, %parallel_loop3A_417 : vector<16xf32>
      %parallel_loop3A_419 = arith.index_cast %parallel_loop3A_15 : i32 to index
      %parallel_loop3A_420 = arith.constant 384 : index
      %parallel_loop3A_421 = tpu.vector_load %arg8[%parallel_loop3A_419, %parallel_loop3A_420] {strides = array<i32>} : memref<64x768xf32, #tpu.memory_space<vmem>>, vector<1x16xf32>,
      %parallel_loop3A_422 = vector.shape_cast %parallel_loop3A_421 : vector<1x16xf32> to vector<16xf32>
      %parallel_loop3A_423 = vector.shape_cast %parallel_loop3A_418 : vector<16xf32> to vector<1x16xf32>
      tpu.vector_store %arg8[%parallel_loop3A_419, %parallel_loop3A_420], %parallel_loop3A_423 {strides = array<i32>} : memref<64x768xf32, #tpu.memory_space<vmem>>, vector<1x16xf32>,
      %parallel_loop3A_424 = arith.index_cast %parallel_loop3A_15 : i32 to index
      %parallel_loop3A_425 = arith.constant 400 : index
      %parallel_loop3A_426 = tpu.vector_load %arg8[%parallel_loop3A_424, %parallel_loop3A_425] {strides = array<i32>} : memref<64x768xf32, #tpu.memory_space<vmem>>, vector<1x16xf32>,
      %parallel_loop3A_427 = vector.shape_cast %parallel_loop3A_426 : vector<1x16xf32> to vector<16xf32>
      %parallel_loop3A_428 = arith.index_cast %parallel_loop3A_15 : i32 to index
      %parallel_loop3A_429 = arith.constant 400 : index
      %parallel_loop3A_430 = tpu.vector_load %arg9[%parallel_loop3A_428, %parallel_loop3A_429] {strides = array<i32>} : memref<64x768xf32, #tpu.memory_space<vmem>>, vector<1x16xf32>,
      %parallel_loop3A_431 = vector.shape_cast %parallel_loop3A_430 : vector<1x16xf32> to vector<16xf32>
      %parallel_loop3A_432 = arith.mulf %parallel_loop3A_19, %parallel_loop3A_427 : vector<16xf32>
      %parallel_loop3A_433 = arith.mulf %parallel_loop3A_23, %parallel_loop3A_431 : vector<16xf32>
      %parallel_loop3A_434 = arith.addf %parallel_loop3A_432, %parallel_loop3A_433 : vector<16xf32>
      %parallel_loop3A_435 = arith.index_cast %parallel_loop3A_15 : i32 to index
      %parallel_loop3A_436 = arith.constant 400 : index
      %parallel_loop3A_437 = tpu.vector_load %arg8[%parallel_loop3A_435, %parallel_loop3A_436] {strides = array<i32>} : memref<64x768xf32, #tpu.memory_space<vmem>>, vector<1x16xf32>,
      %parallel_loop3A_438 = vector.shape_cast %parallel_loop3A_437 : vector<1x16xf32> to vector<16xf32>
      %parallel_loop3A_439 = vector.shape_cast %parallel_loop3A_434 : vector<16xf32> to vector<1x16xf32>
      tpu.vector_store %arg8[%parallel_loop3A_435, %parallel_loop3A_436], %parallel_loop3A_439 {strides = array<i32>} : memref<64x768xf32, #tpu.memory_space<vmem>>, vector<1x16xf32>,
      %parallel_loop3A_440 = arith.index_cast %parallel_loop3A_15 : i32 to index
      %parallel_loop3A_441 = arith.constant 416 : index
      %parallel_loop3A_442 = tpu.vector_load %arg8[%parallel_loop3A_440, %parallel_loop3A_441] {strides = array<i32>} : memref<64x768xf32, #tpu.memory_space<vmem>>, vector<1x16xf32>,
      %parallel_loop3A_443 = vector.shape_cast %parallel_loop3A_442 : vector<1x16xf32> to vector<16xf32>
      %parallel_loop3A_444 = arith.index_cast %parallel_loop3A_15 : i32 to index
      %parallel_loop3A_445 = arith.constant 416 : index
      %parallel_loop3A_446 = tpu.vector_load %arg9[%parallel_loop3A_444, %parallel_loop3A_445] {strides = array<i32>} : memref<64x768xf32, #tpu.memory_space<vmem>>, vector<1x16xf32>,
      %parallel_loop3A_447 = vector.shape_cast %parallel_loop3A_446 : vector<1x16xf32> to vector<16xf32>
      %parallel_loop3A_448 = arith.mulf %parallel_loop3A_19, %parallel_loop3A_443 : vector<16xf32>
      %parallel_loop3A_449 = arith.mulf %parallel_loop3A_23, %parallel_loop3A_447 : vector<16xf32>
      %parallel_loop3A_450 = arith.addf %parallel_loop3A_448, %parallel_loop3A_449 : vector<16xf32>
      %parallel_loop3A_451 = arith.index_cast %parallel_loop3A_15 : i32 to index
      %parallel_loop3A_452 = arith.constant 416 : index
      %parallel_loop3A_453 = tpu.vector_load %arg8[%parallel_loop3A_451, %parallel_loop3A_452] {strides = array<i32>} : memref<64x768xf32, #tpu.memory_space<vmem>>, vector<1x16xf32>,
      %parallel_loop3A_454 = vector.shape_cast %parallel_loop3A_453 : vector<1x16xf32> to vector<16xf32>
      %parallel_loop3A_455 = vector.shape_cast %parallel_loop3A_450 : vector<16xf32> to vector<1x16xf32>
      tpu.vector_store %arg8[%parallel_loop3A_451, %parallel_loop3A_452], %parallel_loop3A_455 {strides = array<i32>} : memref<64x768xf32, #tpu.memory_space<vmem>>, vector<1x16xf32>,
      %parallel_loop3A_456 = arith.index_cast %parallel_loop3A_15 : i32 to index
      %parallel_loop3A_457 = arith.constant 432 : index
      %parallel_loop3A_458 = tpu.vector_load %arg8[%parallel_loop3A_456, %parallel_loop3A_457] {strides = array<i32>} : memref<64x768xf32, #tpu.memory_space<vmem>>, vector<1x16xf32>,
      %parallel_loop3A_459 = vector.shape_cast %parallel_loop3A_458 : vector<1x16xf32> to vector<16xf32>
      %parallel_loop3A_460 = arith.index_cast %parallel_loop3A_15 : i32 to index
      %parallel_loop3A_461 = arith.constant 432 : index
      %parallel_loop3A_462 = tpu.vector_load %arg9[%parallel_loop3A_460, %parallel_loop3A_461] {strides = array<i32>} : memref<64x768xf32, #tpu.memory_space<vmem>>, vector<1x16xf32>,
      %parallel_loop3A_463 = vector.shape_cast %parallel_loop3A_462 : vector<1x16xf32> to vector<16xf32>
      %parallel_loop3A_464 = arith.mulf %parallel_loop3A_19, %parallel_loop3A_459 : vector<16xf32>
      %parallel_loop3A_465 = arith.mulf %parallel_loop3A_23, %parallel_loop3A_463 : vector<16xf32>
      %parallel_loop3A_466 = arith.addf %parallel_loop3A_464, %parallel_loop3A_465 : vector<16xf32>
      %parallel_loop3A_467 = arith.index_cast %parallel_loop3A_15 : i32 to index
      %parallel_loop3A_468 = arith.constant 432 : index
      %parallel_loop3A_469 = tpu.vector_load %arg8[%parallel_loop3A_467, %parallel_loop3A_468] {strides = array<i32>} : memref<64x768xf32, #tpu.memory_space<vmem>>, vector<1x16xf32>,
      %parallel_loop3A_470 = vector.shape_cast %parallel_loop3A_469 : vector<1x16xf32> to vector<16xf32>
      %parallel_loop3A_471 = vector.shape_cast %parallel_loop3A_466 : vector<16xf32> to vector<1x16xf32>
      tpu.vector_store %arg8[%parallel_loop3A_467, %parallel_loop3A_468], %parallel_loop3A_471 {strides = array<i32>} : memref<64x768xf32, #tpu.memory_space<vmem>>, vector<1x16xf32>,
      %parallel_loop3A_472 = arith.index_cast %parallel_loop3A_15 : i32 to index
      %parallel_loop3A_473 = arith.constant 448 : index
      %parallel_loop3A_474 = tpu.vector_load %arg8[%parallel_loop3A_472, %parallel_loop3A_473] {strides = array<i32>} : memref<64x768xf32, #tpu.memory_space<vmem>>, vector<1x16xf32>,
      %parallel_loop3A_475 = vector.shape_cast %parallel_loop3A_474 : vector<1x16xf32> to vector<16xf32>
      %parallel_loop3A_476 = arith.index_cast %parallel_loop3A_15 : i32 to index
      %parallel_loop3A_477 = arith.constant 448 : index
      %parallel_loop3A_478 = tpu.vector_load %arg9[%parallel_loop3A_476, %parallel_loop3A_477] {strides = array<i32>} : memref<64x768xf32, #tpu.memory_space<vmem>>, vector<1x16xf32>,
      %parallel_loop3A_479 = vector.shape_cast %parallel_loop3A_478 : vector<1x16xf32> to vector<16xf32>
      %parallel_loop3A_480 = arith.mulf %parallel_loop3A_19, %parallel_loop3A_475 : vector<16xf32>
      %parallel_loop3A_481 = arith.mulf %parallel_loop3A_23, %parallel_loop3A_479 : vector<16xf32>
      %parallel_loop3A_482 = arith.addf %parallel_loop3A_480, %parallel_loop3A_481 : vector<16xf32>
      %parallel_loop3A_483 = arith.index_cast %parallel_loop3A_15 : i32 to index
      %parallel_loop3A_484 = arith.constant 448 : index
      %parallel_loop3A_485 = tpu.vector_load %arg8[%parallel_loop3A_483, %parallel_loop3A_484] {strides = array<i32>} : memref<64x768xf32, #tpu.memory_space<vmem>>, vector<1x16xf32>,
      %parallel_loop3A_486 = vector.shape_cast %parallel_loop3A_485 : vector<1x16xf32> to vector<16xf32>
      %parallel_loop3A_487 = vector.shape_cast %parallel_loop3A_482 : vector<16xf32> to vector<1x16xf32>
      tpu.vector_store %arg8[%parallel_loop3A_483, %parallel_loop3A_484], %parallel_loop3A_487 {strides = array<i32>} : memref<64x768xf32, #tpu.memory_space<vmem>>, vector<1x16xf32>,
      %parallel_loop3A_488 = arith.index_cast %parallel_loop3A_15 : i32 to index
      %parallel_loop3A_489 = arith.constant 464 : index
      %parallel_loop3A_490 = tpu.vector_load %arg8[%parallel_loop3A_488, %parallel_loop3A_489] {strides = array<i32>} : memref<64x768xf32, #tpu.memory_space<vmem>>, vector<1x16xf32>,
      %parallel_loop3A_491 = vector.shape_cast %parallel_loop3A_490 : vector<1x16xf32> to vector<16xf32>
      %parallel_loop3A_492 = arith.index_cast %parallel_loop3A_15 : i32 to index
      %parallel_loop3A_493 = arith.constant 464 : index
      %parallel_loop3A_494 = tpu.vector_load %arg9[%parallel_loop3A_492, %parallel_loop3A_493] {strides = array<i32>} : memref<64x768xf32, #tpu.memory_space<vmem>>, vector<1x16xf32>,
      %parallel_loop3A_495 = vector.shape_cast %parallel_loop3A_494 : vector<1x16xf32> to vector<16xf32>
      %parallel_loop3A_496 = arith.mulf %parallel_loop3A_19, %parallel_loop3A_491 : vector<16xf32>
      %parallel_loop3A_497 = arith.mulf %parallel_loop3A_23, %parallel_loop3A_495 : vector<16xf32>
      %parallel_loop3A_498 = arith.addf %parallel_loop3A_496, %parallel_loop3A_497 : vector<16xf32>
      %parallel_loop3A_499 = arith.index_cast %parallel_loop3A_15 : i32 to index
      %parallel_loop3A_500 = arith.constant 464 : index
      %parallel_loop3A_501 = tpu.vector_load %arg8[%parallel_loop3A_499, %parallel_loop3A_500] {strides = array<i32>} : memref<64x768xf32, #tpu.memory_space<vmem>>, vector<1x16xf32>,
      %parallel_loop3A_502 = vector.shape_cast %parallel_loop3A_501 : vector<1x16xf32> to vector<16xf32>
      %parallel_loop3A_503 = vector.shape_cast %parallel_loop3A_498 : vector<16xf32> to vector<1x16xf32>
      tpu.vector_store %arg8[%parallel_loop3A_499, %parallel_loop3A_500], %parallel_loop3A_503 {strides = array<i32>} : memref<64x768xf32, #tpu.memory_space<vmem>>, vector<1x16xf32>,
      %parallel_loop3A_504 = arith.index_cast %parallel_loop3A_15 : i32 to index
      %parallel_loop3A_505 = arith.constant 480 : index
      %parallel_loop3A_506 = tpu.vector_load %arg8[%parallel_loop3A_504, %parallel_loop3A_505] {strides = array<i32>} : memref<64x768xf32, #tpu.memory_space<vmem>>, vector<1x16xf32>,
      %parallel_loop3A_507 = vector.shape_cast %parallel_loop3A_506 : vector<1x16xf32> to vector<16xf32>
      %parallel_loop3A_508 = arith.index_cast %parallel_loop3A_15 : i32 to index
      %parallel_loop3A_509 = arith.constant 480 : index
      %parallel_loop3A_510 = tpu.vector_load %arg9[%parallel_loop3A_508, %parallel_loop3A_509] {strides = array<i32>} : memref<64x768xf32, #tpu.memory_space<vmem>>, vector<1x16xf32>,
      %parallel_loop3A_511 = vector.shape_cast %parallel_loop3A_510 : vector<1x16xf32> to vector<16xf32>
      %parallel_loop3A_512 = arith.mulf %parallel_loop3A_19, %parallel_loop3A_507 : vector<16xf32>
      %parallel_loop3A_513 = arith.mulf %parallel_loop3A_23, %parallel_loop3A_511 : vector<16xf32>
      %parallel_loop3A_514 = arith.addf %parallel_loop3A_512, %parallel_loop3A_513 : vector<16xf32>
      %parallel_loop3A_515 = arith.index_cast %parallel_loop3A_15 : i32 to index
      %parallel_loop3A_516 = arith.constant 480 : index
      %parallel_loop3A_517 = tpu.vector_load %arg8[%parallel_loop3A_515, %parallel_loop3A_516] {strides = array<i32>} : memref<64x768xf32, #tpu.memory_space<vmem>>, vector<1x16xf32>,
      %parallel_loop3A_518 = vector.shape_cast %parallel_loop3A_517 : vector<1x16xf32> to vector<16xf32>
      %parallel_loop3A_519 = vector.shape_cast %parallel_loop3A_514 : vector<16xf32> to vector<1x16xf32>
      tpu.vector_store %arg8[%parallel_loop3A_515, %parallel_loop3A_516], %parallel_loop3A_519 {strides = array<i32>} : memref<64x768xf32, #tpu.memory_space<vmem>>, vector<1x16xf32>,
      %parallel_loop3A_520 = arith.index_cast %parallel_loop3A_15 : i32 to index
      %parallel_loop3A_521 = arith.constant 496 : index
      %parallel_loop3A_522 = tpu.vector_load %arg8[%parallel_loop3A_520, %parallel_loop3A_521] {strides = array<i32>} : memref<64x768xf32, #tpu.memory_space<vmem>>, vector<1x16xf32>,
      %parallel_loop3A_523 = vector.shape_cast %parallel_loop3A_522 : vector<1x16xf32> to vector<16xf32>
      %parallel_loop3A_524 = arith.index_cast %parallel_loop3A_15 : i32 to index
      %parallel_loop3A_525 = arith.constant 496 : index
      %parallel_loop3A_526 = tpu.vector_load %arg9[%parallel_loop3A_524, %parallel_loop3A_525] {strides = array<i32>} : memref<64x768xf32, #tpu.memory_space<vmem>>, vector<1x16xf32>,
      %parallel_loop3A_527 = vector.shape_cast %parallel_loop3A_526 : vector<1x16xf32> to vector<16xf32>
      %parallel_loop3A_528 = arith.mulf %parallel_loop3A_19, %parallel_loop3A_523 : vector<16xf32>
      %parallel_loop3A_529 = arith.mulf %parallel_loop3A_23, %parallel_loop3A_527 : vector<16xf32>
      %parallel_loop3A_530 = arith.addf %parallel_loop3A_528, %parallel_loop3A_529 : vector<16xf32>
      %parallel_loop3A_531 = arith.index_cast %parallel_loop3A_15 : i32 to index
      %parallel_loop3A_532 = arith.constant 496 : index
      %parallel_loop3A_533 = tpu.vector_load %arg8[%parallel_loop3A_531, %parallel_loop3A_532] {strides = array<i32>} : memref<64x768xf32, #tpu.memory_space<vmem>>, vector<1x16xf32>,
      %parallel_loop3A_534 = vector.shape_cast %parallel_loop3A_533 : vector<1x16xf32> to vector<16xf32>
      %parallel_loop3A_535 = vector.shape_cast %parallel_loop3A_530 : vector<16xf32> to vector<1x16xf32>
      tpu.vector_store %arg8[%parallel_loop3A_531, %parallel_loop3A_532], %parallel_loop3A_535 {strides = array<i32>} : memref<64x768xf32, #tpu.memory_space<vmem>>, vector<1x16xf32>,
      %parallel_loop3A_536 = arith.index_cast %parallel_loop3A_15 : i32 to index
      %parallel_loop3A_537 = arith.constant 512 : index
      %parallel_loop3A_538 = tpu.vector_load %arg8[%parallel_loop3A_536, %parallel_loop3A_537] {strides = array<i32>} : memref<64x768xf32, #tpu.memory_space<vmem>>, vector<1x16xf32>,
      %parallel_loop3A_539 = vector.shape_cast %parallel_loop3A_538 : vector<1x16xf32> to vector<16xf32>
      %parallel_loop3A_540 = arith.index_cast %parallel_loop3A_15 : i32 to index
      %parallel_loop3A_541 = arith.constant 512 : index
      %parallel_loop3A_542 = tpu.vector_load %arg9[%parallel_loop3A_540, %parallel_loop3A_541] {strides = array<i32>} : memref<64x768xf32, #tpu.memory_space<vmem>>, vector<1x16xf32>,
      %parallel_loop3A_543 = vector.shape_cast %parallel_loop3A_542 : vector<1x16xf32> to vector<16xf32>
      %parallel_loop3A_544 = arith.mulf %parallel_loop3A_19, %parallel_loop3A_539 : vector<16xf32>
      %parallel_loop3A_545 = arith.mulf %parallel_loop3A_23, %parallel_loop3A_543 : vector<16xf32>
      %parallel_loop3A_546 = arith.addf %parallel_loop3A_544, %parallel_loop3A_545 : vector<16xf32>
      %parallel_loop3A_547 = arith.index_cast %parallel_loop3A_15 : i32 to index
      %parallel_loop3A_548 = arith.constant 512 : index
      %parallel_loop3A_549 = tpu.vector_load %arg8[%parallel_loop3A_547, %parallel_loop3A_548] {strides = array<i32>} : memref<64x768xf32, #tpu.memory_space<vmem>>, vector<1x16xf32>,
      %parallel_loop3A_550 = vector.shape_cast %parallel_loop3A_549 : vector<1x16xf32> to vector<16xf32>
      %parallel_loop3A_551 = vector.shape_cast %parallel_loop3A_546 : vector<16xf32> to vector<1x16xf32>
      tpu.vector_store %arg8[%parallel_loop3A_547, %parallel_loop3A_548], %parallel_loop3A_551 {strides = array<i32>} : memref<64x768xf32, #tpu.memory_space<vmem>>, vector<1x16xf32>,
      %parallel_loop3A_552 = arith.index_cast %parallel_loop3A_15 : i32 to index
      %parallel_loop3A_553 = arith.constant 528 : index
      %parallel_loop3A_554 = tpu.vector_load %arg8[%parallel_loop3A_552, %parallel_loop3A_553] {strides = array<i32>} : memref<64x768xf32, #tpu.memory_space<vmem>>, vector<1x16xf32>,
      %parallel_loop3A_555 = vector.shape_cast %parallel_loop3A_554 : vector<1x16xf32> to vector<16xf32>
      %parallel_loop3A_556 = arith.index_cast %parallel_loop3A_15 : i32 to index
      %parallel_loop3A_557 = arith.constant 528 : index
      %parallel_loop3A_558 = tpu.vector_load %arg9[%parallel_loop3A_556, %parallel_loop3A_557] {strides = array<i32>} : memref<64x768xf32, #tpu.memory_space<vmem>>, vector<1x16xf32>,
      %parallel_loop3A_559 = vector.shape_cast %parallel_loop3A_558 : vector<1x16xf32> to vector<16xf32>
      %parallel_loop3A_560 = arith.mulf %parallel_loop3A_19, %parallel_loop3A_555 : vector<16xf32>
      %parallel_loop3A_561 = arith.mulf %parallel_loop3A_23, %parallel_loop3A_559 : vector<16xf32>
      %parallel_loop3A_562 = arith.addf %parallel_loop3A_560, %parallel_loop3A_561 : vector<16xf32>
      %parallel_loop3A_563 = arith.index_cast %parallel_loop3A_15 : i32 to index
      %parallel_loop3A_564 = arith.constant 528 : index
      %parallel_loop3A_565 = tpu.vector_load %arg8[%parallel_loop3A_563, %parallel_loop3A_564] {strides = array<i32>} : memref<64x768xf32, #tpu.memory_space<vmem>>, vector<1x16xf32>,
      %parallel_loop3A_566 = vector.shape_cast %parallel_loop3A_565 : vector<1x16xf32> to vector<16xf32>
      %parallel_loop3A_567 = vector.shape_cast %parallel_loop3A_562 : vector<16xf32> to vector<1x16xf32>
      tpu.vector_store %arg8[%parallel_loop3A_563, %parallel_loop3A_564], %parallel_loop3A_567 {strides = array<i32>} : memref<64x768xf32, #tpu.memory_space<vmem>>, vector<1x16xf32>,
      %parallel_loop3A_568 = arith.index_cast %parallel_loop3A_15 : i32 to index
      %parallel_loop3A_569 = arith.constant 544 : index
      %parallel_loop3A_570 = tpu.vector_load %arg8[%parallel_loop3A_568, %parallel_loop3A_569] {strides = array<i32>} : memref<64x768xf32, #tpu.memory_space<vmem>>, vector<1x16xf32>,
      %parallel_loop3A_571 = vector.shape_cast %parallel_loop3A_570 : vector<1x16xf32> to vector<16xf32>
      %parallel_loop3A_572 = arith.index_cast %parallel_loop3A_15 : i32 to index
      %parallel_loop3A_573 = arith.constant 544 : index
      %parallel_loop3A_574 = tpu.vector_load %arg9[%parallel_loop3A_572, %parallel_loop3A_573] {strides = array<i32>} : memref<64x768xf32, #tpu.memory_space<vmem>>, vector<1x16xf32>,
      %parallel_loop3A_575 = vector.shape_cast %parallel_loop3A_574 : vector<1x16xf32> to vector<16xf32>
      %parallel_loop3A_576 = arith.mulf %parallel_loop3A_19, %parallel_loop3A_571 : vector<16xf32>
      %parallel_loop3A_577 = arith.mulf %parallel_loop3A_23, %parallel_loop3A_575 : vector<16xf32>
      %parallel_loop3A_578 = arith.addf %parallel_loop3A_576, %parallel_loop3A_577 : vector<16xf32>
      %parallel_loop3A_579 = arith.index_cast %parallel_loop3A_15 : i32 to index
      %parallel_loop3A_580 = arith.constant 544 : index
      %parallel_loop3A_581 = tpu.vector_load %arg8[%parallel_loop3A_579, %parallel_loop3A_580] {strides = array<i32>} : memref<64x768xf32, #tpu.memory_space<vmem>>, vector<1x16xf32>,
      %parallel_loop3A_582 = vector.shape_cast %parallel_loop3A_581 : vector<1x16xf32> to vector<16xf32>
      %parallel_loop3A_583 = vector.shape_cast %parallel_loop3A_578 : vector<16xf32> to vector<1x16xf32>
      tpu.vector_store %arg8[%parallel_loop3A_579, %parallel_loop3A_580], %parallel_loop3A_583 {strides = array<i32>} : memref<64x768xf32, #tpu.memory_space<vmem>>, vector<1x16xf32>,
      %parallel_loop3A_584 = arith.index_cast %parallel_loop3A_15 : i32 to index
      %parallel_loop3A_585 = arith.constant 560 : index
      %parallel_loop3A_586 = tpu.vector_load %arg8[%parallel_loop3A_584, %parallel_loop3A_585] {strides = array<i32>} : memref<64x768xf32, #tpu.memory_space<vmem>>, vector<1x16xf32>,
      %parallel_loop3A_587 = vector.shape_cast %parallel_loop3A_586 : vector<1x16xf32> to vector<16xf32>
      %parallel_loop3A_588 = arith.index_cast %parallel_loop3A_15 : i32 to index
      %parallel_loop3A_589 = arith.constant 560 : index
      %parallel_loop3A_590 = tpu.vector_load %arg9[%parallel_loop3A_588, %parallel_loop3A_589] {strides = array<i32>} : memref<64x768xf32, #tpu.memory_space<vmem>>, vector<1x16xf32>,
      %parallel_loop3A_591 = vector.shape_cast %parallel_loop3A_590 : vector<1x16xf32> to vector<16xf32>
      %parallel_loop3A_592 = arith.mulf %parallel_loop3A_19, %parallel_loop3A_587 : vector<16xf32>
      %parallel_loop3A_593 = arith.mulf %parallel_loop3A_23, %parallel_loop3A_591 : vector<16xf32>
      %parallel_loop3A_594 = arith.addf %parallel_loop3A_592, %parallel_loop3A_593 : vector<16xf32>
      %parallel_loop3A_595 = arith.index_cast %parallel_loop3A_15 : i32 to index
      %parallel_loop3A_596 = arith.constant 560 : index
      %parallel_loop3A_597 = tpu.vector_load %arg8[%parallel_loop3A_595, %parallel_loop3A_596] {strides = array<i32>} : memref<64x768xf32, #tpu.memory_space<vmem>>, vector<1x16xf32>,
      %parallel_loop3A_598 = vector.shape_cast %parallel_loop3A_597 : vector<1x16xf32> to vector<16xf32>
      %parallel_loop3A_599 = vector.shape_cast %parallel_loop3A_594 : vector<16xf32> to vector<1x16xf32>
      tpu.vector_store %arg8[%parallel_loop3A_595, %parallel_loop3A_596], %parallel_loop3A_599 {strides = array<i32>} : memref<64x768xf32, #tpu.memory_space<vmem>>, vector<1x16xf32>,
      %parallel_loop3A_600 = arith.index_cast %parallel_loop3A_15 : i32 to index
      %parallel_loop3A_601 = arith.constant 576 : index
      %parallel_loop3A_602 = tpu.vector_load %arg8[%parallel_loop3A_600, %parallel_loop3A_601] {strides = array<i32>} : memref<64x768xf32, #tpu.memory_space<vmem>>, vector<1x16xf32>,
      %parallel_loop3A_603 = vector.shape_cast %parallel_loop3A_602 : vector<1x16xf32> to vector<16xf32>
      %parallel_loop3A_604 = arith.index_cast %parallel_loop3A_15 : i32 to index
      %parallel_loop3A_605 = arith.constant 576 : index
      %parallel_loop3A_606 = tpu.vector_load %arg9[%parallel_loop3A_604, %parallel_loop3A_605] {strides = array<i32>} : memref<64x768xf32, #tpu.memory_space<vmem>>, vector<1x16xf32>,
      %parallel_loop3A_607 = vector.shape_cast %parallel_loop3A_606 : vector<1x16xf32> to vector<16xf32>
      %parallel_loop3A_608 = arith.mulf %parallel_loop3A_19, %parallel_loop3A_603 : vector<16xf32>
      %parallel_loop3A_609 = arith.mulf %parallel_loop3A_23, %parallel_loop3A_607 : vector<16xf32>
      %parallel_loop3A_610 = arith.addf %parallel_loop3A_608, %parallel_loop3A_609 : vector<16xf32>
      %parallel_loop3A_611 = arith.index_cast %parallel_loop3A_15 : i32 to index
      %parallel_loop3A_612 = arith.constant 576 : index
      %parallel_loop3A_613 = tpu.vector_load %arg8[%parallel_loop3A_611, %parallel_loop3A_612] {strides = array<i32>} : memref<64x768xf32, #tpu.memory_space<vmem>>, vector<1x16xf32>,
      %parallel_loop3A_614 = vector.shape_cast %parallel_loop3A_613 : vector<1x16xf32> to vector<16xf32>
      %parallel_loop3A_615 = vector.shape_cast %parallel_loop3A_610 : vector<16xf32> to vector<1x16xf32>
      tpu.vector_store %arg8[%parallel_loop3A_611, %parallel_loop3A_612], %parallel_loop3A_615 {strides = array<i32>} : memref<64x768xf32, #tpu.memory_space<vmem>>, vector<1x16xf32>,
      %parallel_loop3A_616 = arith.index_cast %parallel_loop3A_15 : i32 to index
      %parallel_loop3A_617 = arith.constant 592 : index
      %parallel_loop3A_618 = tpu.vector_load %arg8[%parallel_loop3A_616, %parallel_loop3A_617] {strides = array<i32>} : memref<64x768xf32, #tpu.memory_space<vmem>>, vector<1x16xf32>,
      %parallel_loop3A_619 = vector.shape_cast %parallel_loop3A_618 : vector<1x16xf32> to vector<16xf32>
      %parallel_loop3A_620 = arith.index_cast %parallel_loop3A_15 : i32 to index
      %parallel_loop3A_621 = arith.constant 592 : index
      %parallel_loop3A_622 = tpu.vector_load %arg9[%parallel_loop3A_620, %parallel_loop3A_621] {strides = array<i32>} : memref<64x768xf32, #tpu.memory_space<vmem>>, vector<1x16xf32>,
      %parallel_loop3A_623 = vector.shape_cast %parallel_loop3A_622 : vector<1x16xf32> to vector<16xf32>
      %parallel_loop3A_624 = arith.mulf %parallel_loop3A_19, %parallel_loop3A_619 : vector<16xf32>
      %parallel_loop3A_625 = arith.mulf %parallel_loop3A_23, %parallel_loop3A_623 : vector<16xf32>
      %parallel_loop3A_626 = arith.addf %parallel_loop3A_624, %parallel_loop3A_625 : vector<16xf32>
      %parallel_loop3A_627 = arith.index_cast %parallel_loop3A_15 : i32 to index
      %parallel_loop3A_628 = arith.constant 592 : index
      %parallel_loop3A_629 = tpu.vector_load %arg8[%parallel_loop3A_627, %parallel_loop3A_628] {strides = array<i32>} : memref<64x768xf32, #tpu.memory_space<vmem>>, vector<1x16xf32>,
      %parallel_loop3A_630 = vector.shape_cast %parallel_loop3A_629 : vector<1x16xf32> to vector<16xf32>
      %parallel_loop3A_631 = vector.shape_cast %parallel_loop3A_626 : vector<16xf32> to vector<1x16xf32>
      tpu.vector_store %arg8[%parallel_loop3A_627, %parallel_loop3A_628], %parallel_loop3A_631 {strides = array<i32>} : memref<64x768xf32, #tpu.memory_space<vmem>>, vector<1x16xf32>,
      %parallel_loop3A_632 = arith.index_cast %parallel_loop3A_15 : i32 to index
      %parallel_loop3A_633 = arith.constant 608 : index
      %parallel_loop3A_634 = tpu.vector_load %arg8[%parallel_loop3A_632, %parallel_loop3A_633] {strides = array<i32>} : memref<64x768xf32, #tpu.memory_space<vmem>>, vector<1x16xf32>,
      %parallel_loop3A_635 = vector.shape_cast %parallel_loop3A_634 : vector<1x16xf32> to vector<16xf32>
      %parallel_loop3A_636 = arith.index_cast %parallel_loop3A_15 : i32 to index
      %parallel_loop3A_637 = arith.constant 608 : index
      %parallel_loop3A_638 = tpu.vector_load %arg9[%parallel_loop3A_636, %parallel_loop3A_637] {strides = array<i32>} : memref<64x768xf32, #tpu.memory_space<vmem>>, vector<1x16xf32>,
      %parallel_loop3A_639 = vector.shape_cast %parallel_loop3A_638 : vector<1x16xf32> to vector<16xf32>
      %parallel_loop3A_640 = arith.mulf %parallel_loop3A_19, %parallel_loop3A_635 : vector<16xf32>
      %parallel_loop3A_641 = arith.mulf %parallel_loop3A_23, %parallel_loop3A_639 : vector<16xf32>
      %parallel_loop3A_642 = arith.addf %parallel_loop3A_640, %parallel_loop3A_641 : vector<16xf32>
      %parallel_loop3A_643 = arith.index_cast %parallel_loop3A_15 : i32 to index
      %parallel_loop3A_644 = arith.constant 608 : index
      %parallel_loop3A_645 = tpu.vector_load %arg8[%parallel_loop3A_643, %parallel_loop3A_644] {strides = array<i32>} : memref<64x768xf32, #tpu.memory_space<vmem>>, vector<1x16xf32>,
      %parallel_loop3A_646 = vector.shape_cast %parallel_loop3A_645 : vector<1x16xf32> to vector<16xf32>
      %parallel_loop3A_647 = vector.shape_cast %parallel_loop3A_642 : vector<16xf32> to vector<1x16xf32>
      tpu.vector_store %arg8[%parallel_loop3A_643, %parallel_loop3A_644], %parallel_loop3A_647 {strides = array<i32>} : memref<64x768xf32, #tpu.memory_space<vmem>>, vector<1x16xf32>,
      %parallel_loop3A_648 = arith.index_cast %parallel_loop3A_15 : i32 to index
      %parallel_loop3A_649 = arith.constant 624 : index
      %parallel_loop3A_650 = tpu.vector_load %arg8[%parallel_loop3A_648, %parallel_loop3A_649] {strides = array<i32>} : memref<64x768xf32, #tpu.memory_space<vmem>>, vector<1x16xf32>,
      %parallel_loop3A_651 = vector.shape_cast %parallel_loop3A_650 : vector<1x16xf32> to vector<16xf32>
      %parallel_loop3A_652 = arith.index_cast %parallel_loop3A_15 : i32 to index
      %parallel_loop3A_653 = arith.constant 624 : index
      %parallel_loop3A_654 = tpu.vector_load %arg9[%parallel_loop3A_652, %parallel_loop3A_653] {strides = array<i32>} : memref<64x768xf32, #tpu.memory_space<vmem>>, vector<1x16xf32>,
      %parallel_loop3A_655 = vector.shape_cast %parallel_loop3A_654 : vector<1x16xf32> to vector<16xf32>
      %parallel_loop3A_656 = arith.mulf %parallel_loop3A_19, %parallel_loop3A_651 : vector<16xf32>
      %parallel_loop3A_657 = arith.mulf %parallel_loop3A_23, %parallel_loop3A_655 : vector<16xf32>
      %parallel_loop3A_658 = arith.addf %parallel_loop3A_656, %parallel_loop3A_657 : vector<16xf32>
      %parallel_loop3A_659 = arith.index_cast %parallel_loop3A_15 : i32 to index
      %parallel_loop3A_660 = arith.constant 624 : index
      %parallel_loop3A_661 = tpu.vector_load %arg8[%parallel_loop3A_659, %parallel_loop3A_660] {strides = array<i32>} : memref<64x768xf32, #tpu.memory_space<vmem>>, vector<1x16xf32>,
      %parallel_loop3A_662 = vector.shape_cast %parallel_loop3A_661 : vector<1x16xf32> to vector<16xf32>
      %parallel_loop3A_663 = vector.shape_cast %parallel_loop3A_658 : vector<16xf32> to vector<1x16xf32>
      tpu.vector_store %arg8[%parallel_loop3A_659, %parallel_loop3A_660], %parallel_loop3A_663 {strides = array<i32>} : memref<64x768xf32, #tpu.memory_space<vmem>>, vector<1x16xf32>,
      %parallel_loop3A_664 = arith.index_cast %parallel_loop3A_15 : i32 to index
      %parallel_loop3A_665 = arith.constant 640 : index
      %parallel_loop3A_666 = tpu.vector_load %arg8[%parallel_loop3A_664, %parallel_loop3A_665] {strides = array<i32>} : memref<64x768xf32, #tpu.memory_space<vmem>>, vector<1x16xf32>,
      %parallel_loop3A_667 = vector.shape_cast %parallel_loop3A_666 : vector<1x16xf32> to vector<16xf32>
      %parallel_loop3A_668 = arith.index_cast %parallel_loop3A_15 : i32 to index
      %parallel_loop3A_669 = arith.constant 640 : index
      %parallel_loop3A_670 = tpu.vector_load %arg9[%parallel_loop3A_668, %parallel_loop3A_669] {strides = array<i32>} : memref<64x768xf32, #tpu.memory_space<vmem>>, vector<1x16xf32>,
      %parallel_loop3A_671 = vector.shape_cast %parallel_loop3A_670 : vector<1x16xf32> to vector<16xf32>
      %parallel_loop3A_672 = arith.mulf %parallel_loop3A_19, %parallel_loop3A_667 : vector<16xf32>
      %parallel_loop3A_673 = arith.mulf %parallel_loop3A_23, %parallel_loop3A_671 : vector<16xf32>
      %parallel_loop3A_674 = arith.addf %parallel_loop3A_672, %parallel_loop3A_673 : vector<16xf32>
      %parallel_loop3A_675 = arith.index_cast %parallel_loop3A_15 : i32 to index
      %parallel_loop3A_676 = arith.constant 640 : index
      %parallel_loop3A_677 = tpu.vector_load %arg8[%parallel_loop3A_675, %parallel_loop3A_676] {strides = array<i32>} : memref<64x768xf32, #tpu.memory_space<vmem>>, vector<1x16xf32>,
      %parallel_loop3A_678 = vector.shape_cast %parallel_loop3A_677 : vector<1x16xf32> to vector<16xf32>
      %parallel_loop3A_679 = vector.shape_cast %parallel_loop3A_674 : vector<16xf32> to vector<1x16xf32>
      tpu.vector_store %arg8[%parallel_loop3A_675, %parallel_loop3A_676], %parallel_loop3A_679 {strides = array<i32>} : memref<64x768xf32, #tpu.memory_space<vmem>>, vector<1x16xf32>,
      %parallel_loop3A_680 = arith.index_cast %parallel_loop3A_15 : i32 to index
      %parallel_loop3A_681 = arith.constant 656 : index
      %parallel_loop3A_682 = tpu.vector_load %arg8[%parallel_loop3A_680, %parallel_loop3A_681] {strides = array<i32>} : memref<64x768xf32, #tpu.memory_space<vmem>>, vector<1x16xf32>,
      %parallel_loop3A_683 = vector.shape_cast %parallel_loop3A_682 : vector<1x16xf32> to vector<16xf32>
      %parallel_loop3A_684 = arith.index_cast %parallel_loop3A_15 : i32 to index
      %parallel_loop3A_685 = arith.constant 656 : index
      %parallel_loop3A_686 = tpu.vector_load %arg9[%parallel_loop3A_684, %parallel_loop3A_685] {strides = array<i32>} : memref<64x768xf32, #tpu.memory_space<vmem>>, vector<1x16xf32>,
      %parallel_loop3A_687 = vector.shape_cast %parallel_loop3A_686 : vector<1x16xf32> to vector<16xf32>
      %parallel_loop3A_688 = arith.mulf %parallel_loop3A_19, %parallel_loop3A_683 : vector<16xf32>
      %parallel_loop3A_689 = arith.mulf %parallel_loop3A_23, %parallel_loop3A_687 : vector<16xf32>
      %parallel_loop3A_690 = arith.addf %parallel_loop3A_688, %parallel_loop3A_689 : vector<16xf32>
      %parallel_loop3A_691 = arith.index_cast %parallel_loop3A_15 : i32 to index
      %parallel_loop3A_692 = arith.constant 656 : index
      %parallel_loop3A_693 = tpu.vector_load %arg8[%parallel_loop3A_691, %parallel_loop3A_692] {strides = array<i32>} : memref<64x768xf32, #tpu.memory_space<vmem>>, vector<1x16xf32>,
      %parallel_loop3A_694 = vector.shape_cast %parallel_loop3A_693 : vector<1x16xf32> to vector<16xf32>
      %parallel_loop3A_695 = vector.shape_cast %parallel_loop3A_690 : vector<16xf32> to vector<1x16xf32>
      tpu.vector_store %arg8[%parallel_loop3A_691, %parallel_loop3A_692], %parallel_loop3A_695 {strides = array<i32>} : memref<64x768xf32, #tpu.memory_space<vmem>>, vector<1x16xf32>,
      %parallel_loop3A_696 = arith.index_cast %parallel_loop3A_15 : i32 to index
      %parallel_loop3A_697 = arith.constant 672 : index
      %parallel_loop3A_698 = tpu.vector_load %arg8[%parallel_loop3A_696, %parallel_loop3A_697] {strides = array<i32>} : memref<64x768xf32, #tpu.memory_space<vmem>>, vector<1x16xf32>,
      %parallel_loop3A_699 = vector.shape_cast %parallel_loop3A_698 : vector<1x16xf32> to vector<16xf32>
      %parallel_loop3A_700 = arith.index_cast %parallel_loop3A_15 : i32 to index
      %parallel_loop3A_701 = arith.constant 672 : index
      %parallel_loop3A_702 = tpu.vector_load %arg9[%parallel_loop3A_700, %parallel_loop3A_701] {strides = array<i32>} : memref<64x768xf32, #tpu.memory_space<vmem>>, vector<1x16xf32>,
      %parallel_loop3A_703 = vector.shape_cast %parallel_loop3A_702 : vector<1x16xf32> to vector<16xf32>
      %parallel_loop3A_704 = arith.mulf %parallel_loop3A_19, %parallel_loop3A_699 : vector<16xf32>
      %parallel_loop3A_705 = arith.mulf %parallel_loop3A_23, %parallel_loop3A_703 : vector<16xf32>
      %parallel_loop3A_706 = arith.addf %parallel_loop3A_704, %parallel_loop3A_705 : vector<16xf32>
      %parallel_loop3A_707 = arith.index_cast %parallel_loop3A_15 : i32 to index
      %parallel_loop3A_708 = arith.constant 672 : index
      %parallel_loop3A_709 = tpu.vector_load %arg8[%parallel_loop3A_707, %parallel_loop3A_708] {strides = array<i32>} : memref<64x768xf32, #tpu.memory_space<vmem>>, vector<1x16xf32>,
      %parallel_loop3A_710 = vector.shape_cast %parallel_loop3A_709 : vector<1x16xf32> to vector<16xf32>
      %parallel_loop3A_711 = vector.shape_cast %parallel_loop3A_706 : vector<16xf32> to vector<1x16xf32>
      tpu.vector_store %arg8[%parallel_loop3A_707, %parallel_loop3A_708], %parallel_loop3A_711 {strides = array<i32>} : memref<64x768xf32, #tpu.memory_space<vmem>>, vector<1x16xf32>,
      %parallel_loop3A_712 = arith.index_cast %parallel_loop3A_15 : i32 to index
      %parallel_loop3A_713 = arith.constant 688 : index
      %parallel_loop3A_714 = tpu.vector_load %arg8[%parallel_loop3A_712, %parallel_loop3A_713] {strides = array<i32>} : memref<64x768xf32, #tpu.memory_space<vmem>>, vector<1x16xf32>,
      %parallel_loop3A_715 = vector.shape_cast %parallel_loop3A_714 : vector<1x16xf32> to vector<16xf32>
      %parallel_loop3A_716 = arith.index_cast %parallel_loop3A_15 : i32 to index
      %parallel_loop3A_717 = arith.constant 688 : index
      %parallel_loop3A_718 = tpu.vector_load %arg9[%parallel_loop3A_716, %parallel_loop3A_717] {strides = array<i32>} : memref<64x768xf32, #tpu.memory_space<vmem>>, vector<1x16xf32>,
      %parallel_loop3A_719 = vector.shape_cast %parallel_loop3A_718 : vector<1x16xf32> to vector<16xf32>
      %parallel_loop3A_720 = arith.mulf %parallel_loop3A_19, %parallel_loop3A_715 : vector<16xf32>
      %parallel_loop3A_721 = arith.mulf %parallel_loop3A_23, %parallel_loop3A_719 : vector<16xf32>
      %parallel_loop3A_722 = arith.addf %parallel_loop3A_720, %parallel_loop3A_721 : vector<16xf32>
      %parallel_loop3A_723 = arith.index_cast %parallel_loop3A_15 : i32 to index
      %parallel_loop3A_724 = arith.constant 688 : index
      %parallel_loop3A_725 = tpu.vector_load %arg8[%parallel_loop3A_723, %parallel_loop3A_724] {strides = array<i32>} : memref<64x768xf32, #tpu.memory_space<vmem>>, vector<1x16xf32>,
      %parallel_loop3A_726 = vector.shape_cast %parallel_loop3A_725 : vector<1x16xf32> to vector<16xf32>
      %parallel_loop3A_727 = vector.shape_cast %parallel_loop3A_722 : vector<16xf32> to vector<1x16xf32>
      tpu.vector_store %arg8[%parallel_loop3A_723, %parallel_loop3A_724], %parallel_loop3A_727 {strides = array<i32>} : memref<64x768xf32, #tpu.memory_space<vmem>>, vector<1x16xf32>,
      %parallel_loop3A_728 = arith.index_cast %parallel_loop3A_15 : i32 to index
      %parallel_loop3A_729 = arith.constant 704 : index
      %parallel_loop3A_730 = tpu.vector_load %arg8[%parallel_loop3A_728, %parallel_loop3A_729] {strides = array<i32>} : memref<64x768xf32, #tpu.memory_space<vmem>>, vector<1x16xf32>,
      %parallel_loop3A_731 = vector.shape_cast %parallel_loop3A_730 : vector<1x16xf32> to vector<16xf32>
      %parallel_loop3A_732 = arith.index_cast %parallel_loop3A_15 : i32 to index
      %parallel_loop3A_733 = arith.constant 704 : index
      %parallel_loop3A_734 = tpu.vector_load %arg9[%parallel_loop3A_732, %parallel_loop3A_733] {strides = array<i32>} : memref<64x768xf32, #tpu.memory_space<vmem>>, vector<1x16xf32>,
      %parallel_loop3A_735 = vector.shape_cast %parallel_loop3A_734 : vector<1x16xf32> to vector<16xf32>
      %parallel_loop3A_736 = arith.mulf %parallel_loop3A_19, %parallel_loop3A_731 : vector<16xf32>
      %parallel_loop3A_737 = arith.mulf %parallel_loop3A_23, %parallel_loop3A_735 : vector<16xf32>
      %parallel_loop3A_738 = arith.addf %parallel_loop3A_736, %parallel_loop3A_737 : vector<16xf32>
      %parallel_loop3A_739 = arith.index_cast %parallel_loop3A_15 : i32 to index
      %parallel_loop3A_740 = arith.constant 704 : index
      %parallel_loop3A_741 = tpu.vector_load %arg8[%parallel_loop3A_739, %parallel_loop3A_740] {strides = array<i32>} : memref<64x768xf32, #tpu.memory_space<vmem>>, vector<1x16xf32>,
      %parallel_loop3A_742 = vector.shape_cast %parallel_loop3A_741 : vector<1x16xf32> to vector<16xf32>
      %parallel_loop3A_743 = vector.shape_cast %parallel_loop3A_738 : vector<16xf32> to vector<1x16xf32>
      tpu.vector_store %arg8[%parallel_loop3A_739, %parallel_loop3A_740], %parallel_loop3A_743 {strides = array<i32>} : memref<64x768xf32, #tpu.memory_space<vmem>>, vector<1x16xf32>,
      %parallel_loop3A_744 = arith.index_cast %parallel_loop3A_15 : i32 to index
      %parallel_loop3A_745 = arith.constant 720 : index
      %parallel_loop3A_746 = tpu.vector_load %arg8[%parallel_loop3A_744, %parallel_loop3A_745] {strides = array<i32>} : memref<64x768xf32, #tpu.memory_space<vmem>>, vector<1x16xf32>,
      %parallel_loop3A_747 = vector.shape_cast %parallel_loop3A_746 : vector<1x16xf32> to vector<16xf32>
      %parallel_loop3A_748 = arith.index_cast %parallel_loop3A_15 : i32 to index
      %parallel_loop3A_749 = arith.constant 720 : index
      %parallel_loop3A_750 = tpu.vector_load %arg9[%parallel_loop3A_748, %parallel_loop3A_749] {strides = array<i32>} : memref<64x768xf32, #tpu.memory_space<vmem>>, vector<1x16xf32>,
      %parallel_loop3A_751 = vector.shape_cast %parallel_loop3A_750 : vector<1x16xf32> to vector<16xf32>
      %parallel_loop3A_752 = arith.mulf %parallel_loop3A_19, %parallel_loop3A_747 : vector<16xf32>
      %parallel_loop3A_753 = arith.mulf %parallel_loop3A_23, %parallel_loop3A_751 : vector<16xf32>
      %parallel_loop3A_754 = arith.addf %parallel_loop3A_752, %parallel_loop3A_753 : vector<16xf32>
      %parallel_loop3A_755 = arith.index_cast %parallel_loop3A_15 : i32 to index
      %parallel_loop3A_756 = arith.constant 720 : index
      %parallel_loop3A_757 = tpu.vector_load %arg8[%parallel_loop3A_755, %parallel_loop3A_756] {strides = array<i32>} : memref<64x768xf32, #tpu.memory_space<vmem>>, vector<1x16xf32>,
      %parallel_loop3A_758 = vector.shape_cast %parallel_loop3A_757 : vector<1x16xf32> to vector<16xf32>
      %parallel_loop3A_759 = vector.shape_cast %parallel_loop3A_754 : vector<16xf32> to vector<1x16xf32>
      tpu.vector_store %arg8[%parallel_loop3A_755, %parallel_loop3A_756], %parallel_loop3A_759 {strides = array<i32>} : memref<64x768xf32, #tpu.memory_space<vmem>>, vector<1x16xf32>,
      %parallel_loop3A_760 = arith.index_cast %parallel_loop3A_15 : i32 to index
      %parallel_loop3A_761 = arith.constant 736 : index
      %parallel_loop3A_762 = tpu.vector_load %arg8[%parallel_loop3A_760, %parallel_loop3A_761] {strides = array<i32>} : memref<64x768xf32, #tpu.memory_space<vmem>>, vector<1x16xf32>,
      %parallel_loop3A_763 = vector.shape_cast %parallel_loop3A_762 : vector<1x16xf32> to vector<16xf32>
      %parallel_loop3A_764 = arith.index_cast %parallel_loop3A_15 : i32 to index
      %parallel_loop3A_765 = arith.constant 736 : index
      %parallel_loop3A_766 = tpu.vector_load %arg9[%parallel_loop3A_764, %parallel_loop3A_765] {strides = array<i32>} : memref<64x768xf32, #tpu.memory_space<vmem>>, vector<1x16xf32>,
      %parallel_loop3A_767 = vector.shape_cast %parallel_loop3A_766 : vector<1x16xf32> to vector<16xf32>
      %parallel_loop3A_768 = arith.mulf %parallel_loop3A_19, %parallel_loop3A_763 : vector<16xf32>
      %parallel_loop3A_769 = arith.mulf %parallel_loop3A_23, %parallel_loop3A_767 : vector<16xf32>
      %parallel_loop3A_770 = arith.addf %parallel_loop3A_768, %parallel_loop3A_769 : vector<16xf32>
      %parallel_loop3A_771 = arith.index_cast %parallel_loop3A_15 : i32 to index
      %parallel_loop3A_772 = arith.constant 736 : index
      %parallel_loop3A_773 = tpu.vector_load %arg8[%parallel_loop3A_771, %parallel_loop3A_772] {strides = array<i32>} : memref<64x768xf32, #tpu.memory_space<vmem>>, vector<1x16xf32>,
      %parallel_loop3A_774 = vector.shape_cast %parallel_loop3A_773 : vector<1x16xf32> to vector<16xf32>
      %parallel_loop3A_775 = vector.shape_cast %parallel_loop3A_770 : vector<16xf32> to vector<1x16xf32>
      tpu.vector_store %arg8[%parallel_loop3A_771, %parallel_loop3A_772], %parallel_loop3A_775 {strides = array<i32>} : memref<64x768xf32, #tpu.memory_space<vmem>>, vector<1x16xf32>,
      %parallel_loop3A_776 = arith.index_cast %parallel_loop3A_15 : i32 to index
      %parallel_loop3A_777 = arith.constant 752 : index
      %parallel_loop3A_778 = tpu.vector_load %arg8[%parallel_loop3A_776, %parallel_loop3A_777] {strides = array<i32>} : memref<64x768xf32, #tpu.memory_space<vmem>>, vector<1x16xf32>,
      %parallel_loop3A_779 = vector.shape_cast %parallel_loop3A_778 : vector<1x16xf32> to vector<16xf32>
      %parallel_loop3A_780 = arith.index_cast %parallel_loop3A_15 : i32 to index
      %parallel_loop3A_781 = arith.constant 752 : index
      %parallel_loop3A_782 = tpu.vector_load %arg9[%parallel_loop3A_780, %parallel_loop3A_781] {strides = array<i32>} : memref<64x768xf32, #tpu.memory_space<vmem>>, vector<1x16xf32>,
      %parallel_loop3A_783 = vector.shape_cast %parallel_loop3A_782 : vector<1x16xf32> to vector<16xf32>
      %parallel_loop3A_784 = arith.mulf %parallel_loop3A_19, %parallel_loop3A_779 : vector<16xf32>
      %parallel_loop3A_785 = arith.mulf %parallel_loop3A_23, %parallel_loop3A_783 : vector<16xf32>
      %parallel_loop3A_786 = arith.addf %parallel_loop3A_784, %parallel_loop3A_785 : vector<16xf32>
      %parallel_loop3A_787 = arith.index_cast %parallel_loop3A_15 : i32 to index
      %parallel_loop3A_788 = arith.constant 752 : index
      %parallel_loop3A_789 = tpu.vector_load %arg8[%parallel_loop3A_787, %parallel_loop3A_788] {strides = array<i32>} : memref<64x768xf32, #tpu.memory_space<vmem>>, vector<1x16xf32>,
      %parallel_loop3A_790 = vector.shape_cast %parallel_loop3A_789 : vector<1x16xf32> to vector<16xf32>
      %parallel_loop3A_791 = vector.shape_cast %parallel_loop3A_786 : vector<16xf32> to vector<1x16xf32>
      tpu.vector_store %arg8[%parallel_loop3A_787, %parallel_loop3A_788], %parallel_loop3A_791 {strides = array<i32>} : memref<64x768xf32, #tpu.memory_space<vmem>>, vector<1x16xf32>,
    } {sc.loop_unroll_factor = 4 : i64, sc.parallel_access}
    "tpu.region"() ({
      %run_scoped3A = tpu.sem_alloc : memref<!tpu.dma_semaphore, #tpu.memory_space<semaphore_mem>>
      %dma_start3A_15 = arith.constant 0 : i32
      %dma_start3A_16 = tpu.memref_slice %arg7[%mul3A_2, %dma_start3A_15] : memref<2048x768xf32, #tpu.memory_space<hbm>> -> memref<64x768xf32, #tpu.memory_space<hbm>>
      %dma_start3A_17 = arith.constant 0 : i32
      %dma_start3A_18 = tpu.memref_slice %arg7[%mul3A_2, %dma_start3A_17] : memref<2048x768xf32, #tpu.memory_space<hbm>> -> memref<64x768xf32, #tpu.memory_space<hbm>>
      tpu.enqueue_dma source(%arg8 : memref<64x768xf32, #tpu.memory_space<vmem>>) target(%dma_start3A_18 : memref<64x768xf32, #tpu.memory_space<hbm>>) target_semaphore(%run_scoped3A : memref<!tpu.dma_semaphore, #tpu.memory_space<semaphore_mem>>)
      %dma_wait3A_19 = arith.constant 0 : i32
      %dma_wait3A_20 = tpu.memref_slice %arg7[%mul3A_2, %dma_wait3A_19] : memref<2048x768xf32, #tpu.memory_space<hbm>> -> memref<64x768xf32, #tpu.memory_space<hbm>>
      %dma_wait3A_21 = arith.constant 0 : i32
      %dma_wait3A_22 = tpu.memref_slice %arg7[%mul3A_2, %dma_wait3A_21] : memref<2048x768xf32, #tpu.memory_space<hbm>> -> memref<64x768xf32, #tpu.memory_space<hbm>>
      tpu.wait_dma2 semaphore(%run_scoped3A : memref<!tpu.dma_semaphore, #tpu.memory_space<semaphore_mem>>) src(%arg8 : memref<64x768xf32, #tpu.memory_space<vmem>>) dst(%dma_wait3A_22 : memref<64x768xf32, #tpu.memory_space<hbm>>)
      tpu.yield
    }) : () -> ()
    return
  }
}

#map = affine_map<(d0, d1) -> (0, 0)>
#map1 = affine_map<(d0, d1) -> (0)>
module attributes {stable_mosaic.version = 14 : i64} {
  func.func @_dispatch_body(%arg0: i32, %arg1: i32, %arg2: memref<2048x768xf32, #tpu.memory_space<hbm>>, %arg3: memref<2048xi32, #tpu.memory_space<hbm>>, %arg4: memref<2048xi32, #tpu.memory_space<hbm>>, %arg5: memref<5128x768xf32, #tpu.memory_space<hbm>>, %arg6: memref<64x768xf32, #tpu.memory_space<vmem>>, %arg7: memref<64xi32, #tpu.memory_space<vmem>>, %arg8: memref<64xi32, #tpu.memory_space<vmem>>, %arg9: memref<!tpu.dma_semaphore, #tpu.memory_space<semaphore_mem>>, %arg10: memref<!tpu.dma_semaphore, #tpu.memory_space<semaphore_mem>>) attributes {dimension_semantics = [#tpu.dimension_semantics<core_parallel>, #tpu.dimension_semantics<subcore_parallel>], iteration_bounds = array<i64: 2, 16>, scalar_prefetch = 0 : i64, scratch_operands = 5 : i64, tpu.core_type = #tpu.core_type<sc_vector_subcore>, window_params = [{transform_indices = #map}, {transform_indices = #map1}, {transform_indices = #map1}, {transform_indices = #map}]} {
    %mul3A = arith.constant 2 : i32
    %mul3A_0 = arith.muli %arg1, %mul3A : i32
    %add3A = arith.addi %mul3A_0, %arg0 : i32
    %mul3A_1 = arith.constant 64 : i32
    %mul3A_2 = arith.muli %add3A, %mul3A_1 : i32
    "tpu.region"() ({
      %run_scoped3A = tpu.sem_alloc : memref<!tpu.dma_semaphore, #tpu.memory_space<semaphore_mem>>
      %dma_start3A_13 = tpu.memref_slice %arg3[%mul3A_2] : memref<2048xi32, #tpu.memory_space<hbm>> -> memref<64xi32, #tpu.memory_space<hbm>>
      %dma_start3A_14 = tpu.memref_slice %arg3[%mul3A_2] : memref<2048xi32, #tpu.memory_space<hbm>> -> memref<64xi32, #tpu.memory_space<hbm>>
      tpu.enqueue_dma source(%dma_start3A_14 : memref<64xi32, #tpu.memory_space<hbm>>) target(%arg7 : memref<64xi32, #tpu.memory_space<vmem>>) target_semaphore(%run_scoped3A : memref<!tpu.dma_semaphore, #tpu.memory_space<semaphore_mem>>)
      %dma_wait3A_15 = tpu.memref_slice %arg3[%mul3A_2] : memref<2048xi32, #tpu.memory_space<hbm>> -> memref<64xi32, #tpu.memory_space<hbm>>
      %dma_wait3A_16 = tpu.memref_slice %arg3[%mul3A_2] : memref<2048xi32, #tpu.memory_space<hbm>> -> memref<64xi32, #tpu.memory_space<hbm>>
      tpu.wait_dma2 semaphore(%run_scoped3A : memref<!tpu.dma_semaphore, #tpu.memory_space<semaphore_mem>>) src(%dma_wait3A_16 : memref<64xi32, #tpu.memory_space<hbm>>) dst(%arg7 : memref<64xi32, #tpu.memory_space<vmem>>)
      tpu.yield
    }) : () -> ()
    "tpu.region"() ({
      %run_scoped3A = tpu.sem_alloc : memref<!tpu.dma_semaphore, #tpu.memory_space<semaphore_mem>>
      %dma_start3A_13 = tpu.memref_slice %arg4[%mul3A_2] : memref<2048xi32, #tpu.memory_space<hbm>> -> memref<64xi32, #tpu.memory_space<hbm>>
      %dma_start3A_14 = tpu.memref_slice %arg4[%mul3A_2] : memref<2048xi32, #tpu.memory_space<hbm>> -> memref<64xi32, #tpu.memory_space<hbm>>
      tpu.enqueue_dma source(%dma_start3A_14 : memref<64xi32, #tpu.memory_space<hbm>>) target(%arg8 : memref<64xi32, #tpu.memory_space<vmem>>) target_semaphore(%run_scoped3A : memref<!tpu.dma_semaphore, #tpu.memory_space<semaphore_mem>>)
      %dma_wait3A_15 = tpu.memref_slice %arg4[%mul3A_2] : memref<2048xi32, #tpu.memory_space<hbm>> -> memref<64xi32, #tpu.memory_space<hbm>>
      %dma_wait3A_16 = tpu.memref_slice %arg4[%mul3A_2] : memref<2048xi32, #tpu.memory_space<hbm>> -> memref<64xi32, #tpu.memory_space<hbm>>
      tpu.wait_dma2 semaphore(%run_scoped3A : memref<!tpu.dma_semaphore, #tpu.memory_space<semaphore_mem>>) src(%dma_wait3A_16 : memref<64xi32, #tpu.memory_space<hbm>>) dst(%arg8 : memref<64xi32, #tpu.memory_space<vmem>>)
      tpu.yield
    }) : () -> ()
    "tpu.region"() ({
      %run_scoped3A = tpu.sem_alloc : memref<!tpu.dma_semaphore, #tpu.memory_space<semaphore_mem>>
      %dma_start3A_13 = arith.constant 0 : i32
      %dma_start3A_14 = tpu.memref_slice %arg2[%mul3A_2, %dma_start3A_13] : memref<2048x768xf32, #tpu.memory_space<hbm>> -> memref<64x768xf32, #tpu.memory_space<hbm>>
      %dma_start3A_15 = arith.constant 0 : i32
      %dma_start3A_16 = tpu.memref_slice %arg2[%mul3A_2, %dma_start3A_15] : memref<2048x768xf32, #tpu.memory_space<hbm>> -> memref<64x768xf32, #tpu.memory_space<hbm>>
      tpu.enqueue_dma source(%dma_start3A_16 : memref<64x768xf32, #tpu.memory_space<hbm>>) target(%arg6 : memref<64x768xf32, #tpu.memory_space<vmem>>) target_semaphore(%run_scoped3A : memref<!tpu.dma_semaphore, #tpu.memory_space<semaphore_mem>>)
      %dma_wait3A_17 = arith.constant 0 : i32
      %dma_wait3A_18 = tpu.memref_slice %arg2[%mul3A_2, %dma_wait3A_17] : memref<2048x768xf32, #tpu.memory_space<hbm>> -> memref<64x768xf32, #tpu.memory_space<hbm>>
      %dma_wait3A_19 = arith.constant 0 : i32
      %dma_wait3A_20 = tpu.memref_slice %arg2[%mul3A_2, %dma_wait3A_19] : memref<2048x768xf32, #tpu.memory_space<hbm>> -> memref<64x768xf32, #tpu.memory_space<hbm>>
      tpu.wait_dma2 semaphore(%run_scoped3A : memref<!tpu.dma_semaphore, #tpu.memory_space<semaphore_mem>>) src(%dma_wait3A_20 : memref<64x768xf32, #tpu.memory_space<hbm>>) dst(%arg6 : memref<64x768xf32, #tpu.memory_space<vmem>>)
      tpu.yield
    }) : () -> ()
    %dma_start3A = arith.constant 0 : i32
    %dma_start3A_3 = arith.constant 0 : i32
    %dma_start3A_4 = tpu.memref_slice %arg5[%dma_start3A, %dma_start3A_3] : memref<5128x768xf32, #tpu.memory_space<hbm>> -> memref<5128x768xf32, #tpu.memory_space<hbm>>
    tpu.enqueue_indirect_dma source(%arg6 : memref<64x768xf32, #tpu.memory_space<vmem>>) target(%dma_start3A_4 : memref<5128x768xf32, #tpu.memory_space<hbm>>) offsets(%arg7 : memref<64xi32, #tpu.memory_space<vmem>>) semaphore(%arg9 : memref<!tpu.dma_semaphore, #tpu.memory_space<semaphore_mem>>)
    %dma_start3A_5 = arith.constant 0 : i32
    %dma_start3A_6 = arith.constant 0 : i32
    %dma_start3A_7 = tpu.memref_slice %arg5[%dma_start3A_5, %dma_start3A_6] : memref<5128x768xf32, #tpu.memory_space<hbm>> -> memref<5128x768xf32, #tpu.memory_space<hbm>>
    tpu.enqueue_indirect_dma source(%arg6 : memref<64x768xf32, #tpu.memory_space<vmem>>) target(%dma_start3A_7 : memref<5128x768xf32, #tpu.memory_space<hbm>>) offsets(%arg8 : memref<64xi32, #tpu.memory_space<vmem>>) semaphore(%arg10 : memref<!tpu.dma_semaphore, #tpu.memory_space<semaphore_mem>>)
    %dma_wait3A = arith.constant 0 : i32
    %dma_wait3A_8 = arith.constant 0 : i32
    %dma_wait3A_9 = tpu.memref_slice %arg5[%dma_wait3A, %dma_wait3A_8] : memref<5128x768xf32, #tpu.memory_space<hbm>> -> memref<5128x768xf32, #tpu.memory_space<hbm>>
    tpu.wait_indirect_dma semaphore(%arg9 : memref<!tpu.dma_semaphore, #tpu.memory_space<semaphore_mem>>) src(%arg6 : memref<64x768xf32, #tpu.memory_space<vmem>>) dst(%dma_wait3A_9 : memref<5128x768xf32, #tpu.memory_space<hbm>>)
    %dma_wait3A_10 = arith.constant 0 : i32
    %dma_wait3A_11 = arith.constant 0 : i32
    %dma_wait3A_12 = tpu.memref_slice %arg5[%dma_wait3A_10, %dma_wait3A_11] : memref<5128x768xf32, #tpu.memory_space<hbm>> -> memref<5128x768xf32, #tpu.memory_space<hbm>>
    tpu.wait_indirect_dma semaphore(%arg10 : memref<!tpu.dma_semaphore, #tpu.memory_space<semaphore_mem>>) src(%arg6 : memref<64x768xf32, #tpu.memory_space<vmem>>) dst(%dma_wait3A_12 : memref<5128x768xf32, #tpu.memory_space<hbm>>)
    return
  }
}

module attributes {stable_mosaic.version = 14 : i64} {
  func.func @_gating_body(%arg0: memref<2048x768xf32, #tpu.memory_space<vmem>>, %arg1: memref<768x64xf32, #tpu.memory_space<vmem>>, %arg2: memref<2048x1xi32, #tpu.memory_space<vmem>>, %arg3: memref<2048x1xi32, #tpu.memory_space<vmem>>, %arg4: memref<2048x1xi32, #tpu.memory_space<vmem>>, %arg5: memref<2048x1xi32, #tpu.memory_space<vmem>>, %arg6: memref<2048x16xf32, #tpu.memory_space<vmem>>, %arg7: memref<2048x16xf32, #tpu.memory_space<vmem>>, %arg8: memref<1x64xi32, #tpu.memory_space<vmem>>) attributes {dimension_semantics = [], scalar_prefetch = 0 : i64, scratch_operands = 0 : i64, tpu.core_type = #tpu.core_type<tc>} {
    %get3A = arith.constant 0 : index
    %get3A_0 = arith.constant 0 : index
    %get3A_1 = vector.load %arg0[%get3A, %get3A_0] : memref<2048x768xf32, #tpu.memory_space<vmem>>, vector<2048x768xf32>
    %get3A_2 = arith.constant 0 : index
    %get3A_3 = arith.constant 0 : index
    %get3A_4 = vector.load %arg1[%get3A_2, %get3A_3] : memref<768x64xf32, #tpu.memory_space<vmem>>, vector<768x64xf32>
    %dot_general3A = arith.constant dense<0.000000e+00> : vector<2048x64xf32>
    %dot_general3A_5 = tpu.matmul %get3A_1, %get3A_4, %dot_general3A {dimension_numbers = #tpu.dot_dimension_numbers<[1], [0], [0], [1], [0, 0, 1, 1], [], []>, transpose_lhs_hint = false} : vector<2048x768xf32>, vector<768x64xf32>, vector<2048x64xf32> -> vector<2048x64xf32>
    %reduce_max3A = arith.constant dense<0xFF800000> : vector<2048xf32>
    %reduce_max3A_6 = vector.multi_reduction <maximumf>, %dot_general3A_5, %reduce_max3A [1] : vector<2048x64xf32> to vector<2048xf32>
    %broadcast_in_dim3A = vector.shape_cast %reduce_max3A_6 : vector<2048xf32> to vector<2048x1xf32>
    %sub3A = vector.broadcast %broadcast_in_dim3A : vector<2048x1xf32> to vector<2048x64xf32>
    %sub3A_7 = arith.subf %dot_general3A_5, %sub3A : vector<2048x64xf32>
    %exp3A = math.exp %sub3A_7 : vector<2048x64xf32>
    %reduce_sum3A = arith.constant dense<0.000000e+00> : vector<2048xf32>
    %reduce_sum3A_8 = vector.multi_reduction <add>, %exp3A, %reduce_sum3A [1] : vector<2048x64xf32> to vector<2048xf32>
    %broadcast_in_dim3A_9 = vector.shape_cast %reduce_sum3A_8 : vector<2048xf32> to vector<2048x1xf32>
    %div3A = vector.broadcast %broadcast_in_dim3A_9 : vector<2048x1xf32> to vector<2048x64xf32>
    %div3A_10 = arith.divf %exp3A, %div3A : vector<2048x64xf32>
    %iota3A = tpu.iota {dimensions = array<i32: 1>} : vector<2048x64xi32>
    %reduce_max3A_11 = arith.constant dense<0xFF800000> : vector<2048xf32>
    %reduce_max3A_12 = vector.multi_reduction <maximumf>, %div3A_10, %reduce_max3A_11 [1] : vector<2048x64xf32> to vector<2048xf32>
    %broadcast_in_dim3A_13 = vector.shape_cast %reduce_max3A_12 : vector<2048xf32> to vector<2048x1xf32>
    %eq3A = vector.broadcast %broadcast_in_dim3A_13 : vector<2048x1xf32> to vector<2048x64xf32>
    %eq3A_14 = arith.cmpf oeq, %div3A_10, %eq3A : vector<2048x64xf32>
    %jit3A = arith.constant 64 : i32
    %broadcast_in_dim3A_15 = vector.broadcast %jit3A : i32 to vector<2048x64xi32>
    %select_n3A = arith.select %eq3A_14, %iota3A, %broadcast_in_dim3A_15 : vector<2048x64xi1>, vector<2048x64xi32>
    %reduce_min3A = arith.constant dense<2147483647> : vector<2048xi32>
    %reduce_min3A_16 = vector.multi_reduction <minsi>, %select_n3A, %reduce_min3A [1] : vector<2048x64xi32> to vector<2048xi32>
    %broadcast_in_dim3A_17 = vector.shape_cast %reduce_min3A_16 : vector<2048xi32> to vector<2048x1xi32>
    %eq3A_18 = vector.broadcast %broadcast_in_dim3A_17 : vector<2048x1xi32> to vector<2048x64xi32>
    %eq3A_19 = arith.cmpi eq, %iota3A, %eq3A_18 : vector<2048x64xi32>
    %convert_element_type3A = arith.extui %eq3A_19 : vector<2048x64xi1> to vector<2048x64xi32>
    %convert_element_type3A_20 = arith.sitofp %convert_element_type3A : vector<2048x64xi32> to vector<2048x64xf32>
    %sub3A_21 = arith.constant 1.000000e+00 : f32
    %sub3A_22 = vector.broadcast %sub3A_21 : f32 to vector<2048x64xf32>
    %sub3A_23 = arith.subf %sub3A_22, %convert_element_type3A_20 : vector<2048x64xf32>
    %mul3A = arith.mulf %div3A_10, %sub3A_23 : vector<2048x64xf32>
    %reduce_max3A_24 = arith.constant dense<0xFF800000> : vector<2048xf32>
    %reduce_max3A_25 = vector.multi_reduction <maximumf>, %mul3A, %reduce_max3A_24 [1] : vector<2048x64xf32> to vector<2048xf32>
    %broadcast_in_dim3A_26 = vector.shape_cast %reduce_max3A_25 : vector<2048xf32> to vector<2048x1xf32>
    %eq3A_27 = vector.broadcast %broadcast_in_dim3A_26 : vector<2048x1xf32> to vector<2048x64xf32>
    %eq3A_28 = arith.cmpf oeq, %mul3A, %eq3A_27 : vector<2048x64xf32>
    %jit3A_29 = arith.constant 64 : i32
    %broadcast_in_dim3A_30 = vector.broadcast %jit3A_29 : i32 to vector<2048x64xi32>
    %select_n3A_31 = arith.select %eq3A_28, %iota3A, %broadcast_in_dim3A_30 : vector<2048x64xi1>, vector<2048x64xi32>
    %reduce_min3A_32 = arith.constant dense<2147483647> : vector<2048xi32>
    %reduce_min3A_33 = vector.multi_reduction <minsi>, %select_n3A_31, %reduce_min3A_32 [1] : vector<2048x64xi32> to vector<2048xi32>
    %broadcast_in_dim3A_34 = vector.shape_cast %reduce_min3A_33 : vector<2048xi32> to vector<2048x1xi32>
    %eq3A_35 = vector.broadcast %broadcast_in_dim3A_34 : vector<2048x1xi32> to vector<2048x64xi32>
    %eq3A_36 = arith.cmpi eq, %iota3A, %eq3A_35 : vector<2048x64xi32>
    %convert_element_type3A_37 = arith.extui %eq3A_36 : vector<2048x64xi1> to vector<2048x64xi32>
    %convert_element_type3A_38 = arith.sitofp %convert_element_type3A_37 : vector<2048x64xi32> to vector<2048x64xf32>
    %iota3A_39 = tpu.iota {dimensions = array<i32: 0>} : vector<256x256xi32>
    %iota3A_40 = tpu.iota {dimensions = array<i32: 1>} : vector<256x256xi32>
    %gt3A = arith.cmpi sgt, %iota3A_39, %iota3A_40 : vector<256x256xi32>
    %convert_element_type3A_41 = arith.extui %gt3A : vector<256x256xi1> to vector<256x256xi32>
    %convert_element_type3A_42 = arith.sitofp %convert_element_type3A_41 : vector<256x256xi32> to vector<256x256xf32>
    %slice3A = vector.extract_strided_slice %convert_element_type3A_20 {offsets = [0, 0], sizes = [256, 64], strides = [1, 1]} : vector<2048x64xf32> to vector<256x64xf32>
    %dot_general3A_43 = arith.constant dense<0.000000e+00> : vector<256x64xf32>
    %dot_general3A_44 = tpu.matmul %convert_element_type3A_42, %slice3A, %dot_general3A_43 {dimension_numbers = #tpu.dot_dimension_numbers<[1], [0], [0], [1], [0, 0, 1, 1], [], []>, transpose_lhs_hint = false} : vector<256x256xf32>, vector<256x64xf32>, vector<256x64xf32> -> vector<256x64xf32>
    %reduce_sum3A_45 = arith.constant dense<0.000000e+00> : vector<64xf32>
    %reduce_sum3A_46 = vector.multi_reduction <add>, %slice3A, %reduce_sum3A_45 [0] : vector<256x64xf32> to vector<64xf32>
    %broadcast_in_dim3A_47 = vector.shape_cast %reduce_sum3A_46 : vector<64xf32> to vector<1x64xf32>
    %slice3A_48 = vector.extract_strided_slice %convert_element_type3A_20 {offsets = [256, 0], sizes = [256, 64], strides = [1, 1]} : vector<2048x64xf32> to vector<256x64xf32>
    %dot_general3A_49 = arith.constant dense<0.000000e+00> : vector<256x64xf32>
    %dot_general3A_50 = tpu.matmul %convert_element_type3A_42, %slice3A_48, %dot_general3A_49 {dimension_numbers = #tpu.dot_dimension_numbers<[1], [0], [0], [1], [0, 0, 1, 1], [], []>, transpose_lhs_hint = false} : vector<256x256xf32>, vector<256x64xf32>, vector<256x64xf32> -> vector<256x64xf32>
    %reduce_sum3A_51 = arith.constant dense<0.000000e+00> : vector<64xf32>
    %reduce_sum3A_52 = vector.multi_reduction <add>, %slice3A_48, %reduce_sum3A_51 [0] : vector<256x64xf32> to vector<64xf32>
    %broadcast_in_dim3A_53 = vector.shape_cast %reduce_sum3A_52 : vector<64xf32> to vector<1x64xf32>
    %slice3A_54 = vector.extract_strided_slice %convert_element_type3A_20 {offsets = [512, 0], sizes = [256, 64], strides = [1, 1]} : vector<2048x64xf32> to vector<256x64xf32>
    %dot_general3A_55 = arith.constant dense<0.000000e+00> : vector<256x64xf32>
    %dot_general3A_56 = tpu.matmul %convert_element_type3A_42, %slice3A_54, %dot_general3A_55 {dimension_numbers = #tpu.dot_dimension_numbers<[1], [0], [0], [1], [0, 0, 1, 1], [], []>, transpose_lhs_hint = false} : vector<256x256xf32>, vector<256x64xf32>, vector<256x64xf32> -> vector<256x64xf32>
    %reduce_sum3A_57 = arith.constant dense<0.000000e+00> : vector<64xf32>
    %reduce_sum3A_58 = vector.multi_reduction <add>, %slice3A_54, %reduce_sum3A_57 [0] : vector<256x64xf32> to vector<64xf32>
    %broadcast_in_dim3A_59 = vector.shape_cast %reduce_sum3A_58 : vector<64xf32> to vector<1x64xf32>
    %slice3A_60 = vector.extract_strided_slice %convert_element_type3A_20 {offsets = [768, 0], sizes = [256, 64], strides = [1, 1]} : vector<2048x64xf32> to vector<256x64xf32>
    %dot_general3A_61 = arith.constant dense<0.000000e+00> : vector<256x64xf32>
    %dot_general3A_62 = tpu.matmul %convert_element_type3A_42, %slice3A_60, %dot_general3A_61 {dimension_numbers = #tpu.dot_dimension_numbers<[1], [0], [0], [1], [0, 0, 1, 1], [], []>, transpose_lhs_hint = false} : vector<256x256xf32>, vector<256x64xf32>, vector<256x64xf32> -> vector<256x64xf32>
    %reduce_sum3A_63 = arith.constant dense<0.000000e+00> : vector<64xf32>
    %reduce_sum3A_64 = vector.multi_reduction <add>, %slice3A_60, %reduce_sum3A_63 [0] : vector<256x64xf32> to vector<64xf32>
    %broadcast_in_dim3A_65 = vector.shape_cast %reduce_sum3A_64 : vector<64xf32> to vector<1x64xf32>
    %slice3A_66 = vector.extract_strided_slice %convert_element_type3A_20 {offsets = [1024, 0], sizes = [256, 64], strides = [1, 1]} : vector<2048x64xf32> to vector<256x64xf32>
    %dot_general3A_67 = arith.constant dense<0.000000e+00> : vector<256x64xf32>
    %dot_general3A_68 = tpu.matmul %convert_element_type3A_42, %slice3A_66, %dot_general3A_67 {dimension_numbers = #tpu.dot_dimension_numbers<[1], [0], [0], [1], [0, 0, 1, 1], [], []>, transpose_lhs_hint = false} : vector<256x256xf32>, vector<256x64xf32>, vector<256x64xf32> -> vector<256x64xf32>
    %reduce_sum3A_69 = arith.constant dense<0.000000e+00> : vector<64xf32>
    %reduce_sum3A_70 = vector.multi_reduction <add>, %slice3A_66, %reduce_sum3A_69 [0] : vector<256x64xf32> to vector<64xf32>
    %broadcast_in_dim3A_71 = vector.shape_cast %reduce_sum3A_70 : vector<64xf32> to vector<1x64xf32>
    %slice3A_72 = vector.extract_strided_slice %convert_element_type3A_20 {offsets = [1280, 0], sizes = [256, 64], strides = [1, 1]} : vector<2048x64xf32> to vector<256x64xf32>
    %dot_general3A_73 = arith.constant dense<0.000000e+00> : vector<256x64xf32>
    %dot_general3A_74 = tpu.matmul %convert_element_type3A_42, %slice3A_72, %dot_general3A_73 {dimension_numbers = #tpu.dot_dimension_numbers<[1], [0], [0], [1], [0, 0, 1, 1], [], []>, transpose_lhs_hint = false} : vector<256x256xf32>, vector<256x64xf32>, vector<256x64xf32> -> vector<256x64xf32>
    %reduce_sum3A_75 = arith.constant dense<0.000000e+00> : vector<64xf32>
    %reduce_sum3A_76 = vector.multi_reduction <add>, %slice3A_72, %reduce_sum3A_75 [0] : vector<256x64xf32> to vector<64xf32>
    %broadcast_in_dim3A_77 = vector.shape_cast %reduce_sum3A_76 : vector<64xf32> to vector<1x64xf32>
    %slice3A_78 = vector.extract_strided_slice %convert_element_type3A_20 {offsets = [1536, 0], sizes = [256, 64], strides = [1, 1]} : vector<2048x64xf32> to vector<256x64xf32>
    %dot_general3A_79 = arith.constant dense<0.000000e+00> : vector<256x64xf32>
    %dot_general3A_80 = tpu.matmul %convert_element_type3A_42, %slice3A_78, %dot_general3A_79 {dimension_numbers = #tpu.dot_dimension_numbers<[1], [0], [0], [1], [0, 0, 1, 1], [], []>, transpose_lhs_hint = false} : vector<256x256xf32>, vector<256x64xf32>, vector<256x64xf32> -> vector<256x64xf32>
    %reduce_sum3A_81 = arith.constant dense<0.000000e+00> : vector<64xf32>
    %reduce_sum3A_82 = vector.multi_reduction <add>, %slice3A_78, %reduce_sum3A_81 [0] : vector<256x64xf32> to vector<64xf32>
    %broadcast_in_dim3A_83 = vector.shape_cast %reduce_sum3A_82 : vector<64xf32> to vector<1x64xf32>
    %slice3A_84 = vector.extract_strided_slice %convert_element_type3A_20 {offsets = [1792, 0], sizes = [256, 64], strides = [1, 1]} : vector<2048x64xf32> to vector<256x64xf32>
    %dot_general3A_85 = arith.constant dense<0.000000e+00> : vector<256x64xf32>
    %dot_general3A_86 = tpu.matmul %convert_element_type3A_42, %slice3A_84, %dot_general3A_85 {dimension_numbers = #tpu.dot_dimension_numbers<[1], [0], [0], [1], [0, 0, 1, 1], [], []>, transpose_lhs_hint = false} : vector<256x256xf32>, vector<256x64xf32>, vector<256x64xf32> -> vector<256x64xf32>
    %reduce_sum3A_87 = arith.constant dense<0.000000e+00> : vector<64xf32>
    %reduce_sum3A_88 = vector.multi_reduction <add>, %slice3A_84, %reduce_sum3A_87 [0] : vector<256x64xf32> to vector<64xf32>
    %broadcast_in_dim3A_89 = vector.shape_cast %reduce_sum3A_88 : vector<64xf32> to vector<1x64xf32>
    %broadcast_in_dim3A_90 = arith.constant 0.000000e+00 : f32
    %broadcast_in_dim3A_91 = vector.broadcast %broadcast_in_dim3A_90 : f32 to vector<1x64xf32>
    %add3A = vector.broadcast %broadcast_in_dim3A_91 : vector<1x64xf32> to vector<256x64xf32>
    %add3A_92 = arith.addf %dot_general3A_44, %add3A : vector<256x64xf32>
    %add3A_93 = arith.addf %broadcast_in_dim3A_91, %broadcast_in_dim3A_47 : vector<1x64xf32>
    %add3A_94 = vector.broadcast %add3A_93 : vector<1x64xf32> to vector<256x64xf32>
    %add3A_95 = arith.addf %dot_general3A_50, %add3A_94 : vector<256x64xf32>
    %add3A_96 = arith.addf %add3A_93, %broadcast_in_dim3A_53 : vector<1x64xf32>
    %add3A_97 = vector.broadcast %add3A_96 : vector<1x64xf32> to vector<256x64xf32>
    %add3A_98 = arith.addf %dot_general3A_56, %add3A_97 : vector<256x64xf32>
    %add3A_99 = arith.addf %add3A_96, %broadcast_in_dim3A_59 : vector<1x64xf32>
    %add3A_100 = vector.broadcast %add3A_99 : vector<1x64xf32> to vector<256x64xf32>
    %add3A_101 = arith.addf %dot_general3A_62, %add3A_100 : vector<256x64xf32>
    %add3A_102 = arith.addf %add3A_99, %broadcast_in_dim3A_65 : vector<1x64xf32>
    %add3A_103 = vector.broadcast %add3A_102 : vector<1x64xf32> to vector<256x64xf32>
    %add3A_104 = arith.addf %dot_general3A_68, %add3A_103 : vector<256x64xf32>
    %add3A_105 = arith.addf %add3A_102, %broadcast_in_dim3A_71 : vector<1x64xf32>
    %add3A_106 = vector.broadcast %add3A_105 : vector<1x64xf32> to vector<256x64xf32>
    %add3A_107 = arith.addf %dot_general3A_74, %add3A_106 : vector<256x64xf32>
    %add3A_108 = arith.addf %add3A_105, %broadcast_in_dim3A_77 : vector<1x64xf32>
    %add3A_109 = vector.broadcast %add3A_108 : vector<1x64xf32> to vector<256x64xf32>
    %add3A_110 = arith.addf %dot_general3A_80, %add3A_109 : vector<256x64xf32>
    %add3A_111 = arith.addf %add3A_108, %broadcast_in_dim3A_83 : vector<1x64xf32>
    %add3A_112 = vector.broadcast %add3A_111 : vector<1x64xf32> to vector<256x64xf32>
    %add3A_113 = arith.addf %dot_general3A_86, %add3A_112 : vector<256x64xf32>
    %add3A_114 = arith.addf %add3A_111, %broadcast_in_dim3A_89 : vector<1x64xf32>
    %concatenate3A = tpu.concatenate %add3A_92, %add3A_95, %add3A_98, %add3A_101, %add3A_104, %add3A_107, %add3A_110, %add3A_113 in 0 : vector<256x64xf32>, vector<256x64xf32>, vector<256x64xf32>, vector<256x64xf32>, vector<256x64xf32>, vector<256x64xf32>, vector<256x64xf32>, vector<256x64xf32> -> vector<2048x64xf32>
    %slice3A_115 = vector.extract_strided_slice %convert_element_type3A_38 {offsets = [0, 0], sizes = [256, 64], strides = [1, 1]} : vector<2048x64xf32> to vector<256x64xf32>
    %dot_general3A_116 = arith.constant dense<0.000000e+00> : vector<256x64xf32>
    %dot_general3A_117 = tpu.matmul %convert_element_type3A_42, %slice3A_115, %dot_general3A_116 {dimension_numbers = #tpu.dot_dimension_numbers<[1], [0], [0], [1], [0, 0, 1, 1], [], []>, transpose_lhs_hint = false} : vector<256x256xf32>, vector<256x64xf32>, vector<256x64xf32> -> vector<256x64xf32>
    %reduce_sum3A_118 = arith.constant dense<0.000000e+00> : vector<64xf32>
    %reduce_sum3A_119 = vector.multi_reduction <add>, %slice3A_115, %reduce_sum3A_118 [0] : vector<256x64xf32> to vector<64xf32>
    %broadcast_in_dim3A_120 = vector.shape_cast %reduce_sum3A_119 : vector<64xf32> to vector<1x64xf32>
    %slice3A_121 = vector.extract_strided_slice %convert_element_type3A_38 {offsets = [256, 0], sizes = [256, 64], strides = [1, 1]} : vector<2048x64xf32> to vector<256x64xf32>
    %dot_general3A_122 = arith.constant dense<0.000000e+00> : vector<256x64xf32>
    %dot_general3A_123 = tpu.matmul %convert_element_type3A_42, %slice3A_121, %dot_general3A_122 {dimension_numbers = #tpu.dot_dimension_numbers<[1], [0], [0], [1], [0, 0, 1, 1], [], []>, transpose_lhs_hint = false} : vector<256x256xf32>, vector<256x64xf32>, vector<256x64xf32> -> vector<256x64xf32>
    %reduce_sum3A_124 = arith.constant dense<0.000000e+00> : vector<64xf32>
    %reduce_sum3A_125 = vector.multi_reduction <add>, %slice3A_121, %reduce_sum3A_124 [0] : vector<256x64xf32> to vector<64xf32>
    %broadcast_in_dim3A_126 = vector.shape_cast %reduce_sum3A_125 : vector<64xf32> to vector<1x64xf32>
    %slice3A_127 = vector.extract_strided_slice %convert_element_type3A_38 {offsets = [512, 0], sizes = [256, 64], strides = [1, 1]} : vector<2048x64xf32> to vector<256x64xf32>
    %dot_general3A_128 = arith.constant dense<0.000000e+00> : vector<256x64xf32>
    %dot_general3A_129 = tpu.matmul %convert_element_type3A_42, %slice3A_127, %dot_general3A_128 {dimension_numbers = #tpu.dot_dimension_numbers<[1], [0], [0], [1], [0, 0, 1, 1], [], []>, transpose_lhs_hint = false} : vector<256x256xf32>, vector<256x64xf32>, vector<256x64xf32> -> vector<256x64xf32>
    %reduce_sum3A_130 = arith.constant dense<0.000000e+00> : vector<64xf32>
    %reduce_sum3A_131 = vector.multi_reduction <add>, %slice3A_127, %reduce_sum3A_130 [0] : vector<256x64xf32> to vector<64xf32>
    %broadcast_in_dim3A_132 = vector.shape_cast %reduce_sum3A_131 : vector<64xf32> to vector<1x64xf32>
    %slice3A_133 = vector.extract_strided_slice %convert_element_type3A_38 {offsets = [768, 0], sizes = [256, 64], strides = [1, 1]} : vector<2048x64xf32> to vector<256x64xf32>
    %dot_general3A_134 = arith.constant dense<0.000000e+00> : vector<256x64xf32>
    %dot_general3A_135 = tpu.matmul %convert_element_type3A_42, %slice3A_133, %dot_general3A_134 {dimension_numbers = #tpu.dot_dimension_numbers<[1], [0], [0], [1], [0, 0, 1, 1], [], []>, transpose_lhs_hint = false} : vector<256x256xf32>, vector<256x64xf32>, vector<256x64xf32> -> vector<256x64xf32>
    %reduce_sum3A_136 = arith.constant dense<0.000000e+00> : vector<64xf32>
    %reduce_sum3A_137 = vector.multi_reduction <add>, %slice3A_133, %reduce_sum3A_136 [0] : vector<256x64xf32> to vector<64xf32>
    %broadcast_in_dim3A_138 = vector.shape_cast %reduce_sum3A_137 : vector<64xf32> to vector<1x64xf32>
    %slice3A_139 = vector.extract_strided_slice %convert_element_type3A_38 {offsets = [1024, 0], sizes = [256, 64], strides = [1, 1]} : vector<2048x64xf32> to vector<256x64xf32>
    %dot_general3A_140 = arith.constant dense<0.000000e+00> : vector<256x64xf32>
    %dot_general3A_141 = tpu.matmul %convert_element_type3A_42, %slice3A_139, %dot_general3A_140 {dimension_numbers = #tpu.dot_dimension_numbers<[1], [0], [0], [1], [0, 0, 1, 1], [], []>, transpose_lhs_hint = false} : vector<256x256xf32>, vector<256x64xf32>, vector<256x64xf32> -> vector<256x64xf32>
    %reduce_sum3A_142 = arith.constant dense<0.000000e+00> : vector<64xf32>
    %reduce_sum3A_143 = vector.multi_reduction <add>, %slice3A_139, %reduce_sum3A_142 [0] : vector<256x64xf32> to vector<64xf32>
    %broadcast_in_dim3A_144 = vector.shape_cast %reduce_sum3A_143 : vector<64xf32> to vector<1x64xf32>
    %slice3A_145 = vector.extract_strided_slice %convert_element_type3A_38 {offsets = [1280, 0], sizes = [256, 64], strides = [1, 1]} : vector<2048x64xf32> to vector<256x64xf32>
    %dot_general3A_146 = arith.constant dense<0.000000e+00> : vector<256x64xf32>
    %dot_general3A_147 = tpu.matmul %convert_element_type3A_42, %slice3A_145, %dot_general3A_146 {dimension_numbers = #tpu.dot_dimension_numbers<[1], [0], [0], [1], [0, 0, 1, 1], [], []>, transpose_lhs_hint = false} : vector<256x256xf32>, vector<256x64xf32>, vector<256x64xf32> -> vector<256x64xf32>
    %reduce_sum3A_148 = arith.constant dense<0.000000e+00> : vector<64xf32>
    %reduce_sum3A_149 = vector.multi_reduction <add>, %slice3A_145, %reduce_sum3A_148 [0] : vector<256x64xf32> to vector<64xf32>
    %broadcast_in_dim3A_150 = vector.shape_cast %reduce_sum3A_149 : vector<64xf32> to vector<1x64xf32>
    %slice3A_151 = vector.extract_strided_slice %convert_element_type3A_38 {offsets = [1536, 0], sizes = [256, 64], strides = [1, 1]} : vector<2048x64xf32> to vector<256x64xf32>
    %dot_general3A_152 = arith.constant dense<0.000000e+00> : vector<256x64xf32>
    %dot_general3A_153 = tpu.matmul %convert_element_type3A_42, %slice3A_151, %dot_general3A_152 {dimension_numbers = #tpu.dot_dimension_numbers<[1], [0], [0], [1], [0, 0, 1, 1], [], []>, transpose_lhs_hint = false} : vector<256x256xf32>, vector<256x64xf32>, vector<256x64xf32> -> vector<256x64xf32>
    %reduce_sum3A_154 = arith.constant dense<0.000000e+00> : vector<64xf32>
    %reduce_sum3A_155 = vector.multi_reduction <add>, %slice3A_151, %reduce_sum3A_154 [0] : vector<256x64xf32> to vector<64xf32>
    %broadcast_in_dim3A_156 = vector.shape_cast %reduce_sum3A_155 : vector<64xf32> to vector<1x64xf32>
    %slice3A_157 = vector.extract_strided_slice %convert_element_type3A_38 {offsets = [1792, 0], sizes = [256, 64], strides = [1, 1]} : vector<2048x64xf32> to vector<256x64xf32>
    %dot_general3A_158 = arith.constant dense<0.000000e+00> : vector<256x64xf32>
    %dot_general3A_159 = tpu.matmul %convert_element_type3A_42, %slice3A_157, %dot_general3A_158 {dimension_numbers = #tpu.dot_dimension_numbers<[1], [0], [0], [1], [0, 0, 1, 1], [], []>, transpose_lhs_hint = false} : vector<256x256xf32>, vector<256x64xf32>, vector<256x64xf32> -> vector<256x64xf32>
    %reduce_sum3A_160 = arith.constant dense<0.000000e+00> : vector<64xf32>
    %reduce_sum3A_161 = vector.multi_reduction <add>, %slice3A_157, %reduce_sum3A_160 [0] : vector<256x64xf32> to vector<64xf32>
    %broadcast_in_dim3A_162 = vector.shape_cast %reduce_sum3A_161 : vector<64xf32> to vector<1x64xf32>
    %broadcast_in_dim3A_163 = arith.constant 0.000000e+00 : f32
    %broadcast_in_dim3A_164 = vector.broadcast %broadcast_in_dim3A_163 : f32 to vector<1x64xf32>
    %add3A_165 = vector.broadcast %broadcast_in_dim3A_164 : vector<1x64xf32> to vector<256x64xf32>
    %add3A_166 = arith.addf %dot_general3A_117, %add3A_165 : vector<256x64xf32>
    %add3A_167 = arith.addf %broadcast_in_dim3A_164, %broadcast_in_dim3A_120 : vector<1x64xf32>
    %add3A_168 = vector.broadcast %add3A_167 : vector<1x64xf32> to vector<256x64xf32>
    %add3A_169 = arith.addf %dot_general3A_123, %add3A_168 : vector<256x64xf32>
    %add3A_170 = arith.addf %add3A_167, %broadcast_in_dim3A_126 : vector<1x64xf32>
    %add3A_171 = vector.broadcast %add3A_170 : vector<1x64xf32> to vector<256x64xf32>
    %add3A_172 = arith.addf %dot_general3A_129, %add3A_171 : vector<256x64xf32>
    %add3A_173 = arith.addf %add3A_170, %broadcast_in_dim3A_132 : vector<1x64xf32>
    %add3A_174 = vector.broadcast %add3A_173 : vector<1x64xf32> to vector<256x64xf32>
    %add3A_175 = arith.addf %dot_general3A_135, %add3A_174 : vector<256x64xf32>
    %add3A_176 = arith.addf %add3A_173, %broadcast_in_dim3A_138 : vector<1x64xf32>
    %add3A_177 = vector.broadcast %add3A_176 : vector<1x64xf32> to vector<256x64xf32>
    %add3A_178 = arith.addf %dot_general3A_141, %add3A_177 : vector<256x64xf32>
    %add3A_179 = arith.addf %add3A_176, %broadcast_in_dim3A_144 : vector<1x64xf32>
    %add3A_180 = vector.broadcast %add3A_179 : vector<1x64xf32> to vector<256x64xf32>
    %add3A_181 = arith.addf %dot_general3A_147, %add3A_180 : vector<256x64xf32>
    %add3A_182 = arith.addf %add3A_179, %broadcast_in_dim3A_150 : vector<1x64xf32>
    %add3A_183 = vector.broadcast %add3A_182 : vector<1x64xf32> to vector<256x64xf32>
    %add3A_184 = arith.addf %dot_general3A_153, %add3A_183 : vector<256x64xf32>
    %add3A_185 = arith.addf %add3A_182, %broadcast_in_dim3A_156 : vector<1x64xf32>
    %add3A_186 = vector.broadcast %add3A_185 : vector<1x64xf32> to vector<256x64xf32>
    %add3A_187 = arith.addf %dot_general3A_159, %add3A_186 : vector<256x64xf32>
    %add3A_188 = arith.addf %add3A_185, %broadcast_in_dim3A_162 : vector<1x64xf32>
    %concatenate3A_189 = tpu.concatenate %add3A_166, %add3A_169, %add3A_172, %add3A_175, %add3A_178, %add3A_181, %add3A_184, %add3A_187 in 0 : vector<256x64xf32>, vector<256x64xf32>, vector<256x64xf32>, vector<256x64xf32>, vector<256x64xf32>, vector<256x64xf32>, vector<256x64xf32>, vector<256x64xf32> -> vector<2048x64xf32>
    %add3A_190 = vector.broadcast %add3A_114 : vector<1x64xf32> to vector<2048x64xf32>
    %add3A_191 = arith.addf %concatenate3A_189, %add3A_190 : vector<2048x64xf32>
    %lt3A = arith.constant 8.000000e+01 : f32
    %lt3A_192 = vector.broadcast %lt3A : f32 to vector<2048x64xf32>
    %lt3A_193 = arith.cmpf olt, %concatenate3A, %lt3A_192 : vector<2048x64xf32>
    %convert_element_type3A_194 = arith.extui %lt3A_193 : vector<2048x64xi1> to vector<2048x64xi32>
    %convert_element_type3A_195 = arith.sitofp %convert_element_type3A_194 : vector<2048x64xi32> to vector<2048x64xf32>
    %mul3A_196 = arith.mulf %convert_element_type3A_20, %convert_element_type3A_195 : vector<2048x64xf32>
    %lt3A_197 = arith.constant 8.000000e+01 : f32
    %lt3A_198 = vector.broadcast %lt3A_197 : f32 to vector<2048x64xf32>
    %lt3A_199 = arith.cmpf olt, %add3A_191, %lt3A_198 : vector<2048x64xf32>
    %convert_element_type3A_200 = arith.extui %lt3A_199 : vector<2048x64xi1> to vector<2048x64xi32>
    %convert_element_type3A_201 = arith.sitofp %convert_element_type3A_200 : vector<2048x64xi32> to vector<2048x64xf32>
    %mul3A_202 = arith.mulf %convert_element_type3A_38, %convert_element_type3A_201 : vector<2048x64xf32>
    %mul3A_203 = arith.mulf %concatenate3A, %mul3A_196 : vector<2048x64xf32>
    %reduce_sum3A_204 = arith.constant dense<0.000000e+00> : vector<2048xf32>
    %reduce_sum3A_205 = vector.multi_reduction <add>, %mul3A_203, %reduce_sum3A_204 [1] : vector<2048x64xf32> to vector<2048xf32>
    %broadcast_in_dim3A_206 = vector.shape_cast %reduce_sum3A_205 : vector<2048xf32> to vector<2048x1xf32>
    %convert_element_type3A_207 = arith.fptosi %broadcast_in_dim3A_206 : vector<2048x1xf32> to vector<2048x1xi32>
    %mul3A_208 = arith.mulf %add3A_191, %mul3A_202 : vector<2048x64xf32>
    %reduce_sum3A_209 = arith.constant dense<0.000000e+00> : vector<2048xf32>
    %reduce_sum3A_210 = vector.multi_reduction <add>, %mul3A_208, %reduce_sum3A_209 [1] : vector<2048x64xf32> to vector<2048xf32>
    %broadcast_in_dim3A_211 = vector.shape_cast %reduce_sum3A_210 : vector<2048xf32> to vector<2048x1xf32>
    %convert_element_type3A_212 = arith.fptosi %broadcast_in_dim3A_211 : vector<2048x1xf32> to vector<2048x1xi32>
    %reduce_sum3A_213 = arith.constant dense<0.000000e+00> : vector<2048xf32>
    %reduce_sum3A_214 = vector.multi_reduction <add>, %mul3A_196, %reduce_sum3A_213 [1] : vector<2048x64xf32> to vector<2048xf32>
    %broadcast_in_dim3A_215 = vector.shape_cast %reduce_sum3A_214 : vector<2048xf32> to vector<2048x1xf32>
    %reduce_sum3A_216 = arith.constant dense<0.000000e+00> : vector<2048xf32>
    %reduce_sum3A_217 = vector.multi_reduction <add>, %mul3A_202, %reduce_sum3A_216 [1] : vector<2048x64xf32> to vector<2048xf32>
    %broadcast_in_dim3A_218 = vector.shape_cast %reduce_sum3A_217 : vector<2048xf32> to vector<2048x1xf32>
    %mul3A_219 = arith.mulf %div3A_10, %mul3A_196 : vector<2048x64xf32>
    %reduce_sum3A_220 = arith.constant dense<0.000000e+00> : vector<2048xf32>
    %reduce_sum3A_221 = vector.multi_reduction <add>, %mul3A_219, %reduce_sum3A_220 [1] : vector<2048x64xf32> to vector<2048xf32>
    %broadcast_in_dim3A_222 = vector.shape_cast %reduce_sum3A_221 : vector<2048xf32> to vector<2048x1xf32>
    %mul3A_223 = arith.mulf %div3A_10, %mul3A_202 : vector<2048x64xf32>
    %reduce_sum3A_224 = arith.constant dense<0.000000e+00> : vector<2048xf32>
    %reduce_sum3A_225 = vector.multi_reduction <add>, %mul3A_223, %reduce_sum3A_224 [1] : vector<2048x64xf32> to vector<2048xf32>
    %broadcast_in_dim3A_226 = vector.shape_cast %reduce_sum3A_225 : vector<2048xf32> to vector<2048x1xf32>
    %add3A_227 = arith.addf %broadcast_in_dim3A_222, %broadcast_in_dim3A_226 : vector<2048x1xf32>
    %add3A_228 = arith.constant 9.99999971E-10 : f32
    %add3A_229 = vector.broadcast %add3A_228 : f32 to vector<2048x1xf32>
    %add3A_230 = arith.addf %add3A_227, %add3A_229 : vector<2048x1xf32>
    %broadcast_in_dim3A_231 = arith.constant 1.000000e+00 : f32
    %broadcast_in_dim3A_232 = vector.broadcast %broadcast_in_dim3A_231 : f32 to vector<1x16xf32>
    %div3A_233 = arith.divf %broadcast_in_dim3A_222, %add3A_230 : vector<2048x1xf32>
    %mul3A_234 = vector.broadcast %div3A_233 : vector<2048x1xf32> to vector<2048x16xf32>
    %mul3A_235 = vector.broadcast %broadcast_in_dim3A_232 : vector<1x16xf32> to vector<2048x16xf32>
    %mul3A_236 = arith.mulf %mul3A_234, %mul3A_235 : vector<2048x16xf32>
    %swap3A = arith.constant 0 : index
    %swap3A_237 = arith.constant 0 : index
    %swap3A_238 = vector.load %arg6[%swap3A, %swap3A_237] : memref<2048x16xf32, #tpu.memory_space<vmem>>, vector<2048x16xf32>
    tpu.vector_store %arg6[%swap3A, %swap3A_237], %mul3A_236 {strides = array<i32>} : memref<2048x16xf32, #tpu.memory_space<vmem>>, vector<2048x16xf32>,
    %div3A_239 = arith.divf %broadcast_in_dim3A_226, %add3A_230 : vector<2048x1xf32>
    %mul3A_240 = vector.broadcast %div3A_239 : vector<2048x1xf32> to vector<2048x16xf32>
    %mul3A_241 = vector.broadcast %broadcast_in_dim3A_232 : vector<1x16xf32> to vector<2048x16xf32>
    %mul3A_242 = arith.mulf %mul3A_240, %mul3A_241 : vector<2048x16xf32>
    %swap3A_243 = arith.constant 0 : index
    %swap3A_244 = arith.constant 0 : index
    %swap3A_245 = vector.load %arg7[%swap3A_243, %swap3A_244] : memref<2048x16xf32, #tpu.memory_space<vmem>>, vector<2048x16xf32>
    tpu.vector_store %arg7[%swap3A_243, %swap3A_244], %mul3A_242 {strides = array<i32>} : memref<2048x16xf32, #tpu.memory_space<vmem>>, vector<2048x16xf32>,
    %mul3A_246 = arith.constant 80 : i32
    %mul3A_247 = vector.broadcast %mul3A_246 : i32 to vector<2048x1xi32>
    %mul3A_248 = arith.muli %broadcast_in_dim3A_17, %mul3A_247 : vector<2048x1xi32>
    %add3A_249 = arith.addi %mul3A_248, %convert_element_type3A_207 : vector<2048x1xi32>
    %mul3A_250 = arith.constant 80 : i32
    %mul3A_251 = vector.broadcast %mul3A_250 : i32 to vector<2048x1xi32>
    %mul3A_252 = arith.muli %broadcast_in_dim3A_34, %mul3A_251 : vector<2048x1xi32>
    %add3A_253 = arith.addi %mul3A_252, %convert_element_type3A_212 : vector<2048x1xi32>
    %gt3A_254 = arith.constant 0.000000e+00 : f32
    %gt3A_255 = vector.broadcast %gt3A_254 : f32 to vector<2048x1xf32>
    %gt3A_256 = arith.cmpf ogt, %broadcast_in_dim3A_215, %gt3A_255 : vector<2048x1xf32>
    %jit3A_257 = arith.constant 5120 : i32
    %broadcast_in_dim3A_258 = vector.broadcast %jit3A_257 : i32 to vector<2048x1xi32>
    %select_n3A_259 = arith.select %gt3A_256, %add3A_249, %broadcast_in_dim3A_258 : vector<2048x1xi1>, vector<2048x1xi32>
    %swap3A_260 = arith.constant 0 : index
    %swap3A_261 = arith.constant 0 : index
    %swap3A_262 = vector.load %arg2[%swap3A_260, %swap3A_261] : memref<2048x1xi32, #tpu.memory_space<vmem>>, vector<2048x1xi32>
    tpu.vector_store %arg2[%swap3A_260, %swap3A_261], %select_n3A_259 {strides = array<i32>} : memref<2048x1xi32, #tpu.memory_space<vmem>>, vector<2048x1xi32>,
    %gt3A_263 = arith.constant 0.000000e+00 : f32
    %gt3A_264 = vector.broadcast %gt3A_263 : f32 to vector<2048x1xf32>
    %gt3A_265 = arith.cmpf ogt, %broadcast_in_dim3A_218, %gt3A_264 : vector<2048x1xf32>
    %jit3A_266 = arith.constant 5120 : i32
    %broadcast_in_dim3A_267 = vector.broadcast %jit3A_266 : i32 to vector<2048x1xi32>
    %select_n3A_268 = arith.select %gt3A_265, %add3A_253, %broadcast_in_dim3A_267 : vector<2048x1xi1>, vector<2048x1xi32>
    %swap3A_269 = arith.constant 0 : index
    %swap3A_270 = arith.constant 0 : index
    %swap3A_271 = vector.load %arg3[%swap3A_269, %swap3A_270] : memref<2048x1xi32, #tpu.memory_space<vmem>>, vector<2048x1xi32>
    tpu.vector_store %arg3[%swap3A_269, %swap3A_270], %select_n3A_268 {strides = array<i32>} : memref<2048x1xi32, #tpu.memory_space<vmem>>, vector<2048x1xi32>,
    %gt3A_272 = arith.constant 0.000000e+00 : f32
    %gt3A_273 = vector.broadcast %gt3A_272 : f32 to vector<2048x1xf32>
    %gt3A_274 = arith.cmpf ogt, %broadcast_in_dim3A_215, %gt3A_273 : vector<2048x1xf32>
    %jit3A_275 = arith.constant 0 : i32
    %broadcast_in_dim3A_276 = vector.broadcast %jit3A_275 : i32 to vector<2048x1xi32>
    %select_n3A_277 = arith.select %gt3A_274, %add3A_249, %broadcast_in_dim3A_276 : vector<2048x1xi1>, vector<2048x1xi32>
    %swap3A_278 = arith.constant 0 : index
    %swap3A_279 = arith.constant 0 : index
    %swap3A_280 = vector.load %arg4[%swap3A_278, %swap3A_279] : memref<2048x1xi32, #tpu.memory_space<vmem>>, vector<2048x1xi32>
    tpu.vector_store %arg4[%swap3A_278, %swap3A_279], %select_n3A_277 {strides = array<i32>} : memref<2048x1xi32, #tpu.memory_space<vmem>>, vector<2048x1xi32>,
    %gt3A_281 = arith.constant 0.000000e+00 : f32
    %gt3A_282 = vector.broadcast %gt3A_281 : f32 to vector<2048x1xf32>
    %gt3A_283 = arith.cmpf ogt, %broadcast_in_dim3A_218, %gt3A_282 : vector<2048x1xf32>
    %jit3A_284 = arith.constant 0 : i32
    %broadcast_in_dim3A_285 = vector.broadcast %jit3A_284 : i32 to vector<2048x1xi32>
    %select_n3A_286 = arith.select %gt3A_283, %add3A_253, %broadcast_in_dim3A_285 : vector<2048x1xi1>, vector<2048x1xi32>
    %swap3A_287 = arith.constant 0 : index
    %swap3A_288 = arith.constant 0 : index
    %swap3A_289 = vector.load %arg5[%swap3A_287, %swap3A_288] : memref<2048x1xi32, #tpu.memory_space<vmem>>, vector<2048x1xi32>
    tpu.vector_store %arg5[%swap3A_287, %swap3A_288], %select_n3A_286 {strides = array<i32>} : memref<2048x1xi32, #tpu.memory_space<vmem>>, vector<2048x1xi32>,
    %add3A_290 = arith.addf %add3A_114, %add3A_188 : vector<1x64xf32>
    %min3A = arith.constant 8.000000e+01 : f32
    %min3A_291 = vector.broadcast %min3A : f32 to vector<1x64xf32>
    %min3A_292 = arith.minimumf %add3A_290, %min3A_291 : vector<1x64xf32>
    %convert_element_type3A_293 = arith.fptosi %min3A_292 : vector<1x64xf32> to vector<1x64xi32>
    %swap3A_294 = arith.constant 0 : index
    %swap3A_295 = arith.constant 0 : index
    %swap3A_296 = vector.load %arg8[%swap3A_294, %swap3A_295] : memref<1x64xi32, #tpu.memory_space<vmem>>, vector<1x64xi32>
    tpu.vector_store %arg8[%swap3A_294, %swap3A_295], %convert_element_type3A_293 {strides = array<i32>} : memref<1x64xi32, #tpu.memory_space<vmem>>, vector<1x64xi32>,
    return
  }
}

module attributes {stable_mosaic.version = 14 : i64} {
  func.func @_ffn_body(%arg0: i32, %arg1: memref<1x1x1xi32, #tpu.memory_space<smem>>, %arg2: memref<80x768xf32, #tpu.memory_space<vmem>>, %arg3: memref<1x768x2048xf32, #tpu.memory_space<vmem>>, %arg4: memref<1x1x2048xf32, #tpu.memory_space<vmem>>, %arg5: memref<1x2048x768xf32, #tpu.memory_space<vmem>>, %arg6: memref<1x1x768xf32, #tpu.memory_space<vmem>>, %arg7: memref<80x768xf32, #tpu.memory_space<vmem>>) attributes {dimension_semantics = [#tpu.dimension_semantics<parallel>], iteration_bounds = array<i64: 64>, scalar_prefetch = 0 : i64, scratch_operands = 0 : i64, tpu.core_type = #tpu.core_type<tc>, window_params = [{transform_indices = @transform_0, window_bounds = array<i64: 1, 1, 1>}, {transform_indices = @transform_1, window_bounds = array<i64: 80, 768>}, {transform_indices = @transform_2, window_bounds = array<i64: 1, 768, 2048>}, {transform_indices = @transform_3, window_bounds = array<i64: 1, 1, 2048>}, {transform_indices = @transform_4, window_bounds = array<i64: 1, 2048, 768>}, {transform_indices = @transform_5, window_bounds = array<i64: 1, 1, 768>}, {transform_indices = @transform_6, window_bounds = array<i64: 80, 768>}]} {
    %get3A = arith.constant 0 : index
    %get3A_0 = arith.constant 0 : index
    %get3A_1 = arith.constant 0 : index
    %get3A_2 = memref.load %arg1[%get3A, %get3A_0, %get3A_1] : memref<1x1x1xi32, #tpu.memory_space<smem>>
    %iota3A = tpu.iota {dimensions = array<i32: 0>} : vector<80x1xi32>
    %lt3A = vector.broadcast %get3A_2 : i32 to vector<80x1xi32>
    %lt3A_3 = arith.cmpi slt, %iota3A, %lt3A : vector<80x1xi32>
    %get3A_4 = arith.constant 0 : index
    %get3A_5 = arith.constant 0 : index
    %get3A_6 = vector.load %arg2[%get3A_4, %get3A_5] : memref<80x768xf32, #tpu.memory_space<vmem>>, vector<80x768xf32>
    %jit3A = arith.constant 0.000000e+00 : f32
    %broadcast_in_dim3A = vector.shape_cast %lt3A_3 : vector<80x1xi1> to vector<80x1xi1>
    %broadcast_in_dim3A_7 = vector.broadcast %broadcast_in_dim3A : vector<80x1xi1> to vector<80x768xi1>
    %broadcast_in_dim3A_8 = vector.broadcast %jit3A : f32 to vector<80x768xf32>
    %select_n3A = arith.select %broadcast_in_dim3A_7, %get3A_6, %broadcast_in_dim3A_8 : vector<80x768xi1>, vector<80x768xf32>
    %get3A_9 = arith.constant 0 : index
    %get3A_10 = arith.constant 0 : index
    %get3A_11 = arith.constant 0 : index
    %get3A_12 = vector.load %arg3[%get3A_9, %get3A_10, %get3A_11] : memref<1x768x2048xf32, #tpu.memory_space<vmem>>, vector<1x768x2048xf32>
    %get3A_13 = vector.shape_cast %get3A_12 : vector<1x768x2048xf32> to vector<768x2048xf32>
    %dot_general3A = arith.constant dense<0.000000e+00> : vector<80x2048xf32>
    %dot_general3A_14 = tpu.matmul %select_n3A, %get3A_13, %dot_general3A {dimension_numbers = #tpu.dot_dimension_numbers<[1], [0], [0], [1], [0, 0, 1, 1], [], []>, transpose_lhs_hint = false} : vector<80x768xf32>, vector<768x2048xf32>, vector<80x2048xf32> -> vector<80x2048xf32>
    %get3A_15 = arith.constant 0 : index
    %get3A_16 = arith.constant 0 : index
    %get3A_17 = arith.constant 0 : index
    %get3A_18 = vector.load %arg4[%get3A_15, %get3A_16, %get3A_17] : memref<1x1x2048xf32, #tpu.memory_space<vmem>>, vector<1x1x2048xf32>
    %get3A_19 = vector.shape_cast %get3A_18 : vector<1x1x2048xf32> to vector<1x2048xf32>
    %add3A = vector.broadcast %get3A_19 : vector<1x2048xf32> to vector<80x2048xf32>
    %add3A_20 = arith.addf %dot_general3A_14, %add3A : vector<80x2048xf32>
    %mul3A = arith.constant 5.000000e-01 : f32
    %mul3A_21 = vector.broadcast %mul3A : f32 to vector<80x2048xf32>
    %mul3A_22 = arith.mulf %mul3A_21, %add3A_20 : vector<80x2048xf32>
    %mul3A_23 = arith.constant 0.707106769 : f32
    %mul3A_24 = vector.broadcast %mul3A_23 : f32 to vector<80x2048xf32>
    %mul3A_25 = arith.mulf %add3A_20, %mul3A_24 : vector<80x2048xf32>
    %erf3A = math.erf %mul3A_25 : vector<80x2048xf32>
    %add3A_26 = arith.constant 1.000000e+00 : f32
    %add3A_27 = vector.broadcast %add3A_26 : f32 to vector<80x2048xf32>
    %add3A_28 = arith.addf %add3A_27, %erf3A : vector<80x2048xf32>
    %mul3A_29 = arith.mulf %mul3A_22, %add3A_28 : vector<80x2048xf32>
    %get3A_30 = arith.constant 0 : index
    %get3A_31 = arith.constant 0 : index
    %get3A_32 = arith.constant 0 : index
    %get3A_33 = vector.load %arg5[%get3A_30, %get3A_31, %get3A_32] : memref<1x2048x768xf32, #tpu.memory_space<vmem>>, vector<1x2048x768xf32>
    %get3A_34 = vector.shape_cast %get3A_33 : vector<1x2048x768xf32> to vector<2048x768xf32>
    %dot_general3A_35 = arith.constant dense<0.000000e+00> : vector<80x768xf32>
    %dot_general3A_36 = tpu.matmul %mul3A_29, %get3A_34, %dot_general3A_35 {dimension_numbers = #tpu.dot_dimension_numbers<[1], [0], [0], [1], [0, 0, 1, 1], [], []>, transpose_lhs_hint = false} : vector<80x2048xf32>, vector<2048x768xf32>, vector<80x768xf32> -> vector<80x768xf32>
    %get3A_37 = arith.constant 0 : index
    %get3A_38 = arith.constant 0 : index
    %get3A_39 = arith.constant 0 : index
    %get3A_40 = vector.load %arg6[%get3A_37, %get3A_38, %get3A_39] : memref<1x1x768xf32, #tpu.memory_space<vmem>>, vector<1x1x768xf32>
    %get3A_41 = vector.shape_cast %get3A_40 : vector<1x1x768xf32> to vector<1x768xf32>
    %add3A_42 = vector.broadcast %get3A_41 : vector<1x768xf32> to vector<80x768xf32>
    %add3A_43 = arith.addf %dot_general3A_36, %add3A_42 : vector<80x768xf32>
    %swap3A = arith.constant 0 : index
    %swap3A_44 = arith.constant 0 : index
    %swap3A_45 = vector.load %arg7[%swap3A, %swap3A_44] : memref<80x768xf32, #tpu.memory_space<vmem>>, vector<80x768xf32>
    tpu.vector_store %arg7[%swap3A, %swap3A_44], %add3A_43 {strides = array<i32>} : memref<80x768xf32, #tpu.memory_space<vmem>>, vector<80x768xf32>,
    return
  }
  func.func @transform_0(%arg0: i32) -> (i32, i32, i32) {
    %c0_i32 = arith.constant 0 : i32
    %c0_i32_0 = arith.constant 0 : i32
    %c0_i32_1 = arith.constant 0 : i32
    return %arg0, %c0_i32, %c0_i32_0 : i32, i32, i32
  }
  func.func @transform_1(%arg0: i32) -> (i32, i32) {
    %c0_i32 = arith.constant 0 : i32
    %c0_i32_0 = arith.constant 0 : i32
    return %arg0, %c0_i32 : i32, i32
  }
  func.func @transform_2(%arg0: i32) -> (i32, i32, i32) {
    %c0_i32 = arith.constant 0 : i32
    %c0_i32_0 = arith.constant 0 : i32
    %c0_i32_1 = arith.constant 0 : i32
    return %arg0, %c0_i32, %c0_i32_0 : i32, i32, i32
  }
  func.func @transform_3(%arg0: i32) -> (i32, i32, i32) {
    %c0_i32 = arith.constant 0 : i32
    %c0_i32_0 = arith.constant 0 : i32
    %c0_i32_1 = arith.constant 0 : i32
    return %arg0, %c0_i32, %c0_i32_0 : i32, i32, i32
  }
  func.func @transform_4(%arg0: i32) -> (i32, i32, i32) {
    %c0_i32 = arith.constant 0 : i32
    %c0_i32_0 = arith.constant 0 : i32
    %c0_i32_1 = arith.constant 0 : i32
    return %arg0, %c0_i32, %c0_i32_0 : i32, i32, i32
  }
  func.func @transform_5(%arg0: i32) -> (i32, i32, i32) {
    %c0_i32 = arith.constant 0 : i32
    %c0_i32_0 = arith.constant 0 : i32
    %c0_i32_1 = arith.constant 0 : i32
    return %arg0, %c0_i32, %c0_i32_0 : i32, i32, i32
  }
  func.func @transform_6(%arg0: i32) -> (i32, i32) {
    %c0_i32 = arith.constant 0 : i32
    %c0_i32_0 = arith.constant 0 : i32
    return %arg0, %c0_i32 : i32, i32
  }
}

</mosaic_0001>

<sc_bundles>
// kernel: kernel.6.cloned.1.call-start
scs
__scs_entry_jumppad:
0x0: {  	(pc) =	sbr.rel $0x88, $3  }
0x1: {  	(tag) =	ssettag $0x0;
	lr =	simm.s32 $0x1  }
0x2: {  	[smem:$0x3F9B] =	sst lr;
	_ =	strace $0xD0000000  }
0x3: {  	_ = 	snop  }
0x4: {  	_ = 	snop  }
0x5: {  	_ = 	snop  }
0x6: {  	_ = 	snop  }
0x7: {  	_ = 	snop  }
__scs_overlays_trampoline_lowered:
0x8: {  	[smem:$0x3FAA] =	sst s0  }
0x9: {  	[smem:$0x3FAB] =	sst s1  }
0xa: {  	[smem:$0x3FAC] =	sst s2  }
0xb: {  	[smem:$0x3FAD] =	sst s3  }
0xc: {  	[smem:$0x3FAE] =	sst s4  }
0xd: {  	[smem:$0x3FAF] =	sst s5  }
0xe: {  	[smem:$0x3FB0] =	sst s6  }
0xf: {  	[smem:$0x3FB1] =	sst s7  }
0x10: {  	[smem:$0x3FB2] =	sst s8  }
0x11: {  	[smem:$0x3FB3] =	sst s9;
	s0 =	simm.s32 @!p0 $0x0  }
0x12: {  	s1 =	sld [smem:$0x3F99];
	s0 =	simm.s32 @p0 $0x1  }
0x13: {  	[smem:$0x3FB4] =	sst s0;
	s0 =	simm.s32 @!p1 $0x0  }
0x14: {  	s2 =	sld [smem:$0x3F98];
	s0 =	simm.s32 @p1 $0x1  }
0x15: {  	[smem:$0x3FB5] =	sst s0;
	s0 =	simm.s32 @!p2 $0x0  }
0x16: {  	s3 =	sld [smem:$0x3FDB];
	s0 =	simm.s32 @p2 $0x1  }
0x17: {  	s4 =	simm.s32 $0x1BF5;
	[smem:$0x3FB7] =	sst s0  }
0x18: {  	s0 =	sld [smem:$0x3F9A];
	_ =	swait.ge [sflag:s4], $0x0  }
0x19: {  	s7 =	sld [smem:$0x3F9B]  }
0x1a: {  	s8 =	sadd.s32 $0xFFFFE003, lr  }
0x1b: {  	s9 =	sadd.s32 $0xFFFFFEF7, lr;
	s5 =	simm.s32 $0xFFFFFFFF;
	p2 =	slt.u32 s8, $0xFFFFF086  }
0x1c: {  	p1 =	slt.u32 s9, $0xF7A;
	s5 =	simm.s32 @!p2 $0x0  }
0x1d: {  	s5 =	simm.s32 @p1 $0x1;
	p0 =	seq.s32 s7, s2  }
0x1e: {  	s7 =	smul.u32 @!p0 $0xF7A, s2;
	p2 =	seq.s32 @!p0 s5, $0x0  }
0x1f: {  	s9 =	smul.u32 $0xF7A, s1;
	s8 =	simm.s32 @!p0 $0x1BF5;
	p2 =	por !p2, p0  }
0x20: {  	[sflag:s8] =	ssyncset.s32 @!p0 $0xFFFFF086;
	s6 =	sadd.s32 @!p0 s3, s7;
	s7 =	simm.s32 @!p0 $0x108  }
0x21: {  	s3 =	sadd.s32 s3, s9;
	s6 =	sadd.s32 @!p0 $0x88, s6;
	s7 =	simm.s32 @p2 $0x1082  }
0x22: {  	[simem:s7], [sflag:s8] =	dma.local @!p0 [hbm:s6], $0xF7A  }
0x23: {  	s9 =	sor.u32 $0xD0000000, s2;
	s6 =	simm.s32 $0x108;
	_ =	swait.ge @!p0 [sflag:s8], $0x0  }
0x24: {  	s3 =	sadd.s32 $0x88, s3;
	s6 =	simm.s32 @!p1 $0x1082;
	[sflag:s4] =	ssyncset.s32 $0xFFFFF086  }
0x25: {  	[simem:s6], [sflag:s4] =	dma.local [hbm:s3], $0xF7A  }
0x26: {  	[smem:$0x3F9B] =	sst s1;
	(tag) =	ssettag s2;
	_ =	strace s9  }
0x27: {  	s1 =	sld [smem:$0x3FAB]  }
0x28: {  	s2 =	sld [smem:$0x3FAC]  }
0x29: {  	s4 =	sld [smem:$0x3FAE]  }
0x2a: {  	p0 =	seq.s32 s5, $0x0;
	s5 =	sld [smem:$0x3FAF]  }
0x2b: {  	s6 =	sld [smem:$0x3FB0]  }
0x2c: {  	s7 =	sld [smem:$0x3FB1]  }
0x2d: {  	s3 =	simm.s32 $0x108;
	s8 =	sld [smem:$0x3FB2]  }
0x2e: {  	s3 =	simm.s32 @!p0 $0x1082;
	s9 =	sld [smem:$0x3FB3]  }
0x2f: {  	lr =	sadd.s32 s0, s3;
	s0 =	sld [smem:$0x3FAA]  }
0x30: {  	s3 =	sld [smem:$0x3FAD]  }
0x31: {  	[smem:$0x3FB6] =	sst s10  }
0x32: {  	s10 =	sld [smem:$0x3FB4];
	_ =	sdelay $0x3  }
0x33: {  	p0 =	seq.s32 s10, $0x1;
	s10 =	sld [smem:$0x3FB6];
	_ =	sdelay $0x3  }
0x34: {  	[smem:$0x3FB6] =	sst s10  }
0x35: {  	s10 =	sld [smem:$0x3FB5];
	_ =	sdelay $0x3  }
0x36: {  	p1 =	seq.s32 s10, $0x1;
	s10 =	sld [smem:$0x3FB6];
	_ =	sdelay $0x3  }
0x37: {  	[smem:$0x3FB6] =	sst s10  }
0x38: {  	s10 =	sld [smem:$0x3FB7]  }
0x39: {  	_ = 	snop;
	(pc) =	sbr.ind lr, $3  }
0x3a: {  	_ = 	snop  }
0x3b: {  	_ = 	snop  }
0x3c: {  	p2 =	seq.s32 s10, $0x1;
	s10 =	sld [smem:$0x3FB6]  }
0x3d: {  	_ =	shalt  }
0x3e: {  	_ =	shalt  }
0x3f: {  	_ =	shalt  }
0x40: {  	_ =	shalt  }
0x41: {  	_ =	shalt  }
0x42: {  	_ =	shalt  }
0x43: {  	_ =	shalt  }
0x44: {  	_ =	shalt  }
0x45: {  	_ =	shalt  }
0x46: {  	_ =	shalt  }
0x47: {  	_ =	shalt  }
0x48: {  	_ =	shalt  }
0x49: {  	_ =	shalt  }
0x4a: {  	_ =	shalt  }
0x4b: {  	_ =	shalt  }
0x4c: {  	_ =	shalt  }
0x4d: {  	_ =	shalt  }
0x4e: {  	_ =	shalt  }
0x4f: {  	_ =	shalt  }
0x50: {  	_ =	shalt  }
0x51: {  	_ =	shalt  }
0x52: {  	_ =	shalt  }
0x53: {  	_ =	shalt  }
0x54: {  	_ =	shalt  }
0x55: {  	_ =	shalt  }
0x56: {  	_ =	shalt  }
0x57: {  	_ =	shalt  }
0x58: {  	_ =	shalt  }
0x59: {  	_ =	shalt  }
0x5a: {  	_ =	shalt  }
0x5b: {  	_ =	shalt  }
0x5c: {  	_ =	shalt  }
0x5d: {  	_ =	shalt  }
0x5e: {  	_ =	shalt  }
0x5f: {  	_ =	shalt  }
0x60: {  	_ =	shalt  }
0x61: {  	_ =	shalt  }
0x62: {  	_ =	shalt  }
0x63: {  	_ =	shalt  }
0x64: {  	_ =	shalt  }
0x65: {  	_ =	shalt  }
0x66: {  	_ =	shalt  }
0x67: {  	_ =	shalt  }
0x68: {  	_ =	shalt  }
0x69: {  	_ =	shalt  }
0x6a: {  	_ =	shalt  }
0x6b: {  	_ =	shalt  }
0x6c: {  	_ =	shalt  }
0x6d: {  	_ =	shalt  }
0x6e: {  	_ =	shalt  }
0x6f: {  	_ =	shalt  }
0x70: {  	_ =	shalt  }
0x71: {  	_ =	shalt  }
0x72: {  	_ =	shalt  }
0x73: {  	_ =	shalt  }
0x74: {  	_ =	shalt  }
0x75: {  	_ =	shalt  }
0x76: {  	_ =	shalt  }
0x77: {  	_ =	shalt  }
0x78: {  	_ =	shalt  }
0x79: {  	_ =	shalt  }
0x7a: {  	_ =	shalt  }
0x7b: {  	_ =	shalt  }
0x7c: {  	_ =	shalt  }
0x7d: {  	_ =	shalt  }
0x7e: {  	_ =	shalt  }
0x7f: {  	_ =	shalt  }
0x80: {  	_ =	shalt  }
0x81: {  	_ =	shalt  }
0x82: {  	_ =	shalt  }
0x83: {  	_ =	shalt  }
0x84: {  	_ =	shalt  }
0x85: {  	_ =	shalt  }
0x86: {  	_ =	shalt  }
0x87: {  	_ =	shalt  }
.Lfunc_end0:
.L_simem_size_0:
called_computation_lowered:
.L_overlay_start_0:
0x88: {  	s2 =	sld [smem:$0x3FD9]  }
0x89: {  	s3 =	sld [smem:$0x3FFE];
	_ =	sdelay $0x1  }
0x8a: {  	s1 =	srdreg.scid  }
0x8b: {  	s0 =	sand.u32 $0x1, s1  }
0x8c: {  	s17 =	sshll.u32 s0, $0xA;
	s2 =	sadd.s32 s3, s2  }
0x8d: {  	s2 =	sadd.s32 s2, s17  }
0x8e: {  	[smem:$0x3FC2] =	sst s2  }
0x8f: {  	_ = 	snop  }
0x90: {  	s2 =	sld [smem:$0x3FC9]  }
0x91: {  	s18 =	sld [smem:$0x3FD0];
	(tm) =	ssettm $0x1  }
0x92: {  	s4 =	sld [smem:$0x3FFB];
	_ =	sdelay $0x3  }
0x93: {  	_ =	strace s4  }
0x94: {  	s4 =	sld [smem:$0x3FFC];
	_ =	sdelay $0x3  }
0x95: {  	_ =	strace s4  }
0x96: {  	s4 =	sld [smem:$0x3FFD];
	_ =	sdelay $0x3  }
0x97: {  	_ =	strace s4  }
0x98: {  	_ =	strace $0x8FFFFFFF  }
0x99: {  	s19 =	sld [smem:$0x3FDB];
	_ =	sdelay $0x1  }
0x9a: {  	s5 =	simm.s32 $_scs_section_size  }
0x9b: {  	s6 =	simm.s32 $_size__tile_overlayer_lowered;
	s7 =	simm.s32 $_tile_overlayer_lowered  }
0x9c: {  	s22 =	simm.s32 $0x1BFF;
	s21 =	sshll.u32 s7, $0x1;
	s4 =	sadd.s32 s5, s19  }
0x9d: {  	s8 =	simm.s32 $0x0;
	s20 =	sshll.u32 s6, $0x1;
	s6 =	sadd.s32 s21, s4  }
0x9e: {  	[timem:s8], [sflag:s22] =	dma.local [hbm:s6], s20  }
0x9f: {  	_ =	swait.ge [sflag:s22], s20  }
0xa0: {  	s5 =	ssub.s32 $0x0, s20;
	[sflag:s22] =	ssyncset.done $0x0  }
0xa1: {  	[sflag:s22] =	ssyncadd.s32 s5;
	_ =	sdelay $0x1  }
0xa2: {  	s23 =	simm.s32 $0x1B8B  }
0xa3: {  	_ =	swait.ge [sflag:s23], $0x1  }
0xa4: {  	[sflag:s23] =	ssyncset.done $0x0  }
0xa5: {  	s25 =	simm.s32 $0x1B8E;
	s24 =	sld [smem:$0x3FFE];
	[sflag:s23] =	ssyncadd.s32 $0xFFFFFFFF  }
0xa6: {  	s26 =	simm.s32 $execute0_lowered;
	[smem:$0x3FD2] =	sst s25  }
0xa7: {  	s6 =	sshll.u32 s26, $0x1;
	_ =	strace $0x80000046;
	[dreg:$0x1] =	wrdreg $0xFFFFFFFF  }
0xa8: {  	s28 =	simm.s32 $_size_execute0_lowered;
	s4 =	sadd.s32 s4, s6;
	[dreg:$0x0] =	wrdreg $0x0  }
0xa9: {  	s6 =	sshll.u32 s28, $0x1;
	[dreg:$0x2] =	wrdreg s4  }
0xaa: {  	[dreg:$0x3] =	wrdreg s6  }
0xab: {  	[dreg:$0x4] =	wrdreg $0xC0  }
0xac: {  	_ =	task [dreg:s8], $0x5FFFF  }
0xad: {  	[dreg:$0x1] =	wrdreg $0xFFFFFFFF  }
0xae: {  	[dreg:$0x0] =	wrdreg $0x60  }
0xaf: {  	[dreg:$0x2] =	wrdreg s2  }
0xb0: {  	[dreg:$0x3] =	wrdreg s18  }
0xb1: {  	[dreg:$0x4] =	wrdreg s24  }
0xb2: {  	[dreg:$0x5] =	wrdreg $0x9  }
0xb3: {  	_ =	task.clear_ibuf [dreg:s8], $0x6FFFF;
	_ =	strace $0x90000046  }
0xb4: {  	s29 =	simm.s32 $0x9;
	_ =	strace $0x80000048  }
0xb5: {  	_ =	swait.ge [sflag:s29], $0x1  }
0xb6: {  	[sflag:s29] =	ssyncadd.s32 $0xFFFFFFFF  }
0xb7: {  	_ =	strace $0x90000048  }
0xb8: {  	_ =	sfence  }
0xb9: {  	s30 =	sld [smem:$0x0];
	_ =	sdelay $0x2  }
0xba: {  	s31 =	sshll.u32 s1, $0xD;
	s1 =	sshrl.u32 s1, $0x2  }
0xbb: {  	s3 =	sand.u32 $0x4000, s31;
	s1 =	sadd.s32 s1, s30  }
0xbc: {  	s0 =	sor.u32 s3, s0;
	s1 =	sshll.u32 s1, $0x11  }
0xbd: {  	s0 =	sor.u32 s1, s0  }
0xbe: {  	s0 =	sadd.s32 $0x8F2B, s0  }
0xbf: {  	[sflag:s0] =	ssyncadd.remote.s32 $0x1  }
0xc0: {  	_ =	sfence.sel $0xFFFF  }
0xc1: {  	[dreg:$0x0] =	wrdreg $0xFFFFFFFF;
	(pc) =	sbr.abs _section_cstart, $3  }
0xc2: {  	[dreg:$0x1] =	wrdreg $0xFFFFFFFF  }
0xc3: {  	_ =	task.clear_ibuf [dreg:s8], $0x2FFFF;
	_ =	strace $0x9FFFFFFF  }
0xc4: {  	(tm) =	ssettm $0x7FFFFFFF  }
0xc5: {  	_ =	shalt  }
tec
execute0_lowered:
.L_overlay_start_1:
0x0: {  	(tag) =	ssettag $0x1  }
0x1: {  	s0 =	rddreg [dreg:$0x0]  }
0x2: {  	s1 =	rddreg [dreg:$0x1]  }
0x3: {  	s5 =	rddreg [dreg:$0x2];
	s3 =	srdreg.scid  }
0x4: {  	s2 =	simm.s32 $0x0;
	s4 =	stileid.u32;
	s25 =	simm.s32 $0xC000  }
0x5: {  	s26 =	simm.s32 $0xC080;
	s10 =	simm.s32 $0x1800;
	s11 =	simm.s32 $0x2000  }
0x6: {  	s12 =	simm.s32 $0x2800;
	s13 =	simm.s32 $0x3000;
	s14 =	simm.s32 $0x3800  }
0x7: {  	s15 =	simm.s32 $0x4000;
	s16 =	simm.s32 $0x4800;
	s17 =	simm.s32 $0x5000  }
0x8: {  	s18 =	simm.s32 $0x5800;
	s19 =	simm.s32 $0x6000;
	s20 =	simm.s32 $0x6800  }
0x9: {  	s21 =	simm.s32 $0x7000;
	s28 =	simm.s32 $0xA000;
	s29 =	simm.s32 $0xA800  }
0xa: {  	s30 =	simm.s32 $0xB000;
	s31 =	simm.s32 $0xB800;
	s3 =	sand.u32 $0x1, s3  }
0xb: {  	[smem:$0x7FF] =	sst s2;
	s4 =	sshll.u32 s4, $0x4;
	s6 =	sshll.u32 s3, $0x3  }
0xc: {  	_ =	strace $0x80000047;
	s7 =	ssub.s32 $0x2, s3;
	[dreg:$0x7] =	wrdreg s25  }
0xd: {  	s3 =	sadd.s32 $0x10200, s5;
	[dreg:$0x8] =	wrdreg s26;
	s25 =	simm.s32 $0x9000  }
0xe: {  	s26 =	simm.s32 $0x9800;
	s4 =	sor.u32 s6, s4;
	s23 =	sshrl.u32 s7, $0x1  }
0xf: {  	s6 =	sadd.s32 s4, s5;
	s1 =	sadd.s32 s1, s4;
	s4 =	smul.u32 $0x300, s4  }
0x10: {  	s24 =	ssub.s32 s7, s23;
	s7 =	simm.s32 $0x3;
	s23 =	simm.s32 $0x8000  }
0x11: {  	[dreg:$0x4] =	wrdreg s1;
	s22 =	sadd.s32 $0x10000, s6;
	s6 =	smax.u32 s24, $0x1  }
0x12: {  	v2 =	vlaneseq.u32;
	s24 =	simm.s32 $0x8800;
	s1 =	simm.s32 $0x2;
	[dreg:$0x5] =	wrdreg s22  }
0x13: {  	vm0 =	vmmov $0xffff;
	v1 =	vshrl.u32 v2, $0x3;
	s0 =	sadd.s32 s0, s4;
	s4 =	sadd.s32 $0x10300, s5;
	s5 =	sadd.s32 $0x10400, s5  }
0x14: {  	v0 =	vand.u32 $0x7, v2;
	v2 =	vor.u32 $0x8, v2;
	v1 =	vmul.u32 $0x8, v1;
	s22 =	simm.s32 $0x7800;
	[dreg:$0x6] =	wrdreg s0;
	s0 =	simm.s32 $0x1  }
.LBB2_1:
0x15: {  	s8 =	rddreg [dreg:$0x4]  }
0x16: {  	s9 =	rddreg [dreg:$0x7]  }
0x17: {  	[tilespmem:s9], [sflag:$0x3] =	stream.linear.gather [hbm4b:s8+s2], $0x40, $0x38;
	[tilespmem:$0xC100] =	vst v63  }
0x18: {  	_ =	swait.ge [sflag:s7], $0x40  }
0x19: {  	s8 =	rddreg [dreg:$0x5];
	[sflag:s7] =	ssyncset.done $0x0  }
0x1a: {  	s9 =	rddreg [dreg:$0x8];
	[sflag:s7] =	ssyncadd.s32 $0xFFFFFFC0  }
0x1b: {  	[tilespmem:s9], [sflag:$0x3] =	stream.linear.gather [hbm4b:s8+s2], $0x40, $0x38;
	[tilespmem:$0xC100] =	vst v63  }
0x1c: {  	_ =	swait.ge [sflag:s7], $0x40  }
0x1d: {  	[sflag:s7] =	ssyncset.done $0x0  }
0x1e: {  	s9 =	rddreg [dreg:$0x6];
	[sflag:s7] =	ssyncadd.s32 $0xFFFFFFC0  }
0x1f: {  	[tilespmem:s2], [sflag:$0x3] =	stream.linear.gather [hbm4b:s9+s2], $0xC000, $0x38;
	[tilespmem:$0xC100] =	vst v63  }
0x20: {  	_ =	swait.ge [sflag:s7], $0xC000  }
0x21: {  	[sflag:s7] =	ssyncset.done $0x0  }
0x22: {  	[sflag:s7] =	ssyncadd.s32 $0xFFFF4000  }
0x23: {  	v3 =	vld [tilespmem:$0xC000];
	_ =	sdelay $0x4  }
0x24: {  	v4 =	vshrl.u32 v3, $0x3  }
0x25: {  	v4 =	vmul.u32 $0x30, v4  }
0x26: {  	v3 =	vand.u32 $0x7, v3  }
0x27: {  	v3 =	vor.u32 v3, v4  }
0x28: {  	v4 =	vperm.xlane v3, v0;
	_ =	sdelay $0x1  }
0x29: {  	v4 =	vadd.s32 v1, v4;
	_ =	sdelay $0x3  }
0x2a: {  	v3 =	vperm.xlane v3, v2  }
0x2b: {  	[hbm4b:s3+s2] =	stream.indirect_vreg.scatter [tilespmem:s2], [sflag:$0x1], $0x80, v4, vm0, $0xb8;
	[tilespmem:$0xC100] =	vst v63  }
0x2c: {  	s8 =	simm.s32 $0x800;
	v3 =	vadd.s32 v1, v3  }
0x2d: {  	[hbm4b:s4+s2] =	stream.indirect_vreg.scatter [tilespmem:s8], [sflag:$0x1], $0x80, v4, vm0, $0xb8;
	[tilespmem:$0xC100] =	vst v63  }
0x2e: {  	s9 =	simm.s32 $0x1000  }
0x2f: {  	[hbm4b:s5+s2] =	stream.indirect_vreg.scatter [tilespmem:s9], [sflag:$0x1], $0x80, v4, vm0, $0xb8;
	[tilespmem:$0xC100] =	vst v63  }
0x30: {  	_ = 	snop  }
0x31: {  	[hbm4b:s3+s2] =	stream.indirect_vreg.scatter [tilespmem:s10], [sflag:$0x1], $0x80, v3, vm0, $0xb8;
	[tilespmem:$0xC100] =	vst v63  }
0x32: {  	_ = 	snop  }
0x33: {  	[hbm4b:s4+s2] =	stream.indirect_vreg.scatter [tilespmem:s11], [sflag:$0x1], $0x80, v3, vm0, $0xb8;
	[tilespmem:$0xC100] =	vst v63  }
0x34: {  	_ = 	snop  }
0x35: {  	[hbm4b:s5+s2] =	stream.indirect_vreg.scatter [tilespmem:s12], [sflag:$0x1], $0x80, v3, vm0, $0xb8;
	[tilespmem:$0xC100] =	vst v63  }
0x36: {  	v3 =	vld [tilespmem:$0xC010];
	_ =	sdelay $0x4  }
0x37: {  	v57 =	vshrl.u32 v3, $0x3  }
0x38: {  	v4 =	vmul.u32 $0x30, v57  }
0x39: {  	v3 =	vand.u32 $0x7, v3  }
0x3a: {  	v3 =	vor.u32 v3, v4  }
0x3b: {  	v4 =	vperm.xlane v3, v0;
	_ =	sdelay $0x1  }
0x3c: {  	v4 =	vadd.s32 v1, v4;
	_ =	sdelay $0x3  }
0x3d: {  	v3 =	vperm.xlane v3, v2  }
0x3e: {  	[hbm4b:s3+s2] =	stream.indirect_vreg.scatter [tilespmem:s13], [sflag:$0x1], $0x80, v4, vm0, $0xb8;
	[tilespmem:$0xC100] =	vst v63  }
0x3f: {  	v3 =	vadd.s32 v1, v3  }
0x40: {  	[hbm4b:s4+s2] =	stream.indirect_vreg.scatter [tilespmem:s14], [sflag:$0x1], $0x80, v4, vm0, $0xb8;
	[tilespmem:$0xC100] =	vst v63  }
0x41: {  	_ = 	snop  }
0x42: {  	[hbm4b:s5+s2] =	stream.indirect_vreg.scatter [tilespmem:s15], [sflag:$0x1], $0x80, v4, vm0, $0xb8;
	[tilespmem:$0xC100] =	vst v63  }
0x43: {  	_ = 	snop  }
0x44: {  	[hbm4b:s3+s2] =	stream.indirect_vreg.scatter [tilespmem:s16], [sflag:$0x1], $0x80, v3, vm0, $0xb8;
	[tilespmem:$0xC100] =	vst v63  }
0x45: {  	_ = 	snop  }
0x46: {  	[hbm4b:s4+s2] =	stream.indirect_vreg.scatter [tilespmem:s17], [sflag:$0x1], $0x80, v3, vm0, $0xb8;
	[tilespmem:$0xC100] =	vst v63  }
0x47: {  	_ = 	snop  }
0x48: {  	[hbm4b:s5+s2] =	stream.indirect_vreg.scatter [tilespmem:s18], [sflag:$0x1], $0x80, v3, vm0, $0xb8;
	[tilespmem:$0xC100] =	vst v63  }
0x49: {  	v3 =	vld [tilespmem:$0xC020];
	_ =	sdelay $0x4  }
0x4a: {  	v58 =	vshrl.u32 v3, $0x3  }
0x4b: {  	v4 =	vmul.u32 $0x30, v58  }
0x4c: {  	v3 =	vand.u32 $0x7, v3  }
0x4d: {  	v3 =	vor.u32 v3, v4  }
0x4e: {  	v4 =	vperm.xlane v3, v0;
	_ =	sdelay $0x1  }
0x4f: {  	v4 =	vadd.s32 v1, v4;
	_ =	sdelay $0x3  }
0x50: {  	v3 =	vperm.xlane v3, v2  }
0x51: {  	[hbm4b:s3+s2] =	stream.indirect_vreg.scatter [tilespmem:s19], [sflag:$0x1], $0x80, v4, vm0, $0xb8;
	[tilespmem:$0xC100] =	vst v63  }
0x52: {  	v3 =	vadd.s32 v1, v3  }
0x53: {  	[hbm4b:s4+s2] =	stream.indirect_vreg.scatter [tilespmem:s20], [sflag:$0x1], $0x80, v4, vm0, $0xb8;
	[tilespmem:$0xC100] =	vst v63  }
0x54: {  	_ = 	snop  }
0x55: {  	[hbm4b:s5+s2] =	stream.indirect_vreg.scatter [tilespmem:s21], [sflag:$0x1], $0x80, v4, vm0, $0xb8;
	[tilespmem:$0xC100] =	vst v63  }
0x56: {  	_ = 	snop  }
0x57: {  	[hbm4b:s3+s2] =	stream.indirect_vreg.scatter [tilespmem:s22], [sflag:$0x1], $0x80, v3, vm0, $0xb8;
	[tilespmem:$0xC100] =	vst v63  }
0x58: {  	_ = 	snop  }
0x59: {  	[hbm4b:s4+s2] =	stream.indirect_vreg.scatter [tilespmem:s23], [sflag:$0x1], $0x80, v3, vm0, $0xb8;
	[tilespmem:$0xC100] =	vst v63  }
0x5a: {  	_ = 	snop  }
0x5b: {  	[hbm4b:s5+s2] =	stream.indirect_vreg.scatter [tilespmem:s24], [sflag:$0x1], $0x80, v3, vm0, $0xb8;
	[tilespmem:$0xC100] =	vst v63  }
0x5c: {  	v3 =	vld [tilespmem:$0xC030];
	_ =	sdelay $0x4  }
0x5d: {  	v59 =	vshrl.u32 v3, $0x3  }
0x5e: {  	v4 =	vmul.u32 $0x30, v59  }
0x5f: {  	v3 =	vand.u32 $0x7, v3  }
0x60: {  	v3 =	vor.u32 v3, v4  }
0x61: {  	v4 =	vperm.xlane v3, v0;
	_ =	sdelay $0x1  }
0x62: {  	v4 =	vadd.s32 v1, v4;
	_ =	sdelay $0x3  }
0x63: {  	v3 =	vperm.xlane v3, v2  }
0x64: {  	[hbm4b:s3+s2] =	stream.indirect_vreg.scatter [tilespmem:s25], [sflag:$0x1], $0x80, v4, vm0, $0xb8;
	[tilespmem:$0xC100] =	vst v63  }
0x65: {  	v3 =	vadd.s32 v1, v3  }
0x66: {  	[hbm4b:s4+s2] =	stream.indirect_vreg.scatter [tilespmem:s26], [sflag:$0x1], $0x80, v4, vm0, $0xb8;
	[tilespmem:$0xC100] =	vst v63  }
0x67: {  	_ = 	snop  }
0x68: {  	[hbm4b:s5+s2] =	stream.indirect_vreg.scatter [tilespmem:s28], [sflag:$0x1], $0x80, v4, vm0, $0xb8;
	[tilespmem:$0xC100] =	vst v63  }
0x69: {  	_ = 	snop  }
0x6a: {  	[hbm4b:s3+s2] =	stream.indirect_vreg.scatter [tilespmem:s29], [sflag:$0x1], $0x80, v3, vm0, $0xb8;
	[tilespmem:$0xC100] =	vst v63  }
0x6b: {  	_ = 	snop  }
0x6c: {  	[hbm4b:s4+s2] =	stream.indirect_vreg.scatter [tilespmem:s30], [sflag:$0x1], $0x80, v3, vm0, $0xb8;
	[tilespmem:$0xC100] =	vst v63  }
0x6d: {  	_ = 	snop  }
0x6e: {  	[hbm4b:s5+s2] =	stream.indirect_vreg.scatter [tilespmem:s31], [sflag:$0x1], $0x80, v3, vm0, $0xb8;
	[tilespmem:$0xC100] =	vst v63  }
0x6f: {  	v3 =	vld [tilespmem:$0xC080];
	_ =	sdelay $0x4  }
0x70: {  	v60 =	vshrl.u32 v3, $0x3  }
0x71: {  	v4 =	vmul.u32 $0x30, v60  }
0x72: {  	v3 =	vand.u32 $0x7, v3  }
0x73: {  	v3 =	vor.u32 v3, v4  }
0x74: {  	v4 =	vperm.xlane v3, v0;
	_ =	sdelay $0x1  }
0x75: {  	v4 =	vadd.s32 v1, v4;
	_ =	sdelay $0x3  }
0x76: {  	v3 =	vperm.xlane v3, v2  }
0x77: {  	[hbm4b:s3+s2] =	stream.indirect_vreg.scatter [tilespmem:s2], [sflag:$0x2], $0x80, v4, vm0, $0xb8;
	[tilespmem:$0xC100] =	vst v63  }
0x78: {  	v3 =	vadd.s32 v1, v3  }
0x79: {  	[hbm4b:s4+s2] =	stream.indirect_vreg.scatter [tilespmem:s8], [sflag:$0x2], $0x80, v4, vm0, $0xb8;
	[tilespmem:$0xC100] =	vst v63  }
0x7a: {  	_ = 	snop  }
0x7b: {  	[hbm4b:s5+s2] =	stream.indirect_vreg.scatter [tilespmem:s9], [sflag:$0x2], $0x80, v4, vm0, $0xb8;
	[tilespmem:$0xC100] =	vst v63  }
0x7c: {  	_ = 	snop  }
0x7d: {  	[hbm4b:s3+s2] =	stream.indirect_vreg.scatter [tilespmem:s10], [sflag:$0x2], $0x80, v3, vm0, $0xb8;
	[tilespmem:$0xC100] =	vst v63  }
0x7e: {  	_ = 	snop  }
0x7f: {  	[hbm4b:s4+s2] =	stream.indirect_vreg.scatter [tilespmem:s11], [sflag:$0x2], $0x80, v3, vm0, $0xb8;
	[tilespmem:$0xC100] =	vst v63  }
0x80: {  	_ = 	snop  }
0x81: {  	[hbm4b:s5+s2] =	stream.indirect_vreg.scatter [tilespmem:s12], [sflag:$0x2], $0x80, v3, vm0, $0xb8;
	[tilespmem:$0xC100] =	vst v63  }
0x82: {  	v3 =	vld [tilespmem:$0xC090];
	_ =	sdelay $0x4  }
0x83: {  	v61 =	vshrl.u32 v3, $0x3  }
0x84: {  	v4 =	vmul.u32 $0x30, v61  }
0x85: {  	v3 =	vand.u32 $0x7, v3  }
0x86: {  	v3 =	vor.u32 v3, v4  }
0x87: {  	v4 =	vperm.xlane v3, v0;
	_ =	sdelay $0x1  }
0x88: {  	v4 =	vadd.s32 v1, v4;
	_ =	sdelay $0x3  }
0x89: {  	v3 =	vperm.xlane v3, v2  }
0x8a: {  	[hbm4b:s3+s2] =	stream.indirect_vreg.scatter [tilespmem:s13], [sflag:$0x2], $0x80, v4, vm0, $0xb8;
	[tilespmem:$0xC100] =	vst v63  }
0x8b: {  	v3 =	vadd.s32 v1, v3  }
0x8c: {  	[hbm4b:s4+s2] =	stream.indirect_vreg.scatter [tilespmem:s14], [sflag:$0x2], $0x80, v4, vm0, $0xb8;
	[tilespmem:$0xC100] =	vst v63  }
0x8d: {  	_ = 	snop  }
0x8e: {  	[hbm4b:s5+s2] =	stream.indirect_vreg.scatter [tilespmem:s15], [sflag:$0x2], $0x80, v4, vm0, $0xb8;
	[tilespmem:$0xC100] =	vst v63  }
0x8f: {  	_ = 	snop  }
0x90: {  	[hbm4b:s3+s2] =	stream.indirect_vreg.scatter [tilespmem:s16], [sflag:$0x2], $0x80, v3, vm0, $0xb8;
	[tilespmem:$0xC100] =	vst v63  }
0x91: {  	_ = 	snop  }
0x92: {  	[hbm4b:s4+s2] =	stream.indirect_vreg.scatter [tilespmem:s17], [sflag:$0x2], $0x80, v3, vm0, $0xb8;
	[tilespmem:$0xC100] =	vst v63  }
0x93: {  	_ = 	snop  }
0x94: {  	[hbm4b:s5+s2] =	stream.indirect_vreg.scatter [tilespmem:s18], [sflag:$0x2], $0x80, v3, vm0, $0xb8;
	[tilespmem:$0xC100] =	vst v63  }
0x95: {  	v3 =	vld [tilespmem:$0xC0A0];
	_ =	sdelay $0x4  }
0x96: {  	v62 =	vshrl.u32 v3, $0x3  }
0x97: {  	v4 =	vmul.u32 $0x30, v62  }
0x98: {  	v3 =	vand.u32 $0x7, v3  }
0x99: {  	v3 =	vor.u32 v3, v4  }
0x9a: {  	v4 =	vperm.xlane v3, v0;
	_ =	sdelay $0x1  }
0x9b: {  	v4 =	vadd.s32 v1, v4;
	_ =	sdelay $0x3  }
0x9c: {  	v3 =	vperm.xlane v3, v2  }
0x9d: {  	[hbm4b:s3+s2] =	stream.indirect_vreg.scatter [tilespmem:s19], [sflag:$0x2], $0x80, v4, vm0, $0xb8;
	[tilespmem:$0xC100] =	vst v63  }
0x9e: {  	v3 =	vadd.s32 v1, v3  }
0x9f: {  	[hbm4b:s4+s2] =	stream.indirect_vreg.scatter [tilespmem:s20], [sflag:$0x2], $0x80, v4, vm0, $0xb8;
	[tilespmem:$0xC100] =	vst v63  }
0xa0: {  	_ = 	snop  }
0xa1: {  	[hbm4b:s5+s2] =	stream.indirect_vreg.scatter [tilespmem:s21], [sflag:$0x2], $0x80, v4, vm0, $0xb8;
	[tilespmem:$0xC100] =	vst v63  }
0xa2: {  	_ = 	snop  }
0xa3: {  	[hbm4b:s3+s2] =	stream.indirect_vreg.scatter [tilespmem:s22], [sflag:$0x2], $0x80, v3, vm0, $0xb8;
	[tilespmem:$0xC100] =	vst v63  }
0xa4: {  	_ = 	snop  }
0xa5: {  	[hbm4b:s4+s2] =	stream.indirect_vreg.scatter [tilespmem:s23], [sflag:$0x2], $0x80, v3, vm0, $0xb8;
	[tilespmem:$0xC100] =	vst v63  }
0xa6: {  	_ = 	snop  }
0xa7: {  	[hbm4b:s5+s2] =	stream.indirect_vreg.scatter [tilespmem:s24], [sflag:$0x2], $0x80, v3, vm0, $0xb8;
	[tilespmem:$0xC100] =	vst v63  }
0xa8: {  	v3 =	vld [tilespmem:$0xC0B0];
	_ =	sdelay $0x4  }
0xa9: {  	v63 =	vshrl.u32 v3, $0x3  }
0xaa: {  	v4 =	vmul.u32 $0x30, v63  }
0xab: {  	v3 =	vand.u32 $0x7, v3  }
0xac: {  	v3 =	vor.u32 v3, v4  }
0xad: {  	v4 =	vperm.xlane v3, v0;
	_ =	sdelay $0x1  }
0xae: {  	v4 =	vadd.s32 v1, v4;
	_ =	sdelay $0x3  }
0xaf: {  	v3 =	vperm.xlane v3, v2  }
0xb0: {  	[hbm4b:s3+s2] =	stream.indirect_vreg.scatter [tilespmem:s25], [sflag:$0x2], $0x80, v4, vm0, $0xb8;
	[tilespmem:$0xC100] =	vst v63  }
0xb1: {  	v3 =	vadd.s32 v1, v3  }
0xb2: {  	[hbm4b:s4+s2] =	stream.indirect_vreg.scatter [tilespmem:s26], [sflag:$0x2], $0x80, v4, vm0, $0xb8;
	[tilespmem:$0xC100] =	vst v63  }
0xb3: {  	_ = 	snop  }
0xb4: {  	[hbm4b:s5+s2] =	stream.indirect_vreg.scatter [tilespmem:s28], [sflag:$0x2], $0x80, v4, vm0, $0xb8;
	[tilespmem:$0xC100] =	vst v63  }
0xb5: {  	_ = 	snop  }
0xb6: {  	[hbm4b:s3+s2] =	stream.indirect_vreg.scatter [tilespmem:s29], [sflag:$0x2], $0x80, v3, vm0, $0xb8;
	[tilespmem:$0xC100] =	vst v63  }
0xb7: {  	_ = 	snop  }
0xb8: {  	[hbm4b:s4+s2] =	stream.indirect_vreg.scatter [tilespmem:s30], [sflag:$0x2], $0x80, v3, vm0, $0xb8;
	[tilespmem:$0xC100] =	vst v63  }
0xb9: {  	_ = 	snop  }
0xba: {  	[hbm4b:s5+s2] =	stream.indirect_vreg.scatter [tilespmem:s31], [sflag:$0x2], $0x80, v3, vm0, $0xb8;
	[tilespmem:$0xC100] =	vst v63  }
0xbb: {  	p0 =	sne.s32 s6, $0x1;
	_ =	swait.ge [sflag:s0], $0xC000  }
.Ltmp0:
0xbc: {  	[sflag:s0] =	ssyncset.done $0x0;
	(pc) =	sbr.rel @p0 .LBB2_1-.Ltmp0, $4  }
0xbd: {  	[sflag:s0] =	ssyncadd.s32 $0xFFFF4000  }
0xbe: {  	_ =	swait.ge [sflag:s1], $0xC000  }
0xbf: {  	[sflag:s1] =	ssyncset.done $0x0  }
0xc0: {  	s6 =	sadd.s32 $0xFFFFFFFF, s6;
	[sflag:s1] =	ssyncadd.s32 $0xFFFF4000  }
0xc1: {  	_ =	sfence.sel $0x180000  }
0xc2: {  	[bflag:$0x0] =	sbarrier.arrive $0xFFFF  }
0xc3: {  	_ =	strace $0x90000047  }
0xc4: {  	s0 =	stileid.u32;
	[bflag:$0x2] =	sbarrier.arrive $0xFFFF  }
0xc5: {  	p0 =	sne.s32 s0, $0x0;
	s0 =	rddreg [dreg:$0x3]  }
0xc6: {  	s0 =	sadd.s32 @!p0 $0x100000, s0  }
0xc7: {  	[sflag:s0] =	ssyncadd.tile.s32 @!p0 $0x1;
	_ =	shalt  }
.Lfunc_end2:
_tile_overlayer_lowered:
.L_overlay_start_2:
0xc8: {  	(tag) =	ssettag $0x2  }
0xc9: {  	s0 =	rddreg [dreg:$0x0];
	s2 =	stileid.u32  }
0xca: {  	s1 =	rddreg [dreg:$0x1];
	p0 =	sne.s32 s2, $0x0  }
0xcb: {  	s3 =	rddreg [dreg:$0x2];
	[bflag:$0x3] =	sbarrier.arrive $0xFFFF;
	s2 =	simm.s32 @!p0 $0x1C03  }
0xcc: {  	[timem:s3], [sflag:s2] =	dma.local @!p0 [hbm:s0], s1  }
0xcd: {  	s0 =	simm.s32 @!p0 $0x3  }
0xce: {  	_ =	swait.ge @!p0 [sflag:s0], s1  }
0xcf: {  	s1 =	ssub.s32 @!p0 $0x0, s1;
	[sflag:s0] =	ssyncset.done @!p0 $0x0  }
0xd0: {  	[sflag:s0] =	ssyncadd.s32 @!p0 s1  }
0xd1: {  	[bflag:$0x3] =	sbarrier.arrive $0xFFFF  }
0xd2: {  	_ =	shalt  }

// kernel: kernel.9.cloned.1.call-start
scs
__scs_entry_jumppad:
0x0: {  	(pc) =	sbr.rel $0x88, $3  }
0x1: {  	(tag) =	ssettag $0x0;
	lr =	simm.s32 $0x1  }
0x2: {  	[smem:$0x3F9B] =	sst lr;
	_ =	strace $0xD0000000  }
0x3: {  	_ = 	snop  }
0x4: {  	_ = 	snop  }
0x5: {  	_ = 	snop  }
0x6: {  	_ = 	snop  }
0x7: {  	_ = 	snop  }
__scs_overlays_trampoline_lowered:
0x8: {  	[smem:$0x3FAA] =	sst s0  }
0x9: {  	[smem:$0x3FAB] =	sst s1  }
0xa: {  	[smem:$0x3FAC] =	sst s2  }
0xb: {  	[smem:$0x3FAD] =	sst s3  }
0xc: {  	[smem:$0x3FAE] =	sst s4  }
0xd: {  	[smem:$0x3FAF] =	sst s5  }
0xe: {  	[smem:$0x3FB0] =	sst s6  }
0xf: {  	[smem:$0x3FB1] =	sst s7  }
0x10: {  	[smem:$0x3FB2] =	sst s8  }
0x11: {  	[smem:$0x3FB3] =	sst s9;
	s0 =	simm.s32 @!p0 $0x0  }
0x12: {  	s1 =	sld [smem:$0x3F99];
	s0 =	simm.s32 @p0 $0x1  }
0x13: {  	[smem:$0x3FB4] =	sst s0;
	s0 =	simm.s32 @!p1 $0x0  }
0x14: {  	s2 =	sld [smem:$0x3F98];
	s0 =	simm.s32 @p1 $0x1  }
0x15: {  	[smem:$0x3FB5] =	sst s0;
	s0 =	simm.s32 @!p2 $0x0  }
0x16: {  	s3 =	sld [smem:$0x3FDB];
	s0 =	simm.s32 @p2 $0x1  }
0x17: {  	s4 =	simm.s32 $0x1BF5;
	[smem:$0x3FB7] =	sst s0  }
0x18: {  	s0 =	sld [smem:$0x3F9A];
	_ =	swait.ge [sflag:s4], $0x0  }
0x19: {  	s7 =	sld [smem:$0x3F9B]  }
0x1a: {  	s8 =	sadd.s32 $0xFFFFE003, lr  }
0x1b: {  	s9 =	sadd.s32 $0xFFFFFEF7, lr;
	s5 =	simm.s32 $0xFFFFFFFF;
	p2 =	slt.u32 s8, $0xFFFFF086  }
0x1c: {  	p1 =	slt.u32 s9, $0xF7A;
	s5 =	simm.s32 @!p2 $0x0  }
0x1d: {  	s5 =	simm.s32 @p1 $0x1;
	p0 =	seq.s32 s7, s2  }
0x1e: {  	s7 =	smul.u32 @!p0 $0xF7A, s2;
	p2 =	seq.s32 @!p0 s5, $0x0  }
0x1f: {  	s9 =	smul.u32 $0xF7A, s1;
	s8 =	simm.s32 @!p0 $0x1BF5;
	p2 =	por !p2, p0  }
0x20: {  	[sflag:s8] =	ssyncset.s32 @!p0 $0xFFFFF086;
	s6 =	sadd.s32 @!p0 s3, s7;
	s7 =	simm.s32 @!p0 $0x108  }
0x21: {  	s3 =	sadd.s32 s3, s9;
	s6 =	sadd.s32 @!p0 $0x88, s6;
	s7 =	simm.s32 @p2 $0x1082  }
0x22: {  	[simem:s7], [sflag:s8] =	dma.local @!p0 [hbm:s6], $0xF7A  }
0x23: {  	s9 =	sor.u32 $0xD0000000, s2;
	s6 =	simm.s32 $0x108;
	_ =	swait.ge @!p0 [sflag:s8], $0x0  }
0x24: {  	s3 =	sadd.s32 $0x88, s3;
	s6 =	simm.s32 @!p1 $0x1082;
	[sflag:s4] =	ssyncset.s32 $0xFFFFF086  }
0x25: {  	[simem:s6], [sflag:s4] =	dma.local [hbm:s3], $0xF7A  }
0x26: {  	[smem:$0x3F9B] =	sst s1;
	(tag) =	ssettag s2;
	_ =	strace s9  }
0x27: {  	s1 =	sld [smem:$0x3FAB]  }
0x28: {  	s2 =	sld [smem:$0x3FAC]  }
0x29: {  	s4 =	sld [smem:$0x3FAE]  }
0x2a: {  	p0 =	seq.s32 s5, $0x0;
	s5 =	sld [smem:$0x3FAF]  }
0x2b: {  	s6 =	sld [smem:$0x3FB0]  }
0x2c: {  	s7 =	sld [smem:$0x3FB1]  }
0x2d: {  	s3 =	simm.s32 $0x108;
	s8 =	sld [smem:$0x3FB2]  }
0x2e: {  	s3 =	simm.s32 @!p0 $0x1082;
	s9 =	sld [smem:$0x3FB3]  }
0x2f: {  	lr =	sadd.s32 s0, s3;
	s0 =	sld [smem:$0x3FAA]  }
0x30: {  	s3 =	sld [smem:$0x3FAD]  }
0x31: {  	[smem:$0x3FB6] =	sst s10  }
0x32: {  	s10 =	sld [smem:$0x3FB4];
	_ =	sdelay $0x3  }
0x33: {  	p0 =	seq.s32 s10, $0x1;
	s10 =	sld [smem:$0x3FB6];
	_ =	sdelay $0x3  }
0x34: {  	[smem:$0x3FB6] =	sst s10  }
0x35: {  	s10 =	sld [smem:$0x3FB5];
	_ =	sdelay $0x3  }
0x36: {  	p1 =	seq.s32 s10, $0x1;
	s10 =	sld [smem:$0x3FB6];
	_ =	sdelay $0x3  }
0x37: {  	[smem:$0x3FB6] =	sst s10  }
0x38: {  	s10 =	sld [smem:$0x3FB7]  }
0x39: {  	_ = 	snop;
	(pc) =	sbr.ind lr, $3  }
0x3a: {  	_ = 	snop  }
0x3b: {  	_ = 	snop  }
0x3c: {  	p2 =	seq.s32 s10, $0x1;
	s10 =	sld [smem:$0x3FB6]  }
0x3d: {  	_ =	shalt  }
0x3e: {  	_ =	shalt  }
0x3f: {  	_ =	shalt  }
0x40: {  	_ =	shalt  }
0x41: {  	_ =	shalt  }
0x42: {  	_ =	shalt  }
0x43: {  	_ =	shalt  }
0x44: {  	_ =	shalt  }
0x45: {  	_ =	shalt  }
0x46: {  	_ =	shalt  }
0x47: {  	_ =	shalt  }
0x48: {  	_ =	shalt  }
0x49: {  	_ =	shalt  }
0x4a: {  	_ =	shalt  }
0x4b: {  	_ =	shalt  }
0x4c: {  	_ =	shalt  }
0x4d: {  	_ =	shalt  }
0x4e: {  	_ =	shalt  }
0x4f: {  	_ =	shalt  }
0x50: {  	_ =	shalt  }
0x51: {  	_ =	shalt  }
0x52: {  	_ =	shalt  }
0x53: {  	_ =	shalt  }
0x54: {  	_ =	shalt  }
0x55: {  	_ =	shalt  }
0x56: {  	_ =	shalt  }
0x57: {  	_ =	shalt  }
0x58: {  	_ =	shalt  }
0x59: {  	_ =	shalt  }
0x5a: {  	_ =	shalt  }
0x5b: {  	_ =	shalt  }
0x5c: {  	_ =	shalt  }
0x5d: {  	_ =	shalt  }
0x5e: {  	_ =	shalt  }
0x5f: {  	_ =	shalt  }
0x60: {  	_ =	shalt  }
0x61: {  	_ =	shalt  }
0x62: {  	_ =	shalt  }
0x63: {  	_ =	shalt  }
0x64: {  	_ =	shalt  }
0x65: {  	_ =	shalt  }
0x66: {  	_ =	shalt  }
0x67: {  	_ =	shalt  }
0x68: {  	_ =	shalt  }
0x69: {  	_ =	shalt  }
0x6a: {  	_ =	shalt  }
0x6b: {  	_ =	shalt  }
0x6c: {  	_ =	shalt  }
0x6d: {  	_ =	shalt  }
0x6e: {  	_ =	shalt  }
0x6f: {  	_ =	shalt  }
0x70: {  	_ =	shalt  }
0x71: {  	_ =	shalt  }
0x72: {  	_ =	shalt  }
0x73: {  	_ =	shalt  }
0x74: {  	_ =	shalt  }
0x75: {  	_ =	shalt  }
0x76: {  	_ =	shalt  }
0x77: {  	_ =	shalt  }
0x78: {  	_ =	shalt  }
0x79: {  	_ =	shalt  }
0x7a: {  	_ =	shalt  }
0x7b: {  	_ =	shalt  }
0x7c: {  	_ =	shalt  }
0x7d: {  	_ =	shalt  }
0x7e: {  	_ =	shalt  }
0x7f: {  	_ =	shalt  }
0x80: {  	_ =	shalt  }
0x81: {  	_ =	shalt  }
0x82: {  	_ =	shalt  }
0x83: {  	_ =	shalt  }
0x84: {  	_ =	shalt  }
0x85: {  	_ =	shalt  }
0x86: {  	_ =	shalt  }
0x87: {  	_ =	shalt  }
.Lfunc_end0:
.L_simem_size_0:
called_computation.1_lowered:
.L_overlay_start_0:
0x88: {  	s2 =	sld [smem:$0x3FD9]  }
0x89: {  	s3 =	sld [smem:$0x3FFE];
	_ =	sdelay $0x1  }
0x8a: {  	s1 =	srdreg.scid  }
0x8b: {  	s0 =	sand.u32 $0x1, s1  }
0x8c: {  	s17 =	sshll.u32 s0, $0xA;
	s2 =	sadd.s32 s3, s2  }
0x8d: {  	s2 =	sadd.s32 s2, s17  }
0x8e: {  	[smem:$0x3FC2] =	sst s2  }
0x8f: {  	_ = 	snop  }
0x90: {  	s2 =	sld [smem:$0x3FD0];
	(tm) =	ssettm $0x1  }
0x91: {  	s18 =	sld [smem:$0x3FFB];
	_ =	sdelay $0x3  }
0x92: {  	_ =	strace s18  }
0x93: {  	s3 =	sld [smem:$0x3FFC];
	_ =	sdelay $0x3  }
0x94: {  	_ =	strace s3  }
0x95: {  	s3 =	sld [smem:$0x3FFD];
	_ =	sdelay $0x3  }
0x96: {  	_ =	strace s3  }
0x97: {  	_ =	strace $0x8FFFFFFF  }
0x98: {  	s19 =	sld [smem:$0x3FDB];
	_ =	sdelay $0x1  }
0x99: {  	s4 =	simm.s32 $_scs_section_size  }
0x9a: {  	s5 =	simm.s32 $_size__tile_overlayer_lowered;
	s6 =	simm.s32 $_tile_overlayer_lowered  }
0x9b: {  	s22 =	simm.s32 $0x1BFF;
	s21 =	sshll.u32 s6, $0x1;
	s3 =	sadd.s32 s4, s19  }
0x9c: {  	s7 =	simm.s32 $0x0;
	s20 =	sshll.u32 s5, $0x1;
	s5 =	sadd.s32 s21, s3  }
0x9d: {  	[timem:s7], [sflag:s22] =	dma.local [hbm:s5], s20  }
0x9e: {  	_ =	swait.ge [sflag:s22], s20  }
0x9f: {  	s4 =	ssub.s32 $0x0, s20;
	[sflag:s22] =	ssyncset.done $0x0  }
0xa0: {  	[sflag:s22] =	ssyncadd.s32 s4;
	_ =	sdelay $0x1  }
0xa1: {  	s23 =	simm.s32 $0x1B8B  }
0xa2: {  	_ =	swait.ge [sflag:s23], $0x1  }
0xa3: {  	[sflag:s23] =	ssyncset.done $0x0  }
0xa4: {  	s25 =	simm.s32 $0x1B8E;
	s24 =	sld [smem:$0x3FFE];
	[sflag:s23] =	ssyncadd.s32 $0xFFFFFFFF  }
0xa5: {  	s26 =	simm.s32 $execute0_lowered;
	[smem:$0x3FD2] =	sst s25  }
0xa6: {  	s5 =	sshll.u32 s26, $0x1;
	_ =	strace $0x80000049;
	[dreg:$0x1] =	wrdreg $0xFFFFFFFF  }
0xa7: {  	s28 =	simm.s32 $_size_execute0_lowered;
	s3 =	sadd.s32 s3, s5;
	[dreg:$0x0] =	wrdreg $0x0  }
0xa8: {  	s5 =	sshll.u32 s28, $0x1;
	[dreg:$0x2] =	wrdreg s3  }
0xa9: {  	[dreg:$0x3] =	wrdreg s5  }
0xaa: {  	[dreg:$0x4] =	wrdreg $0xC0  }
0xab: {  	_ =	task [dreg:s7], $0x5FFFF  }
0xac: {  	[dreg:$0x1] =	wrdreg $0xFFFFFFFF  }
0xad: {  	[dreg:$0x0] =	wrdreg $0x60  }
0xae: {  	[dreg:$0x2] =	wrdreg s24  }
0xaf: {  	[dreg:$0x3] =	wrdreg s2  }
0xb0: {  	[dreg:$0x4] =	wrdreg $0x9  }
0xb1: {  	_ =	task.clear_ibuf [dreg:s7], $0x5FFFF;
	_ =	strace $0x90000049  }
0xb2: {  	s29 =	simm.s32 $0x9;
	_ =	strace $0x8000004B  }
0xb3: {  	_ =	swait.ge [sflag:s29], $0x1  }
0xb4: {  	[sflag:s29] =	ssyncadd.s32 $0xFFFFFFFF  }
0xb5: {  	_ =	strace $0x9000004B  }
0xb6: {  	_ =	sfence  }
0xb7: {  	s30 =	sld [smem:$0x0];
	_ =	sdelay $0x2  }
0xb8: {  	s31 =	sshll.u32 s1, $0xD;
	s1 =	sshrl.u32 s1, $0x2  }
0xb9: {  	s3 =	sand.u32 $0x4000, s31;
	s1 =	sadd.s32 s1, s30  }
0xba: {  	s0 =	sor.u32 s3, s0;
	s1 =	sshll.u32 s1, $0x11  }
0xbb: {  	s0 =	sor.u32 s1, s0  }
0xbc: {  	s0 =	sadd.s32 $0x8F2B, s0  }
0xbd: {  	[sflag:s0] =	ssyncadd.remote.s32 $0x1  }
0xbe: {  	_ =	sfence.sel $0xFFFF  }
0xbf: {  	[dreg:$0x0] =	wrdreg $0xFFFFFFFF;
	(pc) =	sbr.abs _section_cstart, $3  }
0xc0: {  	[dreg:$0x1] =	wrdreg $0xFFFFFFFF  }
0xc1: {  	_ =	task.clear_ibuf [dreg:s7], $0x2FFFF;
	_ =	strace $0x9FFFFFFF  }
0xc2: {  	(tm) =	ssettm $0x7FFFFFFF  }
0xc3: {  	_ =	shalt  }
tec
execute0_lowered:
.L_overlay_start_1:
0x0: {  	(tag) =	ssettag $0x1  }
0x1: {  	s0 =	rddreg [dreg:$0x0]  }
0x2: {  	s1 =	rddreg [dreg:$0x1];
	s2 =	srdreg.scid  }
0x3: {  	s4 =	stileid.u32;
	s13 =	simm.s32 $0x3;
	s22 =	simm.s32 $0x18100  }
0x4: {  	s23 =	simm.s32 $0x1A100;
	s24 =	simm.s32 $0x1;
	s25 =	simm.s32 $0x2  }
0x5: {  	s26 =	simm.s32 $0x0;
	s3 =	sand.u32 $0x1, s2;
	s2 =	simm.s32 $0x0  }
0x6: {  	s4 =	sshll.u32 s4, $0x7;
	s5 =	sshll.u32 s3, $0x6;
	[smem:$0x7FF] =	sst s2  }
0x7: {  	s30 =	ssub.s32 $0x2, s3;
	s3 =	sadd.s32 $0x10000, s0;
	s5 =	sor.u32 s5, s4  }
0x8: {  	v2 =	vlaneseq.u32;
	_ =	strace $0x8000004A;
	s8 =	sshrl.u32 s30, $0x1;
	s7 =	sshrl.u32 s5, $0x3  }
0x9: {  	v0 =	vand.u32 $0x7, v2;
	v1 =	vshrl.u32 v2, $0x3;
	s11 =	ssub.s32 s30, s8;
	s31 =	sshll.u32 s5, $0x4;
	s8 =	sadd.s32 $0x10200, s0  }
0xa: {  	v63 =	vor.u32 $0x8, v2;
	v62 =	vmul.u32 $0x8, v1;
	[tilespmem:$0x1FFD0] =	vst v0;
	s6 =	sadd.s32 s7, s0;
	s10 =	smul.u32 $0x300, s7;
	s7 =	sadd.s32 $0x10100, s0  }
0xb: {  	[tilespmem:$0x1FFF0] =	vst v63;
	s4 =	sadd.s32 $0x88600, s6;
	s5 =	sadd.s32 $0x88800, s6;
	s6 =	sadd.s32 s0, s31  }
0xc: {  	vm0 =	vmmov $0xffff;
	[tilespmem:$0x1FFE0] =	vst v62;
	s11 =	smax.u32 s11, $0x1;
	s9 =	sadd.s32 $0x8000, s6;
	s10 =	sadd.s32 s1, s10  }
.LBB2_1:
0xd: {  	s0 =	simm.s32 $0x18000  }
0xe: {  	[tilespmem:s0], [sflag:$0x3] =	stream.linear.gather [hbm4b:s4+s2], $0x40, $0x38;
	[tilespmem:$0x1C100] =	vst v63  }
0xf: {  	_ =	swait.ge [sflag:s13], $0x40  }
0x10: {  	[sflag:s13] =	ssyncset.done $0x0  }
0x11: {  	s14 =	simm.s32 $0x18080;
	[sflag:s13] =	ssyncadd.s32 $0xFFFFFFC0  }
0x12: {  	[tilespmem:s14], [sflag:$0x3] =	stream.linear.gather [hbm4b:s5+s2], $0x40, $0x38;
	[tilespmem:$0x1C100] =	vst v63  }
0x13: {  	_ =	swait.ge [sflag:s13], $0x40  }
0x14: {  	[sflag:s13] =	ssyncset.done $0x0  }
0x15: {  	[sflag:s13] =	ssyncadd.s32 $0xFFFFFFC0  }
0x16: {  	v3 =	vld [tilespmem:$0x18000];
	_ =	sdelay $0x3  }
0x17: {  	v0 =	vld [tilespmem:$0x1FFD0]  }
0x18: {  	v4 =	vshrl.u32 v3, $0x3  }
0x19: {  	v1 =	vld [tilespmem:$0x1FFE0];
	v4 =	vmul.u32 $0x30, v4  }
0x1a: {  	v3 =	vand.u32 $0x7, v3  }
0x1b: {  	v3 =	vor.u32 v3, v4  }
0x1c: {  	v4 =	vperm.xlane v3, v0  }
0x1d: {  	v2 =	vld [tilespmem:$0x1FFF0]  }
0x1e: {  	v4 =	vadd.s32 v1, v4;
	_ =	sdelay $0x3  }
0x1f: {  	v3 =	vperm.xlane v3, v2  }
0x20: {  	[tilespmem:s2], [sflag:$0x1] =	stream.indirect_vreg.gather [hbm4b:s3+s2], $0x80, v4, vm0, $0xb8;
	[tilespmem:$0x1C100] =	vst v63  }
0x21: {  	s15 =	simm.s32 $0x800;
	v3 =	vadd.s32 v1, v3  }
0x22: {  	[tilespmem:s15], [sflag:$0x1] =	stream.indirect_vreg.gather [hbm4b:s7+s2], $0x80, v4, vm0, $0xb8;
	[tilespmem:$0x1C100] =	vst v63  }
0x23: {  	s16 =	simm.s32 $0x1000  }
0x24: {  	[tilespmem:s16], [sflag:$0x1] =	stream.indirect_vreg.gather [hbm4b:s8+s2], $0x80, v4, vm0, $0xb8;
	[tilespmem:$0x1C100] =	vst v63  }
0x25: {  	s17 =	simm.s32 $0x1800  }
0x26: {  	[tilespmem:s17], [sflag:$0x1] =	stream.indirect_vreg.gather [hbm4b:s3+s2], $0x80, v3, vm0, $0xb8;
	[tilespmem:$0x1C100] =	vst v63  }
0x27: {  	s18 =	simm.s32 $0x2000  }
0x28: {  	[tilespmem:s18], [sflag:$0x1] =	stream.indirect_vreg.gather [hbm4b:s7+s2], $0x80, v3, vm0, $0xb8;
	[tilespmem:$0x1C100] =	vst v63  }
0x29: {  	s19 =	simm.s32 $0x2800  }
0x2a: {  	[tilespmem:s19], [sflag:$0x1] =	stream.indirect_vreg.gather [hbm4b:s8+s2], $0x80, v3, vm0, $0xb8;
	[tilespmem:$0x1C100] =	vst v63  }
0x2b: {  	v3 =	vld [tilespmem:$0x18010];
	_ =	sdelay $0x4  }
0x2c: {  	v57 =	vshrl.u32 v3, $0x3  }
0x2d: {  	v4 =	vmul.u32 $0x30, v57  }
0x2e: {  	v3 =	vand.u32 $0x7, v3  }
0x2f: {  	v3 =	vor.u32 v3, v4  }
0x30: {  	v4 =	vperm.xlane v3, v0;
	_ =	sdelay $0x1  }
0x31: {  	v4 =	vadd.s32 v1, v4;
	_ =	sdelay $0x3  }
0x32: {  	s20 =	simm.s32 $0x3000;
	v3 =	vperm.xlane v3, v2  }
0x33: {  	[tilespmem:s20], [sflag:$0x1] =	stream.indirect_vreg.gather [hbm4b:s3+s2], $0x80, v4, vm0, $0xb8;
	[tilespmem:$0x1C100] =	vst v63  }
0x34: {  	s21 =	simm.s32 $0x3800;
	v3 =	vadd.s32 v1, v3  }
0x35: {  	[tilespmem:s21], [sflag:$0x1] =	stream.indirect_vreg.gather [hbm4b:s7+s2], $0x80, v4, vm0, $0xb8;
	[tilespmem:$0x1C100] =	vst v63  }
0x36: {  	s1 =	simm.s32 $0x4000  }
0x37: {  	[tilespmem:s1], [sflag:$0x1] =	stream.indirect_vreg.gather [hbm4b:s8+s2], $0x80, v4, vm0, $0xb8;
	[tilespmem:$0x1C100] =	vst v63  }
0x38: {  	s12 =	simm.s32 $0x4800  }
0x39: {  	[tilespmem:s12], [sflag:$0x1] =	stream.indirect_vreg.gather [hbm4b:s3+s2], $0x80, v3, vm0, $0xb8;
	[tilespmem:$0x1C100] =	vst v63  }
0x3a: {  	s14 =	simm.s32 $0x5000  }
0x3b: {  	[tilespmem:s14], [sflag:$0x1] =	stream.indirect_vreg.gather [hbm4b:s7+s2], $0x80, v3, vm0, $0xb8;
	[tilespmem:$0x1C100] =	vst v63  }
0x3c: {  	s15 =	simm.s32 $0x5800  }
0x3d: {  	[tilespmem:s15], [sflag:$0x1] =	stream.indirect_vreg.gather [hbm4b:s8+s2], $0x80, v3, vm0, $0xb8;
	[tilespmem:$0x1C100] =	vst v63  }
0x3e: {  	v3 =	vld [tilespmem:$0x18020];
	_ =	sdelay $0x4  }
0x3f: {  	v58 =	vshrl.u32 v3, $0x3  }
0x40: {  	v4 =	vmul.u32 $0x30, v58  }
0x41: {  	v3 =	vand.u32 $0x7, v3  }
0x42: {  	v3 =	vor.u32 v3, v4  }
0x43: {  	v4 =	vperm.xlane v3, v0;
	_ =	sdelay $0x1  }
0x44: {  	v4 =	vadd.s32 v1, v4;
	_ =	sdelay $0x3  }
0x45: {  	s16 =	simm.s32 $0x6000;
	v3 =	vperm.xlane v3, v2  }
0x46: {  	[tilespmem:s16], [sflag:$0x1] =	stream.indirect_vreg.gather [hbm4b:s3+s2], $0x80, v4, vm0, $0xb8;
	[tilespmem:$0x1C100] =	vst v63  }
0x47: {  	s17 =	simm.s32 $0x6800;
	v3 =	vadd.s32 v1, v3  }
0x48: {  	[tilespmem:s17], [sflag:$0x1] =	stream.indirect_vreg.gather [hbm4b:s7+s2], $0x80, v4, vm0, $0xb8;
	[tilespmem:$0x1C100] =	vst v63  }
0x49: {  	s18 =	simm.s32 $0x7000  }
0x4a: {  	[tilespmem:s18], [sflag:$0x1] =	stream.indirect_vreg.gather [hbm4b:s8+s2], $0x80, v4, vm0, $0xb8;
	[tilespmem:$0x1C100] =	vst v63  }
0x4b: {  	s19 =	simm.s32 $0x7800  }
0x4c: {  	[tilespmem:s19], [sflag:$0x1] =	stream.indirect_vreg.gather [hbm4b:s3+s2], $0x80, v3, vm0, $0xb8;
	[tilespmem:$0x1C100] =	vst v63  }
0x4d: {  	s20 =	simm.s32 $0x8000  }
0x4e: {  	[tilespmem:s20], [sflag:$0x1] =	stream.indirect_vreg.gather [hbm4b:s7+s2], $0x80, v3, vm0, $0xb8;
	[tilespmem:$0x1C100] =	vst v63  }
0x4f: {  	s21 =	simm.s32 $0x8800  }
0x50: {  	[tilespmem:s21], [sflag:$0x1] =	stream.indirect_vreg.gather [hbm4b:s8+s2], $0x80, v3, vm0, $0xb8;
	[tilespmem:$0x1C100] =	vst v63  }
0x51: {  	v3 =	vld [tilespmem:$0x18030];
	_ =	sdelay $0x4  }
0x52: {  	v59 =	vshrl.u32 v3, $0x3  }
0x53: {  	v4 =	vmul.u32 $0x30, v59  }
0x54: {  	v3 =	vand.u32 $0x7, v3  }
0x55: {  	v3 =	vor.u32 v3, v4  }
0x56: {  	v4 =	vperm.xlane v3, v0;
	_ =	sdelay $0x1  }
0x57: {  	v4 =	vadd.s32 v1, v4;
	_ =	sdelay $0x3  }
0x58: {  	s1 =	simm.s32 $0x9000;
	v3 =	vperm.xlane v3, v2  }
0x59: {  	[tilespmem:s1], [sflag:$0x1] =	stream.indirect_vreg.gather [hbm4b:s3+s2], $0x80, v4, vm0, $0xb8;
	[tilespmem:$0x1C100] =	vst v63  }
0x5a: {  	s12 =	simm.s32 $0x9800;
	v3 =	vadd.s32 v1, v3  }
0x5b: {  	[tilespmem:s12], [sflag:$0x1] =	stream.indirect_vreg.gather [hbm4b:s7+s2], $0x80, v4, vm0, $0xb8;
	[tilespmem:$0x1C100] =	vst v63  }
0x5c: {  	s14 =	simm.s32 $0xA000  }
0x5d: {  	[tilespmem:s14], [sflag:$0x1] =	stream.indirect_vreg.gather [hbm4b:s8+s2], $0x80, v4, vm0, $0xb8;
	[tilespmem:$0x1C100] =	vst v63  }
0x5e: {  	s15 =	simm.s32 $0xA800  }
0x5f: {  	[tilespmem:s15], [sflag:$0x1] =	stream.indirect_vreg.gather [hbm4b:s3+s2], $0x80, v3, vm0, $0xb8;
	[tilespmem:$0x1C100] =	vst v63  }
0x60: {  	s16 =	simm.s32 $0xB000  }
0x61: {  	[tilespmem:s16], [sflag:$0x1] =	stream.indirect_vreg.gather [hbm4b:s7+s2], $0x80, v3, vm0, $0xb8;
	[tilespmem:$0x1C100] =	vst v63  }
0x62: {  	s17 =	simm.s32 $0xB800  }
0x63: {  	[tilespmem:s17], [sflag:$0x1] =	stream.indirect_vreg.gather [hbm4b:s8+s2], $0x80, v3, vm0, $0xb8;
	[tilespmem:$0x1C100] =	vst v63  }
0x64: {  	v3 =	vld [tilespmem:$0x18080];
	_ =	sdelay $0x4  }
0x65: {  	v60 =	vshrl.u32 v3, $0x3  }
0x66: {  	v4 =	vmul.u32 $0x30, v60  }
0x67: {  	v3 =	vand.u32 $0x7, v3  }
0x68: {  	v3 =	vor.u32 v3, v4  }
0x69: {  	v4 =	vperm.xlane v3, v0;
	_ =	sdelay $0x1  }
0x6a: {  	v4 =	vadd.s32 v1, v4;
	_ =	sdelay $0x3  }
0x6b: {  	s18 =	simm.s32 $0xC000;
	v3 =	vperm.xlane v3, v2  }
0x6c: {  	[tilespmem:s18], [sflag:$0x2] =	stream.indirect_vreg.gather [hbm4b:s3+s2], $0x80, v4, vm0, $0xb8;
	[tilespmem:$0x1C100] =	vst v63  }
0x6d: {  	s19 =	simm.s32 $0xC800;
	v3 =	vadd.s32 v1, v3  }
0x6e: {  	[tilespmem:s19], [sflag:$0x2] =	stream.indirect_vreg.gather [hbm4b:s7+s2], $0x80, v4, vm0, $0xb8;
	[tilespmem:$0x1C100] =	vst v63  }
0x6f: {  	s20 =	simm.s32 $0xD000  }
0x70: {  	[tilespmem:s20], [sflag:$0x2] =	stream.indirect_vreg.gather [hbm4b:s8+s2], $0x80, v4, vm0, $0xb8;
	[tilespmem:$0x1C100] =	vst v63  }
0x71: {  	s21 =	simm.s32 $0xD800  }
0x72: {  	[tilespmem:s21], [sflag:$0x2] =	stream.indirect_vreg.gather [hbm4b:s3+s2], $0x80, v3, vm0, $0xb8;
	[tilespmem:$0x1C100] =	vst v63  }
0x73: {  	s1 =	simm.s32 $0xE000  }
0x74: {  	[tilespmem:s1], [sflag:$0x2] =	stream.indirect_vreg.gather [hbm4b:s7+s2], $0x80, v3, vm0, $0xb8;
	[tilespmem:$0x1C100] =	vst v63  }
0x75: {  	s12 =	simm.s32 $0xE800  }
0x76: {  	[tilespmem:s12], [sflag:$0x2] =	stream.indirect_vreg.gather [hbm4b:s8+s2], $0x80, v3, vm0, $0xb8;
	[tilespmem:$0x1C100] =	vst v63  }
0x77: {  	v3 =	vld [tilespmem:$0x18090];
	_ =	sdelay $0x4  }
0x78: {  	v61 =	vshrl.u32 v3, $0x3  }
0x79: {  	v4 =	vmul.u32 $0x30, v61  }
0x7a: {  	v3 =	vand.u32 $0x7, v3  }
0x7b: {  	v3 =	vor.u32 v3, v4  }
0x7c: {  	v4 =	vperm.xlane v3, v0;
	_ =	sdelay $0x1  }
0x7d: {  	v4 =	vadd.s32 v1, v4;
	_ =	sdelay $0x3  }
0x7e: {  	s14 =	simm.s32 $0xF000;
	v3 =	vperm.xlane v3, v2  }
0x7f: {  	[tilespmem:s14], [sflag:$0x2] =	stream.indirect_vreg.gather [hbm4b:s3+s2], $0x80, v4, vm0, $0xb8;
	[tilespmem:$0x1C100] =	vst v63  }
0x80: {  	s15 =	simm.s32 $0xF800;
	v3 =	vadd.s32 v1, v3  }
0x81: {  	[tilespmem:s15], [sflag:$0x2] =	stream.indirect_vreg.gather [hbm4b:s7+s2], $0x80, v4, vm0, $0xb8;
	[tilespmem:$0x1C100] =	vst v63  }
0x82: {  	s16 =	simm.s32 $0x10000  }
0x83: {  	[tilespmem:s16], [sflag:$0x2] =	stream.indirect_vreg.gather [hbm4b:s8+s2], $0x80, v4, vm0, $0xb8;
	[tilespmem:$0x1C100] =	vst v63  }
0x84: {  	s17 =	simm.s32 $0x10800  }
0x85: {  	[tilespmem:s17], [sflag:$0x2] =	stream.indirect_vreg.gather [hbm4b:s3+s2], $0x80, v3, vm0, $0xb8;
	[tilespmem:$0x1C100] =	vst v63  }
0x86: {  	s18 =	simm.s32 $0x11000  }
0x87: {  	[tilespmem:s18], [sflag:$0x2] =	stream.indirect_vreg.gather [hbm4b:s7+s2], $0x80, v3, vm0, $0xb8;
	[tilespmem:$0x1C100] =	vst v63  }
0x88: {  	s19 =	simm.s32 $0x11800  }
0x89: {  	[tilespmem:s19], [sflag:$0x2] =	stream.indirect_vreg.gather [hbm4b:s8+s2], $0x80, v3, vm0, $0xb8;
	[tilespmem:$0x1C100] =	vst v63  }
0x8a: {  	v3 =	vld [tilespmem:$0x180A0];
	_ =	sdelay $0x4  }
0x8b: {  	v62 =	vshrl.u32 v3, $0x3  }
0x8c: {  	v4 =	vmul.u32 $0x30, v62  }
0x8d: {  	v3 =	vand.u32 $0x7, v3  }
0x8e: {  	v3 =	vor.u32 v3, v4  }
0x8f: {  	v4 =	vperm.xlane v3, v0;
	_ =	sdelay $0x1  }
0x90: {  	v4 =	vadd.s32 v1, v4;
	_ =	sdelay $0x3  }
0x91: {  	s20 =	simm.s32 $0x12000;
	v3 =	vperm.xlane v3, v2  }
0x92: {  	[tilespmem:s20], [sflag:$0x2] =	stream.indirect_vreg.gather [hbm4b:s3+s2], $0x80, v4, vm0, $0xb8;
	[tilespmem:$0x1C100] =	vst v63  }
0x93: {  	s21 =	simm.s32 $0x12800;
	v3 =	vadd.s32 v1, v3  }
0x94: {  	[tilespmem:s21], [sflag:$0x2] =	stream.indirect_vreg.gather [hbm4b:s7+s2], $0x80, v4, vm0, $0xb8;
	[tilespmem:$0x1C100] =	vst v63  }
0x95: {  	s1 =	simm.s32 $0x13000  }
0x96: {  	[tilespmem:s1], [sflag:$0x2] =	stream.indirect_vreg.gather [hbm4b:s8+s2], $0x80, v4, vm0, $0xb8;
	[tilespmem:$0x1C100] =	vst v63  }
0x97: {  	s12 =	simm.s32 $0x13800  }
0x98: {  	[tilespmem:s12], [sflag:$0x2] =	stream.indirect_vreg.gather [hbm4b:s3+s2], $0x80, v3, vm0, $0xb8;
	[tilespmem:$0x1C100] =	vst v63  }
0x99: {  	s14 =	simm.s32 $0x14000  }
0x9a: {  	[tilespmem:s14], [sflag:$0x2] =	stream.indirect_vreg.gather [hbm4b:s7+s2], $0x80, v3, vm0, $0xb8;
	[tilespmem:$0x1C100] =	vst v63  }
0x9b: {  	s15 =	simm.s32 $0x14800  }
0x9c: {  	[tilespmem:s15], [sflag:$0x2] =	stream.indirect_vreg.gather [hbm4b:s8+s2], $0x80, v3, vm0, $0xb8;
	[tilespmem:$0x1C100] =	vst v63  }
0x9d: {  	v3 =	vld [tilespmem:$0x180B0];
	_ =	sdelay $0x4  }
0x9e: {  	v63 =	vshrl.u32 v3, $0x3  }
0x9f: {  	v4 =	vmul.u32 $0x30, v63  }
0xa0: {  	v3 =	vand.u32 $0x7, v3  }
0xa1: {  	v3 =	vor.u32 v3, v4  }
0xa2: {  	v4 =	vperm.xlane v3, v0;
	_ =	sdelay $0x1  }
0xa3: {  	v4 =	vadd.s32 v1, v4;
	_ =	sdelay $0x3  }
0xa4: {  	s16 =	simm.s32 $0x15000;
	v3 =	vperm.xlane v3, v2  }
0xa5: {  	[tilespmem:s16], [sflag:$0x2] =	stream.indirect_vreg.gather [hbm4b:s3+s2], $0x80, v4, vm0, $0xb8;
	[tilespmem:$0x1C100] =	vst v63  }
0xa6: {  	s17 =	simm.s32 $0x15800;
	v3 =	vadd.s32 v1, v3  }
0xa7: {  	[tilespmem:s17], [sflag:$0x2] =	stream.indirect_vreg.gather [hbm4b:s7+s2], $0x80, v4, vm0, $0xb8;
	[tilespmem:$0x1C100] =	vst v63  }
0xa8: {  	s18 =	simm.s32 $0x16000  }
0xa9: {  	[tilespmem:s18], [sflag:$0x2] =	stream.indirect_vreg.gather [hbm4b:s8+s2], $0x80, v4, vm0, $0xb8;
	[tilespmem:$0x1C100] =	vst v63  }
0xaa: {  	s19 =	simm.s32 $0x16800  }
0xab: {  	[tilespmem:s19], [sflag:$0x2] =	stream.indirect_vreg.gather [hbm4b:s3+s2], $0x80, v3, vm0, $0xb8;
	[tilespmem:$0x1C100] =	vst v63  }
0xac: {  	s20 =	simm.s32 $0x17000  }
0xad: {  	[tilespmem:s20], [sflag:$0x2] =	stream.indirect_vreg.gather [hbm4b:s7+s2], $0x80, v3, vm0, $0xb8;
	[tilespmem:$0x1C100] =	vst v63  }
0xae: {  	s21 =	simm.s32 $0x17800  }
0xaf: {  	[tilespmem:s21], [sflag:$0x2] =	stream.indirect_vreg.gather [hbm4b:s8+s2], $0x80, v3, vm0, $0xb8;
	[tilespmem:$0x1C100] =	vst v63  }
0xb0: {  	_ = 	snop  }
0xb1: {  	[tilespmem:s22], [sflag:$0x3] =	stream.linear.gather [hbm4b:s6+s2], $0x2000, $0x38;
	[tilespmem:$0x1C100] =	vst v63  }
0xb2: {  	_ =	swait.ge [sflag:s13], $0x2000  }
0xb3: {  	[sflag:s13] =	ssyncset.done $0x0  }
0xb4: {  	[sflag:s13] =	ssyncadd.s32 $0xFFFFE000  }
0xb5: {  	[tilespmem:s23], [sflag:$0x3] =	stream.linear.gather [hbm4b:s9+s2], $0x2000, $0x38;
	[tilespmem:$0x1C100] =	vst v63  }
0xb6: {  	_ =	swait.ge [sflag:s13], $0x2000  }
0xb7: {  	[sflag:s13] =	ssyncset.done $0x0  }
0xb8: {  	[sflag:s13] =	ssyncadd.s32 $0xFFFFE000  }
0xb9: {  	_ =	swait.ge [sflag:s24], $0xC000  }
0xba: {  	[sflag:s24] =	ssyncset.done $0x0  }
0xbb: {  	[sflag:s24] =	ssyncadd.s32 $0xFFFF4000  }
0xbc: {  	_ =	swait.ge [sflag:s25], $0xC000  }
0xbd: {  	s28 =	simm.s32 $0xFFFFFFFC;
	s29 =	simm.s32 $0x1A200;
	[sflag:s25] =	ssyncset.done $0x0  }
0xbe: {  	s30 =	simm.s32 $0x18200;
	s31 =	simm.s32 $0x0;
	[sflag:s25] =	ssyncadd.s32 $0xFFFF4000  }
.LBB2_2:
0xbf: {  	s28 =	sadd.s32 $0x4, s28  }
0xc0: {  	s0 =	sshrl.u32 s28, $0x3  }
0xc1: {  	s15 =	smul.u32 $0x1800, s0  }
0xc2: {  	v3 =	vld [tilespmem:s30+$0xFFFFFF00];
	s16 =	sand.u32 $0x200, s31  }
0xc3: {  	v4 =	vld [tilespmem:s29+$0xFFFFFF00];
	s0 =	sor.u32 s16, s15  }
0xc4: {  	v5 =	vld [tilespmem:s0+$0x0]  }
0xc5: {  	v6 =	vld [tilespmem:s0+$0xC000]  }
0xc6: {  	v7 =	vld [tilespmem:s0+$0x10]  }
0xc7: {  	v8 =	vld [tilespmem:s0+$0xC010]  }
0xc8: {  	v9 =	vld [tilespmem:s0+$0x20]  }
0xc9: {  	v10 =	vld [tilespmem:s0+$0xC020]  }
0xca: {  	v11 =	vld [tilespmem:s0+$0x30]  }
0xcb: {  	v12 =	vld [tilespmem:s0+$0xC030]  }
0xcc: {  	v13 =	vld [tilespmem:s0+$0x40]  }
0xcd: {  	v14 =	vld [tilespmem:s0+$0xC040]  }
0xce: {  	v15 =	vld [tilespmem:s0+$0x50]  }
0xcf: {  	v16 =	vld [tilespmem:s0+$0xC050]  }
0xd0: {  	v17 =	vld [tilespmem:s0+$0x60]  }
0xd1: {  	v18 =	vld [tilespmem:s0+$0xC060]  }
0xd2: {  	v19 =	vld [tilespmem:s0+$0x70]  }
0xd3: {  	v20 =	vld [tilespmem:s0+$0xC070]  }
0xd4: {  	v21 =	vld [tilespmem:s0+$0x400]  }
0xd5: {  	v22 =	vld [tilespmem:s0+$0xC400]  }
0xd6: {  	v23 =	vld [tilespmem:s0+$0x410]  }
0xd7: {  	v24 =	vld [tilespmem:s0+$0xC410]  }
0xd8: {  	v25 =	vld [tilespmem:s0+$0x420]  }
0xd9: {  	v26 =	vld [tilespmem:s0+$0xC420];
	v5 =	vmul.f32 v5, v3;
	v6 =	vmul.f32 v6, v4  }
0xda: {  	v27 =	vld [tilespmem:s0+$0x430];
	v7 =	vmul.f32 v7, v3;
	v8 =	vmul.f32 v8, v4  }
0xdb: {  	v42 =	vld [tilespmem:s0+$0xC430];
	v40 =	vmul.f32 v9, v3;
	v41 =	vmul.f32 v10, v4;
	v5 =	vadd.f32 v6, v5  }
0xdc: {  	v45 =	vld [tilespmem:s0+$0x440];
	v43 =	vmul.f32 v11, v3;
	v44 =	vmul.f32 v12, v4;
	v7 =	vadd.f32 v8, v7  }
0xdd: {  	v49 =	vld [tilespmem:s0+$0xC440];
	v47 =	vmul.f32 v13, v3;
	v48 =	vmul.f32 v14, v4;
	v46 =	vadd.f32 v41, v40;
	[tilespmem:s0+$0x0] =	vst v5  }
0xde: {  	v53 =	vld [tilespmem:s0+$0x450];
	v51 =	vmul.f32 v15, v3;
	v52 =	vmul.f32 v16, v4;
	v50 =	vadd.f32 v44, v43;
	[tilespmem:s0+$0x10] =	vst v7  }
0xdf: {  	v57 =	vld [tilespmem:s0+$0xC450];
	v55 =	vmul.f32 v17, v3;
	v56 =	vmul.f32 v18, v4;
	v54 =	vadd.f32 v48, v47;
	[tilespmem:s0+$0x20] =	vst v46  }
0xe0: {  	v61 =	vld [tilespmem:s0+$0x460];
	v59 =	vmul.f32 v19, v3;
	v60 =	vmul.f32 v20, v4;
	v58 =	vadd.f32 v52, v51;
	[tilespmem:s0+$0x30] =	vst v50  }
0xe1: {  	v1 =	vld [tilespmem:s0+$0xC460];
	v63 =	vmul.f32 v21, v3;
	v0 =	vmul.f32 v22, v4;
	v62 =	vadd.f32 v56, v55;
	[tilespmem:s0+$0x40] =	vst v54  }
0xe2: {  	v29 =	vld [tilespmem:s0+$0xC470];
	v21 =	vmul.f32 v23, v3;
	v22 =	vmul.f32 v24, v4;
	v2 =	vadd.f32 v60, v59;
	[tilespmem:s0+$0x50] =	vst v58  }
0xe3: {  	v23 =	vld [tilespmem:s0+$0x470];
	v25 =	vmul.f32 v25, v3;
	v28 =	vmul.f32 v26, v4;
	v24 =	vadd.f32 v0, v63;
	[tilespmem:s0+$0x60] =	vst v62  }
0xe4: {  	v31 =	vmul.f32 v27, v3;
	v10 =	vmul.f32 v42, v4;
	v30 =	vadd.f32 v22, v21;
	[tilespmem:s0+$0x70] =	vst v2  }
0xe5: {  	v33 =	vmul.f32 v45, v3;
	v34 =	vmul.f32 v49, v4;
	v32 =	vadd.f32 v28, v25;
	[tilespmem:s0+$0x400] =	vst v24  }
0xe6: {  	v36 =	vmul.f32 v53, v3;
	v37 =	vmul.f32 v57, v4;
	v35 =	vadd.f32 v10, v31;
	[tilespmem:s0+$0x410] =	vst v30  }
0xe7: {  	s12 =	sadd.s32 $0x800, s15;
	v39 =	vmul.f32 v61, v3;
	v38 =	vadd.f32 v34, v33;
	v40 =	vmul.f32 v1, v4;
	[tilespmem:s0+$0x420] =	vst v32  }
0xe8: {  	s14 =	sor.u32 s16, s12;
	v41 =	vadd.f32 v37, v36;
	v43 =	vmul.f32 v29, v4;
	[tilespmem:s0+$0x430] =	vst v35;
	v42 =	vmul.f32 v23, v3  }
0xe9: {  	[tilespmem:s0+$0x440] =	vst v38;
	v44 =	vadd.f32 v40, v39;
	v46 =	vld [tilespmem:s14+$0x0]  }
0xea: {  	[tilespmem:s0+$0x450] =	vst v41;
	v47 =	vld [tilespmem:s14+$0x10];
	v45 =	vadd.f32 v43, v42  }
0xeb: {  	v49 =	vld [tilespmem:s14+$0x20];
	[tilespmem:s0+$0x460] =	vst v44  }
0xec: {  	v51 =	vld [tilespmem:s14+$0x30];
	[tilespmem:s0+$0x470] =	vst v45  }
0xed: {  	v6 =	vld [tilespmem:s14+$0xC000]  }
0xee: {  	v48 =	vld [tilespmem:s14+$0xC010]  }
0xef: {  	v50 =	vld [tilespmem:s14+$0xC020]  }
0xf0: {  	v52 =	vld [tilespmem:s14+$0xC030]  }
0xf1: {  	v53 =	vld [tilespmem:s14+$0x40]  }
0xf2: {  	v54 =	vld [tilespmem:s14+$0xC040]  }
0xf3: {  	v55 =	vld [tilespmem:s14+$0x50]  }
0xf4: {  	v56 =	vld [tilespmem:s14+$0xC050]  }
0xf5: {  	v57 =	vld [tilespmem:s14+$0x60]  }
0xf6: {  	v5 =	vmul.f32 v46, v3;
	v58 =	vld [tilespmem:s14+$0xC060];
	v6 =	vmul.f32 v6, v4  }
0xf7: {  	v7 =	vmul.f32 v47, v3;
	v59 =	vld [tilespmem:s14+$0x70];
	v8 =	vmul.f32 v48, v4  }
0xf8: {  	v60 =	vmul.f32 v49, v3;
	v62 =	vld [tilespmem:s14+$0xC070];
	v61 =	vmul.f32 v50, v4;
	v5 =	vadd.f32 v6, v5  }
0xf9: {  	v63 =	vmul.f32 v51, v3;
	v0 =	vmul.f32 v52, v4;
	v7 =	vadd.f32 v8, v7  }
0xfa: {  	v2 =	vmul.f32 v53, v3;
	v12 =	vmul.f32 v54, v4;
	v1 =	vadd.f32 v61, v60;
	[tilespmem:s14+$0x0] =	vst v5  }
0xfb: {  	v14 =	vmul.f32 v55, v3;
	v15 =	vmul.f32 v56, v4;
	v13 =	vadd.f32 v0, v63;
	[tilespmem:s14+$0x10] =	vst v7  }
0xfc: {  	v17 =	vmul.f32 v57, v3;
	v20 =	vmul.f32 v58, v4;
	v16 =	vadd.f32 v12, v2;
	[tilespmem:s14+$0x20] =	vst v1  }
0xfd: {  	v22 =	vmul.f32 v59, v3;
	v10 =	vmul.f32 v62, v4;
	v21 =	vadd.f32 v15, v14;
	[tilespmem:s14+$0x30] =	vst v13  }
0xfe: {  	v23 =	vadd.f32 v20, v17;
	[tilespmem:s14+$0x40] =	vst v16  }
0xff: {  	s1 =	sadd.s32 $0xC00, s15;
	v24 =	vadd.f32 v10, v22;
	[tilespmem:s14+$0x50] =	vst v21  }
0x100: {  	s17 =	sor.u32 s16, s1;
	[tilespmem:s14+$0x60] =	vst v23  }
0x101: {  	[tilespmem:s14+$0x70] =	vst v24;
	v25 =	vld [tilespmem:s17+$0x0]  }
0x102: {  	v6 =	vld [tilespmem:s17+$0xC000]  }
0x103: {  	v26 =	vld [tilespmem:s17+$0x10]  }
0x104: {  	v27 =	vld [tilespmem:s17+$0xC010]  }
0x105: {  	v28 =	vld [tilespmem:s17+$0x20]  }
0x106: {  	v29 =	vld [tilespmem:s17+$0xC020]  }
0x107: {  	v33 =	vld [tilespmem:s17+$0x30]  }
0x108: {  	v34 =	vld [tilespmem:s17+$0xC030]  }
0x109: {  	v37 =	vld [tilespmem:s17+$0x50]  }
0x10a: {  	v38 =	vld [tilespmem:s17+$0xC050]  }
0x10b: {  	v39 =	vld [tilespmem:s17+$0x60]  }
0x10c: {  	v40 =	vld [tilespmem:s17+$0xC060]  }
0x10d: {  	v41 =	vld [tilespmem:s17+$0x70]  }
0x10e: {  	v42 =	vld [tilespmem:s17+$0xC070];
	v5 =	vmul.f32 v25, v3;
	v6 =	vmul.f32 v6, v4  }
0x10f: {  	v35 =	vld [tilespmem:s17+$0x40];
	v7 =	vmul.f32 v26, v3;
	v8 =	vmul.f32 v27, v4  }
0x110: {  	v36 =	vld [tilespmem:s17+$0xC040];
	v30 =	vmul.f32 v28, v3;
	v31 =	vmul.f32 v29, v4;
	v5 =	vadd.f32 v6, v5  }
0x111: {  	v43 =	vmul.f32 v37, v3;
	v44 =	vmul.f32 v38, v4;
	v7 =	vadd.f32 v8, v7  }
0x112: {  	v45 =	vmul.f32 v39, v3;
	v46 =	vmul.f32 v40, v4;
	v32 =	vadd.f32 v31, v30;
	[tilespmem:s17+$0x0] =	vst v5  }
0x113: {  	v48 =	vmul.f32 v41, v3;
	v49 =	vmul.f32 v42, v4;
	v47 =	vadd.f32 v44, v43;
	[tilespmem:s17+$0x10] =	vst v7  }
0x114: {  	v6 =	vmul.f32 v34, v4;
	v50 =	vadd.f32 v46, v45;
	[tilespmem:s17+$0x20] =	vst v32;
	v5 =	vmul.f32 v33, v3  }
0x115: {  	v8 =	vmul.f32 v36, v4;
	v51 =	vadd.f32 v49, v48;
	v7 =	vmul.f32 v35, v3;
	[tilespmem:s17+$0x50] =	vst v47  }
0x116: {  	[tilespmem:s17+$0x60] =	vst v50;
	v5 =	vadd.f32 v6, v5  }
0x117: {  	[tilespmem:s17+$0x70] =	vst v51;
	v7 =	vadd.f32 v8, v7  }
0x118: {  	s0 =	sadd.s32 $0x1000, s15;
	[tilespmem:s17+$0x30] =	vst v5  }
0x119: {  	s18 =	sor.u32 s16, s0;
	[tilespmem:s17+$0x40] =	vst v7  }
0x11a: {  	v7 =	vld [tilespmem:s18+$0x0]  }
0x11b: {  	v8 =	vld [tilespmem:s18+$0xC000]  }
0x11c: {  	v9 =	vld [tilespmem:s18+$0x10]  }
0x11d: {  	v10 =	vld [tilespmem:s18+$0xC010]  }
0x11e: {  	v11 =	vld [tilespmem:s18+$0x20]  }
0x11f: {  	v12 =	vld [tilespmem:s18+$0xC020]  }
0x120: {  	v13 =	vld [tilespmem:s18+$0x30]  }
0x121: {  	s20 =	sadd.s32 $0x80, s31;
	v14 =	vld [tilespmem:s18+$0xC030]  }
0x122: {  	s17 =	sand.u32 $0x280, s20;
	v5 =	vld [tilespmem:s30+$0xFFFFFF80]  }
0x123: {  	v6 =	vld [tilespmem:s29+$0xFFFFFF80];
	s14 =	sor.u32 s15, s17  }
0x124: {  	v52 =	vld [tilespmem:s14+$0x0]  }
0x125: {  	v53 =	vld [tilespmem:s14+$0xC000]  }
0x126: {  	v54 =	vld [tilespmem:s14+$0x10]  }
0x127: {  	v55 =	vld [tilespmem:s14+$0xC010]  }
0x128: {  	v56 =	vld [tilespmem:s14+$0x20]  }
0x129: {  	v57 =	vld [tilespmem:s14+$0xC020]  }
0x12a: {  	v58 =	vld [tilespmem:s14+$0x30]  }
0x12b: {  	v59 =	vld [tilespmem:s14+$0xC030]  }
0x12c: {  	v60 =	vld [tilespmem:s14+$0x40]  }
0x12d: {  	v61 =	vld [tilespmem:s14+$0xC040]  }
0x12e: {  	v62 =	vld [tilespmem:s14+$0x50]  }
0x12f: {  	v63 =	vld [tilespmem:s14+$0xC050]  }
0x130: {  	v0 =	vld [tilespmem:s14+$0x60]  }
0x131: {  	v28 =	vld [tilespmem:s14+$0xC060]  }
0x132: {  	v29 =	vld [tilespmem:s14+$0x70]  }
0x133: {  	v30 =	vld [tilespmem:s14+$0xC070]  }
0x134: {  	v31 =	vld [tilespmem:s14+$0x400]  }
0x135: {  	v32 =	vld [tilespmem:s14+$0xC400]  }
0x136: {  	v33 =	vld [tilespmem:s14+$0x410]  }
0x137: {  	v34 =	vld [tilespmem:s14+$0xC410]  }
0x138: {  	v35 =	vld [tilespmem:s14+$0x420]  }
0x139: {  	v36 =	vld [tilespmem:s14+$0xC420];
	v15 =	vmul.f32 v52, v5;
	v16 =	vmul.f32 v53, v6  }
0x13a: {  	v37 =	vld [tilespmem:s14+$0x430];
	v17 =	vmul.f32 v54, v5;
	v18 =	vmul.f32 v55, v6  }
0x13b: {  	v20 =	vld [tilespmem:s14+$0xC430];
	v1 =	vmul.f32 v56, v5;
	v2 =	vmul.f32 v57, v6;
	v15 =	vadd.f32 v16, v15  }
0x13c: {  	v22 =	vld [tilespmem:s14+$0x440];
	v38 =	vmul.f32 v58, v5;
	v39 =	vmul.f32 v59, v6;
	v17 =	vadd.f32 v18, v17  }
0x13d: {  	v43 =	vld [tilespmem:s14+$0x450];
	v41 =	vmul.f32 v60, v5;
	v42 =	vmul.f32 v61, v6;
	v40 =	vadd.f32 v2, v1;
	[tilespmem:s14+$0x0] =	vst v15  }
0x13e: {  	v47 =	vld [tilespmem:s14+$0xC450];
	v45 =	vmul.f32 v62, v5;
	v46 =	vmul.f32 v63, v6;
	v44 =	vadd.f32 v39, v38;
	[tilespmem:s14+$0x10] =	vst v17  }
0x13f: {  	v51 =	vld [tilespmem:s14+$0x460];
	v49 =	vmul.f32 v0, v5;
	v50 =	vmul.f32 v28, v6;
	v48 =	vadd.f32 v42, v41;
	[tilespmem:s14+$0x20] =	vst v40  }
0x140: {  	v53 =	vmul.f32 v29, v5;
	v54 =	vmul.f32 v30, v6;
	v55 =	vld [tilespmem:s14+$0xC460];
	v52 =	vadd.f32 v46, v45;
	[tilespmem:s14+$0x30] =	vst v44  }
0x141: {  	v57 =	vmul.f32 v31, v5;
	v58 =	vmul.f32 v32, v6;
	v59 =	vld [tilespmem:s14+$0x470];
	v56 =	vadd.f32 v50, v49;
	[tilespmem:s14+$0x40] =	vst v48  }
0x142: {  	v61 =	vmul.f32 v33, v5;
	v62 =	vmul.f32 v34, v6;
	v63 =	vld [tilespmem:s14+$0xC470];
	v60 =	vadd.f32 v54, v53;
	[tilespmem:s14+$0x50] =	vst v52  }
0x143: {  	v33 =	vld [tilespmem:s14+$0xC440];
	v0 =	vadd.f32 v58, v57;
	v1 =	vmul.f32 v35, v5;
	v2 =	vmul.f32 v36, v6;
	[tilespmem:s14+$0x60] =	vst v56  }
0x144: {  	v34 =	vld [tilespmem:s18+$0x40];
	v20 =	vmul.f32 v20, v6;
	v35 =	vadd.f32 v62, v61;
	v36 =	vmul.f32 v37, v5;
	[tilespmem:s14+$0x70] =	vst v60  }
0x145: {  	v37 =	vld [tilespmem:s18+$0xC040];
	v39 =	vmul.f32 v43, v5;
	[tilespmem:s14+$0x400] =	vst v0;
	v38 =	vadd.f32 v2, v1;
	v40 =	vmul.f32 v47, v6  }
0x146: {  	v41 =	vld [tilespmem:s18+$0x50];
	v43 =	vmul.f32 v51, v5;
	[tilespmem:s14+$0x410] =	vst v35;
	v42 =	vadd.f32 v20, v36;
	v44 =	vmul.f32 v55, v6  }
0x147: {  	v45 =	vld [tilespmem:s18+$0xC050];
	v47 =	vmul.f32 v59, v5;
	v48 =	vmul.f32 v63, v6;
	[tilespmem:s14+$0x420] =	vst v38;
	v46 =	vadd.f32 v40, v39  }
0x148: {  	v49 =	vld [tilespmem:s18+$0x60];
	v50 =	vmul.f32 v22, v5;
	v51 =	vmul.f32 v33, v6;
	[tilespmem:s14+$0x430] =	vst v42;
	v18 =	vadd.f32 v44, v43  }
0x149: {  	v54 =	vld [tilespmem:s18+$0x70];
	v53 =	vadd.f32 v48, v47;
	[tilespmem:s14+$0x450] =	vst v46  }
0x14a: {  	v52 =	vld [tilespmem:s18+$0xC060];
	v17 =	vadd.f32 v51, v50;
	[tilespmem:s14+$0x460] =	vst v18  }
0x14b: {  	s19 =	sor.u32 s17, s12;
	v55 =	vld [tilespmem:s18+$0xC070];
	[tilespmem:s14+$0x470] =	vst v53  }
0x14c: {  	[tilespmem:s14+$0x440] =	vst v17;
	v15 =	vld [tilespmem:s19+$0x0]  }
0x14d: {  	v17 =	vld [tilespmem:s19+$0xC000]  }
0x14e: {  	v56 =	vld [tilespmem:s19+$0x10]  }
0x14f: {  	v57 =	vld [tilespmem:s19+$0xC010]  }
0x150: {  	v58 =	vld [tilespmem:s19+$0x20]  }
0x151: {  	v59 =	vld [tilespmem:s19+$0xC020]  }
0x152: {  	v60 =	vld [tilespmem:s19+$0x30]  }
0x153: {  	v7 =	vmul.f32 v7, v3;
	v8 =	vmul.f32 v8, v4;
	v63 =	vld [tilespmem:s19+$0xC030]  }
0x154: {  	v9 =	vmul.f32 v9, v3;
	v10 =	vmul.f32 v10, v4;
	v31 =	vld [tilespmem:s19+$0x40]  }
0x155: {  	v7 =	vadd.f32 v8, v7;
	v61 =	vmul.f32 v11, v3;
	v62 =	vmul.f32 v12, v4;
	v35 =	vld [tilespmem:s19+$0x50]  }
0x156: {  	v29 =	vmul.f32 v14, v4;
	v9 =	vadd.f32 v10, v9;
	v2 =	vmul.f32 v13, v3;
	v39 =	vld [tilespmem:s19+$0xC050]  }
0x157: {  	[tilespmem:s18+$0x0] =	vst v7;
	v32 =	vadd.f32 v62, v61;
	v33 =	vmul.f32 v34, v3;
	v34 =	vmul.f32 v37, v4;
	v43 =	vld [tilespmem:s19+$0x60]  }
0x158: {  	[tilespmem:s18+$0x10] =	vst v9;
	v36 =	vadd.f32 v29, v2;
	v37 =	vmul.f32 v41, v3;
	v38 =	vmul.f32 v45, v4;
	v47 =	vld [tilespmem:s19+$0xC060]  }
0x159: {  	[tilespmem:s18+$0x20] =	vst v32;
	v41 =	vmul.f32 v49, v3;
	v40 =	vadd.f32 v34, v33;
	v42 =	vmul.f32 v52, v4;
	s14 =	sadd.s32 $0x1400, s15;
	v51 =	vld [tilespmem:s19+$0x70]  }
0x15a: {  	v45 =	vmul.f32 v54, v3;
	[tilespmem:s18+$0x30] =	vst v36;
	v44 =	vadd.f32 v38, v37;
	v46 =	vmul.f32 v55, v4;
	v55 =	vld [tilespmem:s19+$0xC070];
	s16 =	sor.u32 s16, s14  }
0x15b: {  	[tilespmem:s18+$0x40] =	vst v40;
	v48 =	vadd.f32 v42, v41;
	v0 =	vld [tilespmem:s16+$0x0];
	v49 =	vmul.f32 v15, v5;
	v50 =	vmul.f32 v17, v6  }
0x15c: {  	[tilespmem:s18+$0x50] =	vst v44;
	v52 =	vadd.f32 v46, v45;
	v25 =	vld [tilespmem:s16+$0x10];
	v53 =	vmul.f32 v56, v5;
	v54 =	vmul.f32 v57, v6  }
0x15d: {  	[tilespmem:s18+$0x60] =	vst v48;
	v57 =	vmul.f32 v58, v5;
	v58 =	vmul.f32 v59, v6;
	v59 =	vld [tilespmem:s19+$0xC040];
	v56 =	vadd.f32 v50, v49  }
0x15e: {  	v30 =	vld [tilespmem:s16+$0x20];
	[tilespmem:s18+$0x70] =	vst v52;
	v60 =	vmul.f32 v60, v5;
	v12 =	vmul.f32 v63, v6;
	v13 =	vadd.f32 v54, v53  }
0x15f: {  	v34 =	vld [tilespmem:s16+$0x30];
	v63 =	vmul.f32 v35, v5;
	v24 =	vmul.f32 v39, v6;
	v62 =	vadd.f32 v58, v57;
	[tilespmem:s19+$0x0] =	vst v56  }
0x160: {  	v61 =	vld [tilespmem:s16+$0xC000];
	v20 =	vmul.f32 v43, v5;
	v16 =	vmul.f32 v47, v6;
	v19 =	vadd.f32 v12, v60;
	[tilespmem:s19+$0x10] =	vst v13  }
0x161: {  	v26 =	vld [tilespmem:s16+$0xC010];
	v28 =	vmul.f32 v51, v5;
	v29 =	vmul.f32 v55, v6;
	v27 =	vadd.f32 v24, v63;
	[tilespmem:s19+$0x20] =	vst v62  }
0x162: {  	v31 =	vmul.f32 v31, v5;
	v32 =	vld [tilespmem:s16+$0xC020];
	v16 =	vadd.f32 v16, v20;
	[tilespmem:s19+$0x30] =	vst v19;
	v18 =	vmul.f32 v59, v6  }
0x163: {  	v17 =	vld [tilespmem:s16+$0x40];
	v33 =	vadd.f32 v29, v28;
	[tilespmem:s19+$0x50] =	vst v27  }
0x164: {  	v23 =	vld [tilespmem:s16+$0xC060];
	[tilespmem:s19+$0x60] =	vst v16;
	v35 =	vadd.f32 v18, v31  }
0x165: {  	s21 =	sor.u32 s17, s1;
	v20 =	vld [tilespmem:s16+$0xC050];
	[tilespmem:s19+$0x70] =	vst v33  }
0x166: {  	v7 =	vld [tilespmem:s21+$0x0];
	[tilespmem:s19+$0x40] =	vst v35  }
0x167: {  	v8 =	vld [tilespmem:s21+$0xC000]  }
0x168: {  	v36 =	vld [tilespmem:s21+$0x10]  }
0x169: {  	v37 =	vld [tilespmem:s21+$0xC010]  }
0x16a: {  	v19 =	vld [tilespmem:s21+$0x20]  }
0x16b: {  	v38 =	vld [tilespmem:s21+$0xC020]  }
0x16c: {  	v39 =	vld [tilespmem:s21+$0x30]  }
0x16d: {  	v40 =	vld [tilespmem:s21+$0xC030]  }
0x16e: {  	v41 =	vld [tilespmem:s21+$0x40]  }
0x16f: {  	v42 =	vld [tilespmem:s21+$0x50]  }
0x170: {  	v43 =	vld [tilespmem:s21+$0xC050]  }
0x171: {  	v44 =	vld [tilespmem:s21+$0x60]  }
0x172: {  	v45 =	vld [tilespmem:s21+$0xC060]  }
0x173: {  	v7 =	vmul.f32 v7, v5;
	v46 =	vld [tilespmem:s21+$0x70];
	v8 =	vmul.f32 v8, v6  }
0x174: {  	[tilespmem:$0x1FF60] =	vst v0;
	v48 =	vld [tilespmem:s21+$0xC070];
	v47 =	vmul.f32 v36, v5;
	v18 =	vmul.f32 v37, v6  }
0x175: {  	[tilespmem:$0x1FF80] =	vst v25;
	v51 =	vld [tilespmem:s21+$0xC040];
	v49 =	vmul.f32 v19, v5;
	v50 =	vmul.f32 v38, v6;
	v7 =	vadd.f32 v8, v7  }
0x176: {  	v24 =	vld [tilespmem:s16+$0xC070];
	[tilespmem:$0x1FF70] =	vst v61;
	v21 =	vmul.f32 v39, v5;
	v22 =	vmul.f32 v40, v6;
	v52 =	vadd.f32 v18, v47  }
0x177: {  	v16 =	vld [tilespmem:s16+$0xC030];
	v54 =	vmul.f32 v42, v5;
	v55 =	vmul.f32 v43, v6;
	v53 =	vadd.f32 v50, v49;
	[tilespmem:s21+$0x0] =	vst v7  }
0x178: {  	v19 =	vld [tilespmem:s16+$0x50];
	v56 =	vmul.f32 v44, v5;
	v57 =	vmul.f32 v45, v6;
	v22 =	vadd.f32 v22, v21;
	[tilespmem:s21+$0x10] =	vst v52  }
0x179: {  	v59 =	vmul.f32 v46, v5;
	v60 =	vmul.f32 v48, v6;
	v18 =	vld [tilespmem:s16+$0xC040];
	v58 =	vadd.f32 v55, v54;
	[tilespmem:s21+$0x20] =	vst v53  }
0x17a: {  	v61 =	vmul.f32 v41, v5;
	v62 =	vmul.f32 v51, v6;
	v21 =	vld [tilespmem:s16+$0x60];
	v25 =	vadd.f32 v57, v56;
	[tilespmem:s21+$0x30] =	vst v22  }
0x17b: {  	v63 =	vadd.f32 v60, v59;
	v8 =	vld [tilespmem:s29+$0x0];
	[tilespmem:s21+$0x50] =	vst v58  }
0x17c: {  	v0 =	vadd.f32 v62, v61;
	v22 =	vld [tilespmem:s16+$0x70];
	[tilespmem:s21+$0x60] =	vst v25  }
0x17d: {  	s20 =	sor.u32 s17, s0;
	[tilespmem:s21+$0x70] =	vst v63;
	v7 =	vld [tilespmem:s30+$0x0]  }
0x17e: {  	[tilespmem:s21+$0x40] =	vst v0;
	v25 =	vld [tilespmem:s20+$0x0]  }
0x17f: {  	v1 =	vld [tilespmem:s20+$0xC000]  }
0x180: {  	v2 =	vld [tilespmem:s20+$0x10]  }
0x181: {  	v12 =	vld [tilespmem:s20+$0xC010]  }
0x182: {  	v13 =	vld [tilespmem:s20+$0x20]  }
0x183: {  	v14 =	vld [tilespmem:s20+$0xC020]  }
0x184: {  	v15 =	vld [tilespmem:s20+$0x30]  }
0x185: {  	v57 =	vld [tilespmem:s20+$0xC030]  }
0x186: {  	v58 =	vld [tilespmem:s20+$0x40]  }
0x187: {  	v59 =	vld [tilespmem:s20+$0xC040]  }
0x188: {  	v60 =	vld [tilespmem:s20+$0x50]  }
0x189: {  	v61 =	vld [tilespmem:s20+$0xC050]  }
0x18a: {  	v62 =	vld [tilespmem:s20+$0x60]  }
0x18b: {  	s19 =	sadd.s32 $0x100, s31;
	v38 =	vld [tilespmem:s20+$0xC060]  }
0x18c: {  	s18 =	sand.u32 $0x300, s19;
	v39 =	vld [tilespmem:s20+$0x70]  }
0x18d: {  	s21 =	sor.u32 s15, s18;
	v40 =	vld [tilespmem:s20+$0xC070]  }
0x18e: {  	v41 =	vld [tilespmem:s21+$0x0]  }
0x18f: {  	v42 =	vld [tilespmem:s21+$0xC000]  }
0x190: {  	v43 =	vld [tilespmem:s21+$0x10]  }
0x191: {  	v44 =	vld [tilespmem:s21+$0xC010]  }
0x192: {  	v45 =	vld [tilespmem:s21+$0x20]  }
0x193: {  	v46 =	vld [tilespmem:s21+$0xC020]  }
0x194: {  	v47 =	vld [tilespmem:s21+$0x30]  }
0x195: {  	v48 =	vld [tilespmem:s21+$0xC030]  }
0x196: {  	v49 =	vld [tilespmem:s21+$0x40]  }
0x197: {  	v50 =	vld [tilespmem:s21+$0xC040]  }
0x198: {  	v51 =	vld [tilespmem:s21+$0x50]  }
0x199: {  	v52 =	vld [tilespmem:s21+$0xC050]  }
0x19a: {  	v53 =	vld [tilespmem:s21+$0x60]  }
0x19b: {  	v54 =	vld [tilespmem:s21+$0xC060]  }
0x19c: {  	[tilespmem:$0x1FFA0] =	vst v30;
	v55 =	vld [tilespmem:s21+$0x70]  }
0x19d: {  	[tilespmem:$0x1FF90] =	vst v26;
	v30 =	vld [tilespmem:s21+$0xC070]  }
0x19e: {  	[tilespmem:$0x1FFB0] =	vst v32;
	v32 =	vld [tilespmem:s21+$0x400];
	v25 =	vmul.f32 v25, v5;
	v26 =	vmul.f32 v1, v6  }
0x19f: {  	v33 =	vld [tilespmem:s21+$0xC400];
	v27 =	vmul.f32 v2, v5;
	v28 =	vmul.f32 v12, v6  }
0x1a0: {  	[tilespmem:$0x1FFC0] =	vst v34;
	v34 =	vld [tilespmem:s21+$0x410];
	v63 =	vmul.f32 v13, v5;
	v0 =	vmul.f32 v14, v6  }
0x1a1: {  	v35 =	vld [tilespmem:s21+$0xC410];
	v1 =	vmul.f32 v15, v5;
	v2 =	vmul.f32 v57, v6  }
0x1a2: {  	v36 =	vld [tilespmem:s21+$0x420];
	v10 =	vmul.f32 v58, v5;
	v11 =	vmul.f32 v59, v6;
	v25 =	vadd.f32 v26, v25  }
0x1a3: {  	v37 =	vld [tilespmem:s21+$0xC420];
	v13 =	vmul.f32 v60, v5;
	v14 =	vmul.f32 v61, v6;
	v27 =	vadd.f32 v28, v27  }
0x1a4: {  	v56 =	vmul.f32 v62, v5;
	v57 =	vmul.f32 v38, v6;
	v38 =	vld [tilespmem:s21+$0x430];
	v9 =	vadd.f32 v0, v63;
	[tilespmem:s20+$0x0] =	vst v25  }
0x1a5: {  	v59 =	vmul.f32 v39, v5;
	v60 =	vmul.f32 v40, v6;
	v39 =	vld [tilespmem:s21+$0xC430];
	v12 =	vadd.f32 v2, v1;
	[tilespmem:s20+$0x10] =	vst v27  }
0x1a6: {  	v40 =	vld [tilespmem:s21+$0x440];
	v53 =	vmul.f32 v53, v7;
	v54 =	vmul.f32 v54, v8;
	v15 =	vadd.f32 v11, v10;
	[tilespmem:s20+$0x20] =	vst v9  }
0x1a7: {  	v58 =	vadd.f32 v14, v13;
	v10 =	vmul.f32 v45, v7;
	v13 =	vmul.f32 v47, v7;
	v47 =	vld [tilespmem:s21+$0xC440];
	[tilespmem:s20+$0x30] =	vst v12  }
0x1a8: {  	v61 =	vadd.f32 v57, v56;
	v45 =	vmul.f32 v49, v7;
	v49 =	vmul.f32 v51, v7;
	v51 =	vld [tilespmem:s21+$0x450];
	[tilespmem:s20+$0x40] =	vst v15  }
0x1a9: {  	v62 =	vmul.f32 v41, v7;
	v63 =	vmul.f32 v42, v8;
	v0 =	vadd.f32 v60, v59;
	v56 =	vld [tilespmem:s21+$0xC450];
	[tilespmem:s20+$0x50] =	vst v58  }
0x1aa: {  	v1 =	vmul.f32 v43, v7;
	v2 =	vmul.f32 v44, v8;
	v59 =	vld [tilespmem:s21+$0x460];
	v60 =	vadd.f32 v54, v53;
	[tilespmem:s20+$0x60] =	vst v61  }
0x1ab: {  	v11 =	vmul.f32 v46, v8;
	v9 =	vadd.f32 v63, v62;
	[tilespmem:s20+$0x70] =	vst v0;
	v63 =	vld [tilespmem:s21+$0xC460]  }
0x1ac: {  	s17 =	sor.u32 s17, s14;
	v30 =	vmul.f32 v30, v8;
	v14 =	vmul.f32 v48, v8;
	v12 =	vadd.f32 v2, v1;
	v2 =	vld [tilespmem:s21+$0x470];
	[tilespmem:s21+$0x60] =	vst v60  }
0x1ad: {  	v46 =	vmul.f32 v50, v8;
	v50 =	vmul.f32 v52, v8;
	v15 =	vadd.f32 v11, v10;
	v27 =	vld [tilespmem:s17+$0x0];
	[tilespmem:s21+$0x0] =	vst v9  }
0x1ae: {  	v48 =	vadd.f32 v14, v13;
	v58 =	vmul.f32 v55, v7;
	v61 =	vmul.f32 v32, v7;
	v29 =	vld [tilespmem:s17+$0x10];
	[tilespmem:s21+$0x10] =	vst v12  }
0x1af: {  	v52 =	vadd.f32 v46, v45;
	v62 =	vmul.f32 v33, v8;
	v0 =	vmul.f32 v34, v7;
	v31 =	vld [tilespmem:s17+$0x20];
	[tilespmem:s21+$0x20] =	vst v15  }
0x1b0: {  	v1 =	vmul.f32 v35, v8;
	v11 =	vmul.f32 v37, v8;
	v37 =	vld [tilespmem:s17+$0x50];
	[tilespmem:s21+$0x30] =	vst v48;
	v28 =	vadd.f32 v30, v58  }
0x1b1: {  	v10 =	vmul.f32 v36, v7;
	v13 =	vmul.f32 v38, v7;
	v38 =	vld [tilespmem:s17+$0xC050];
	[tilespmem:s21+$0x40] =	vst v52;
	v9 =	vadd.f32 v62, v61  }
0x1b2: {  	v14 =	vmul.f32 v39, v8;
	v12 =	vld [tilespmem:s21+$0xC470];
	v30 =	vadd.f32 v1, v0;
	[tilespmem:s21+$0x70] =	vst v28  }
0x1b3: {  	v41 =	vld [tilespmem:s17+$0xC060];
	v15 =	vadd.f32 v11, v10;
	[tilespmem:s21+$0x400] =	vst v9  }
0x1b4: {  	v40 =	vmul.f32 v40, v7;
	v44 =	vmul.f32 v47, v8;
	v33 =	vadd.f32 v14, v13;
	v28 =	vld [tilespmem:s17+$0xC000];
	[tilespmem:s21+$0x410] =	vst v30  }
0x1b5: {  	v57 =	vadd.f32 v50, v49;
	v45 =	vmul.f32 v51, v7;
	v46 =	vmul.f32 v56, v8;
	v30 =	vld [tilespmem:s17+$0xC010];
	[tilespmem:s21+$0x420] =	vst v15  }
0x1b6: {  	s20 =	sor.u32 s18, s12;
	v48 =	vmul.f32 v59, v7;
	v47 =	vadd.f32 v44, v40;
	v32 =	vmul.f32 v63, v8;
	[tilespmem:s21+$0x430] =	vst v33;
	v33 =	vld [tilespmem:s17+$0xC020]  }
0x1b7: {  	[tilespmem:s21+$0x50] =	vst v57;
	v36 =	vadd.f32 v46, v45;
	v34 =	vmul.f32 v2, v7;
	v51 =	vld [tilespmem:s20+$0x0];
	v35 =	vmul.f32 v12, v8  }
0x1b8: {  	[tilespmem:s21+$0x440] =	vst v47;
	v49 =	vadd.f32 v32, v48;
	v32 =	vld [tilespmem:s17+$0x30]  }
0x1b9: {  	[tilespmem:s21+$0x450] =	vst v36;
	v52 =	vld [tilespmem:s20+$0x10];
	v50 =	vadd.f32 v35, v34  }
0x1ba: {  	v53 =	vld [tilespmem:s20+$0x20];
	[tilespmem:s21+$0x460] =	vst v49  }
0x1bb: {  	v55 =	vld [tilespmem:s20+$0x30];
	[tilespmem:s21+$0x470] =	vst v50  }
0x1bc: {  	v26 =	vld [tilespmem:s20+$0xC000]  }
0x1bd: {  	v36 =	vld [tilespmem:s20+$0xC010]  }
0x1be: {  	v54 =	vld [tilespmem:s20+$0xC020]  }
0x1bf: {  	v56 =	vld [tilespmem:s20+$0xC030]  }
0x1c0: {  	v57 =	vld [tilespmem:s20+$0x40]  }
0x1c1: {  	v58 =	vld [tilespmem:s20+$0xC040]  }
0x1c2: {  	v59 =	vld [tilespmem:s20+$0x50]  }
0x1c3: {  	v60 =	vld [tilespmem:s20+$0xC050]  }
0x1c4: {  	v61 =	vld [tilespmem:s20+$0x60]  }
0x1c5: {  	v25 =	vmul.f32 v51, v7;
	v62 =	vld [tilespmem:s20+$0xC060];
	v26 =	vmul.f32 v26, v8  }
0x1c6: {  	v0 =	vld [tilespmem:s20+$0x70];
	v63 =	vmul.f32 v52, v7;
	v36 =	vmul.f32 v36, v8  }
0x1c7: {  	v9 =	vld [tilespmem:s20+$0xC070];
	v1 =	vmul.f32 v53, v7;
	v2 =	vmul.f32 v54, v8;
	v25 =	vadd.f32 v26, v25  }
0x1c8: {  	v34 =	vld [tilespmem:s17+$0xC030];
	v39 =	vmul.f32 v55, v7;
	v40 =	vmul.f32 v56, v8;
	v10 =	vadd.f32 v36, v63  }
0x1c9: {  	v35 =	vld [tilespmem:s17+$0x40];
	v12 =	vmul.f32 v57, v7;
	v13 =	vmul.f32 v58, v8;
	v11 =	vadd.f32 v2, v1;
	[tilespmem:s20+$0x0] =	vst v25  }
0x1ca: {  	v14 =	vmul.f32 v59, v7;
	v15 =	vmul.f32 v60, v8;
	v36 =	vld [tilespmem:s17+$0xC040];
	v40 =	vadd.f32 v40, v39;
	[tilespmem:s20+$0x10] =	vst v10  }
0x1cb: {  	v51 =	vmul.f32 v61, v7;
	v52 =	vmul.f32 v62, v8;
	v50 =	vadd.f32 v13, v12;
	v39 =	vld [tilespmem:s17+$0x60];
	[tilespmem:s20+$0x20] =	vst v11  }
0x1cc: {  	v53 =	vmul.f32 v0, v7;
	v54 =	vmul.f32 v9, v8;
	v42 =	vadd.f32 v15, v14;
	v26 =	vld [tilespmem:s29+$0x80];
	[tilespmem:s20+$0x30] =	vst v40  }
0x1cd: {  	v55 =	vadd.f32 v52, v51;
	[tilespmem:s20+$0x40] =	vst v50;
	v40 =	vld [tilespmem:s17+$0x70]  }
0x1ce: {  	v56 =	vadd.f32 v54, v53;
	[tilespmem:s20+$0x50] =	vst v42;
	v42 =	vld [tilespmem:s17+$0xC070]  }
0x1cf: {  	s21 =	sor.u32 s18, s1;
	[tilespmem:s20+$0x60] =	vst v55;
	v25 =	vld [tilespmem:s30+$0x80]  }
0x1d0: {  	[tilespmem:s20+$0x70] =	vst v56;
	v43 =	vld [tilespmem:s21+$0x0]  }
0x1d1: {  	v44 =	vld [tilespmem:s21+$0xC000]  }
0x1d2: {  	v45 =	vld [tilespmem:s21+$0x10]  }
0x1d3: {  	v46 =	vld [tilespmem:s21+$0xC010]  }
0x1d4: {  	v47 =	vld [tilespmem:s21+$0x20]  }
0x1d5: {  	v48 =	vld [tilespmem:s21+$0xC020]  }
0x1d6: {  	v49 =	vld [tilespmem:s21+$0x30]  }
0x1d7: {  	v50 =	vld [tilespmem:s21+$0xC030]  }
0x1d8: {  	v51 =	vld [tilespmem:s21+$0x40]  }
0x1d9: {  	v52 =	vld [tilespmem:s21+$0xC040]  }
0x1da: {  	v53 =	vld [tilespmem:s21+$0x50]  }
0x1db: {  	v54 =	vld [tilespmem:s21+$0xC050]  }
0x1dc: {  	v55 =	vld [tilespmem:s21+$0x60]  }
0x1dd: {  	s20 =	sadd.s32 $0x180, s31;
	v56 =	vld [tilespmem:s21+$0xC060]  }
0x1de: {  	v57 =	vld [tilespmem:s21+$0x70];
	s19 =	sand.u32 $0x380, s20  }
0x1df: {  	v58 =	vld [tilespmem:s21+$0xC070];
	s20 =	sor.u32 s15, s19  }
0x1e0: {  	v59 =	vld [tilespmem:s20+$0x0]  }
0x1e1: {  	v60 =	vld [tilespmem:s20+$0xC000]  }
0x1e2: {  	v61 =	vld [tilespmem:s20+$0x10]  }
0x1e3: {  	v62 =	vld [tilespmem:s20+$0xC010]  }
0x1e4: {  	v63 =	vld [tilespmem:s20+$0x20]  }
0x1e5: {  	v0 =	vld [tilespmem:s20+$0xC020]  }
0x1e6: {  	v2 =	vld [tilespmem:s20+$0x30]  }
0x1e7: {  	v1 =	vld [tilespmem:s20+$0xC030]  }
0x1e8: {  	v9 =	vld [tilespmem:s20+$0x40]  }
0x1e9: {  	v10 =	vld [tilespmem:s20+$0xC040]  }
0x1ea: {  	v11 =	vld [tilespmem:s20+$0x50]  }
0x1eb: {  	v12 =	vld [tilespmem:s20+$0xC050]  }
0x1ec: {  	v15 =	vld [tilespmem:s20+$0x60];
	v43 =	vmul.f32 v43, v7;
	v44 =	vmul.f32 v44, v8  }
0x1ed: {  	v13 =	vld [tilespmem:s20+$0xC060];
	v45 =	vmul.f32 v45, v7;
	v46 =	vmul.f32 v46, v8  }
0x1ee: {  	v14 =	vld [tilespmem:s20+$0x70];
	v57 =	vmul.f32 v57, v7;
	v43 =	vadd.f32 v44, v43;
	v44 =	vmul.f32 v47, v7  }
0x1ef: {  	v47 =	vmul.f32 v48, v8;
	v48 =	vld [tilespmem:s20+$0xC070];
	v45 =	vadd.f32 v46, v45;
	v46 =	vmul.f32 v49, v7  }
0x1f0: {  	v49 =	vmul.f32 v50, v8;
	v50 =	vld [tilespmem:s20+$0x400];
	v2 =	vmul.f32 v2, v25  }
0x1f1: {  	v1 =	vmul.f32 v1, v26;
	[tilespmem:s21+$0x0] =	vst v43;
	v43 =	vadd.f32 v47, v44;
	v44 =	vmul.f32 v51, v7;
	v51 =	vld [tilespmem:s20+$0xC400]  }
0x1f2: {  	v58 =	vmul.f32 v58, v8;
	v47 =	vmul.f32 v52, v8;
	[tilespmem:s21+$0x10] =	vst v45;
	v45 =	vadd.f32 v49, v46;
	v52 =	vld [tilespmem:s20+$0x410]  }
0x1f3: {  	v46 =	vmul.f32 v53, v7;
	v49 =	vmul.f32 v54, v8;
	v53 =	vld [tilespmem:s20+$0xC410];
	v1 =	vadd.f32 v1, v2;
	[tilespmem:s21+$0x20] =	vst v43  }
0x1f4: {  	v54 =	vld [tilespmem:s20+$0x420];
	v43 =	vadd.f32 v47, v44;
	v44 =	vmul.f32 v55, v7;
	v47 =	vmul.f32 v56, v8;
	[tilespmem:s21+$0x30] =	vst v45  }
0x1f5: {  	v61 =	vmul.f32 v61, v25;
	v62 =	vmul.f32 v62, v26;
	v45 =	vadd.f32 v49, v46;
	v55 =	vld [tilespmem:s20+$0xC420];
	[tilespmem:s20+$0x30] =	vst v1  }
0x1f6: {  	v9 =	vmul.f32 v9, v25;
	v10 =	vmul.f32 v10, v26;
	v56 =	vld [tilespmem:s20+$0x430];
	[tilespmem:s21+$0x40] =	vst v43;
	v43 =	vadd.f32 v47, v44  }
0x1f7: {  	v46 =	vld [tilespmem:s20+$0x440];
	v44 =	vmul.f32 v59, v25;
	v47 =	vmul.f32 v60, v26;
	[tilespmem:s21+$0x50] =	vst v45;
	v60 =	vadd.f32 v58, v57  }
0x1f8: {  	v59 =	vmul.f32 v63, v25;
	v63 =	vadd.f32 v10, v9;
	v45 =	vmul.f32 v13, v26;
	v13 =	vld [tilespmem:s20+$0x460];
	[tilespmem:s21+$0x60] =	vst v43  }
0x1f9: {  	v0 =	vmul.f32 v0, v26;
	v57 =	vmul.f32 v14, v25;
	v14 =	vld [tilespmem:s20+$0xC460];
	v58 =	vadd.f32 v47, v44;
	[tilespmem:s21+$0x70] =	vst v60  }
0x1fa: {  	v47 =	vld [tilespmem:s20+$0xC430];
	v60 =	vadd.f32 v62, v61;
	v61 =	vmul.f32 v11, v25;
	v62 =	vmul.f32 v12, v26;
	[tilespmem:s20+$0x40] =	vst v63  }
0x1fb: {  	v0 =	vadd.f32 v0, v59;
	v43 =	vld [tilespmem:s20+$0x450];
	v44 =	vmul.f32 v15, v25;
	[tilespmem:s20+$0x0] =	vst v58  }
0x1fc: {  	v12 =	vld [tilespmem:s20+$0xC450];
	[tilespmem:s20+$0x10] =	vst v60;
	v49 =	vadd.f32 v62, v61;
	v58 =	vmul.f32 v48, v26  }
0x1fd: {  	v15 =	vld [tilespmem:s20+$0x470];
	[tilespmem:s20+$0x20] =	vst v0;
	v59 =	vadd.f32 v45, v44;
	v60 =	vmul.f32 v50, v25;
	v61 =	vmul.f32 v51, v26  }
0x1fe: {  	v63 =	vmul.f32 v52, v25;
	v52 =	vmul.f32 v53, v26;
	v44 =	vld [tilespmem:s20+$0xC470];
	[tilespmem:s20+$0x50] =	vst v49;
	v62 =	vadd.f32 v58, v57  }
0x1ff: {  	s15 =	sor.u32 s18, s0;
	[tilespmem:s20+$0x60] =	vst v59;
	v53 =	vadd.f32 v61, v60;
	v57 =	vmul.f32 v54, v25;
	v58 =	vmul.f32 v55, v26;
	v59 =	vld [tilespmem:s20+$0xC440]  }
0x200: {  	v11 =	vld [tilespmem:s15+$0xC020];
	v51 =	vmul.f32 v13, v25;
	v60 =	vadd.f32 v52, v63;
	v52 =	vmul.f32 v14, v26;
	[tilespmem:s20+$0x70] =	vst v62  }
0x201: {  	v9 =	vld [tilespmem:s15+$0x30];
	v43 =	vmul.f32 v43, v25;
	v49 =	vmul.f32 v12, v26;
	[tilespmem:s20+$0x400] =	vst v53;
	v63 =	vadd.f32 v58, v57  }
0x202: {  	v48 =	vld [tilespmem:s15+$0x0];
	v61 =	vmul.f32 v56, v25;
	v62 =	vmul.f32 v47, v26;
	[tilespmem:s20+$0x410] =	vst v60;
	v2 =	vadd.f32 v52, v51  }
0x203: {  	v13 =	vld [tilespmem:s15+$0xC010];
	v54 =	vmul.f32 v15, v25;
	v53 =	vadd.f32 v49, v43;
	v55 =	vmul.f32 v44, v26;
	[tilespmem:s20+$0x420] =	vst v63  }
0x204: {  	v14 =	vld [tilespmem:s15+$0x20];
	v56 =	vmul.f32 v46, v25;
	v50 =	vadd.f32 v62, v61;
	[tilespmem:s20+$0x460] =	vst v2;
	v57 =	vmul.f32 v59, v26  }
0x205: {  	v12 =	vld [tilespmem:s15+$0x10];
	[tilespmem:s20+$0x450] =	vst v53;
	v58 =	vadd.f32 v55, v54  }
0x206: {  	v47 =	vld [tilespmem:s15+$0xC000];
	[tilespmem:s20+$0x430] =	vst v50;
	v1 =	vadd.f32 v57, v56  }
0x207: {  	s12 =	sor.u32 s19, s12;
	v51 =	vld [tilespmem:s15+$0x50];
	[tilespmem:s20+$0x470] =	vst v58  }
0x208: {  	v0 =	vld [tilespmem:s12+$0x0];
	[tilespmem:s20+$0x440] =	vst v1  }
0x209: {  	v1 =	vld [tilespmem:s12+$0xC000]  }
0x20a: {  	v10 =	vld [tilespmem:s12+$0x10]  }
0x20b: {  	v15 =	vld [tilespmem:s12+$0xC010]  }
0x20c: {  	v59 =	vld [tilespmem:s12+$0x20]  }
0x20d: {  	v60 =	vld [tilespmem:s12+$0xC020]  }
0x20e: {  	v45 =	vld [tilespmem:s12+$0x30]  }
0x20f: {  	v61 =	vld [tilespmem:s12+$0xC030]  }
0x210: {  	v49 =	vld [tilespmem:s12+$0x40]  }
0x211: {  	v62 =	vld [tilespmem:s12+$0x50]  }
0x212: {  	v63 =	vld [tilespmem:s12+$0xC050]  }
0x213: {  	v57 =	vld [tilespmem:s12+$0x60]  }
0x214: {  	v58 =	vld [tilespmem:s12+$0xC060]  }
0x215: {  	v54 =	vld [tilespmem:s12+$0x70];
	v0 =	vmul.f32 v0, v25;
	v1 =	vmul.f32 v1, v26  }
0x216: {  	v55 =	vld [tilespmem:s12+$0xC070];
	v10 =	vmul.f32 v10, v25;
	v15 =	vmul.f32 v15, v26  }
0x217: {  	v44 =	vld [tilespmem:s12+$0xC040];
	v59 =	vmul.f32 v59, v25;
	v60 =	vmul.f32 v60, v26;
	v0 =	vadd.f32 v1, v0  }
0x218: {  	v52 =	vld [tilespmem:s15+$0xC050];
	v45 =	vmul.f32 v45, v25;
	v46 =	vmul.f32 v61, v26;
	v10 =	vadd.f32 v15, v10  }
0x219: {  	v43 =	vld [tilespmem:s15+$0x70];
	v61 =	vmul.f32 v62, v25;
	v62 =	vmul.f32 v63, v26;
	v1 =	vadd.f32 v60, v59;
	[tilespmem:s12+$0x0] =	vst v0  }
0x21a: {  	v2 =	vld [tilespmem:s15+$0xC030];
	v56 =	vmul.f32 v57, v25;
	v57 =	vmul.f32 v58, v26;
	v63 =	vadd.f32 v46, v45;
	[tilespmem:s12+$0x10] =	vst v10  }
0x21b: {  	v15 =	vld [tilespmem:s15+$0x40];
	v58 =	vadd.f32 v62, v61;
	v59 =	vmul.f32 v54, v25;
	v60 =	vmul.f32 v55, v26;
	[tilespmem:s12+$0x20] =	vst v1  }
0x21c: {  	v44 =	vmul.f32 v44, v26;
	v61 =	vld [tilespmem:s15+$0x60];
	v62 =	vmul.f32 v49, v25;
	v45 =	vadd.f32 v57, v56;
	[tilespmem:s12+$0x30] =	vst v63  }
0x21d: {  	v57 =	vld [tilespmem:s15+$0xC070];
	[tilespmem:s12+$0x50] =	vst v58;
	v56 =	vadd.f32 v60, v59  }
0x21e: {  	v0 =	vld [tilespmem:s15+$0xC040];
	v10 =	vadd.f32 v44, v62;
	[tilespmem:s12+$0x60] =	vst v45  }
0x21f: {  	s21 =	sor.u32 s19, s1;
	v63 =	vld [tilespmem:s15+$0xC060];
	[tilespmem:s12+$0x70] =	vst v56  }
0x220: {  	[tilespmem:s12+$0x40] =	vst v10;
	v1 =	vld [tilespmem:s21+$0x0]  }
0x221: {  	v10 =	vld [tilespmem:s21+$0xC000]  }
0x222: {  	v45 =	vld [tilespmem:s21+$0x10]  }
0x223: {  	v49 =	vld [tilespmem:s21+$0xC010]  }
0x224: {  	v11 =	vmul.f32 v11, v8;
	v48 =	vmul.f32 v48, v7;
	v50 =	vld [tilespmem:s21+$0x20]  }
0x225: {  	v14 =	vmul.f32 v14, v7;
	v47 =	vmul.f32 v47, v8;
	v54 =	vld [tilespmem:s21+$0xC020]  }
0x226: {  	v13 =	vmul.f32 v13, v8;
	v12 =	vmul.f32 v12, v7;
	v55 =	vld [tilespmem:s21+$0x30]  }
0x227: {  	v9 =	vmul.f32 v9, v7;
	v11 =	vadd.f32 v11, v14;
	v47 =	vadd.f32 v47, v48;
	v48 =	vld [tilespmem:s21+$0xC030]  }
0x228: {  	v12 =	vadd.f32 v13, v12;
	v2 =	vmul.f32 v2, v8;
	v59 =	vmul.f32 v51, v7;
	v13 =	vld [tilespmem:s21+$0x40]  }
0x229: {  	[tilespmem:s15+$0x20] =	vst v11;
	v60 =	vmul.f32 v52, v8;
	v58 =	vmul.f32 v15, v7;
	v15 =	vld [tilespmem:s21+$0x50]  }
0x22a: {  	[tilespmem:s15+$0x0] =	vst v47;
	v2 =	vadd.f32 v2, v9;
	v47 =	vld [tilespmem:s21+$0xC050];
	v0 =	vmul.f32 v0, v8  }
0x22b: {  	[tilespmem:s15+$0x10] =	vst v12;
	v61 =	vmul.f32 v61, v7;
	v46 =	vld [tilespmem:s21+$0x60];
	v62 =	vmul.f32 v63, v8;
	v63 =	vadd.f32 v60, v59  }
0x22c: {  	v43 =	vmul.f32 v43, v7;
	[tilespmem:s15+$0x30] =	vst v2;
	v56 =	vmul.f32 v57, v8;
	v51 =	vld [tilespmem:s21+$0xC060];
	v0 =	vadd.f32 v0, v58  }
0x22d: {  	v11 =	vld [tilespmem:s21+$0x70];
	v57 =	vadd.f32 v62, v61;
	[tilespmem:s15+$0x50] =	vst v63  }
0x22e: {  	v14 =	vld [tilespmem:s21+$0xC070];
	v58 =	vadd.f32 v56, v43;
	[tilespmem:s15+$0x40] =	vst v0  }
0x22f: {  	s1 =	sor.u32 s18, s14;
	v52 =	vld [tilespmem:s21+$0xC040];
	[tilespmem:s15+$0x60] =	vst v57  }
0x230: {  	v43 =	vld [tilespmem:s1+$0x0];
	[tilespmem:s15+$0x70] =	vst v58  }
0x231: {  	v59 =	vmul.f32 v45, v25;
	v60 =	vmul.f32 v49, v26;
	v44 =	vld [tilespmem:s1+$0xC000]  }
0x232: {  	v45 =	vld [tilespmem:s1+$0x10]  }
0x233: {  	v1 =	vmul.f32 v1, v25;
	v53 =	vadd.f32 v60, v59;
	v60 =	vmul.f32 v46, v25;
	v46 =	vld [tilespmem:s1+$0xC010]  }
0x234: {  	v10 =	vmul.f32 v10, v26;
	v58 =	vmul.f32 v47, v26;
	v47 =	vld [tilespmem:s1+$0x20]  }
0x235: {  	v62 =	vmul.f32 v50, v25;
	v63 =	vmul.f32 v54, v26;
	v49 =	vld [tilespmem:s1+$0xC020]  }
0x236: {  	v54 =	vmul.f32 v55, v25;
	v55 =	vmul.f32 v48, v26;
	v61 =	vadd.f32 v10, v1;
	v48 =	vld [tilespmem:s1+$0x30]  }
0x237: {  	v57 =	vmul.f32 v15, v25;
	v50 =	vld [tilespmem:s1+$0xC030]  }
0x238: {  	v56 =	vadd.f32 v63, v62;
	v59 =	vadd.f32 v55, v54;
	v55 =	vld [tilespmem:$0x1FF60];
	[tilespmem:s21+$0x0] =	vst v61  }
0x239: {  	v52 =	vmul.f32 v52, v26;
	v15 =	vmul.f32 v13, v25;
	v62 =	vadd.f32 v58, v57;
	v57 =	vld [tilespmem:$0x1FF80];
	[tilespmem:s21+$0x10] =	vst v53  }
0x23a: {  	v14 =	vmul.f32 v14, v26;
	v63 =	vmul.f32 v11, v25;
	v58 =	vld [tilespmem:$0x1FF90];
	[tilespmem:s21+$0x20] =	vst v56  }
0x23b: {  	v54 =	vadd.f32 v52, v15;
	v61 =	vmul.f32 v51, v26;
	[tilespmem:s21+$0x30] =	vst v59;
	v56 =	vld [tilespmem:$0x1FF70]  }
0x23c: {  	v53 =	vadd.f32 v14, v63;
	v59 =	vld [tilespmem:$0x1FFA0];
	[tilespmem:s21+$0x50] =	vst v62  }
0x23d: {  	[tilespmem:s21+$0x40] =	vst v54;
	v9 =	vadd.f32 v61, v60;
	v60 =	vld [tilespmem:$0x1FFB0]  }
0x23e: {  	s18 =	sor.u32 s19, s0;
	[tilespmem:s21+$0x70] =	vst v53;
	v61 =	vld [tilespmem:$0x1FFC0]  }
0x23f: {  	v10 =	vld [tilespmem:s18+$0x20];
	[tilespmem:s21+$0x60] =	vst v9  }
0x240: {  	v0 =	vld [tilespmem:s18+$0x0]  }
0x241: {  	v1 =	vld [tilespmem:s18+$0xC000]  }
0x242: {  	v2 =	vld [tilespmem:s18+$0x10]  }
0x243: {  	v16 =	vmul.f32 v16, v4;
	v9 =	vld [tilespmem:s18+$0xC010]  }
0x244: {  	v14 =	vmul.f32 v57, v3;
	v15 =	vmul.f32 v58, v4;
	v13 =	vld [tilespmem:s18+$0xC020]  }
0x245: {  	v11 =	vmul.f32 v55, v3;
	v12 =	vmul.f32 v56, v4;
	v51 =	vld [tilespmem:s18+$0x30]  }
0x246: {  	v57 =	vmul.f32 v20, v4;
	v53 =	vld [tilespmem:s18+$0xC030];
	v56 =	vmul.f32 v19, v3;
	v14 =	vadd.f32 v15, v14  }
0x247: {  	v54 =	vld [tilespmem:s18+$0x40];
	v11 =	vadd.f32 v12, v11;
	v12 =	vmul.f32 v59, v3;
	v52 =	vmul.f32 v60, v4  }
0x248: {  	v63 =	vmul.f32 v17, v3;
	v19 =	vld [tilespmem:s18+$0xC050];
	v15 =	vmul.f32 v61, v3;
	v61 =	vadd.f32 v57, v56;
	[tilespmem:s16+$0x10] =	vst v14  }
0x249: {  	v20 =	vld [tilespmem:s18+$0x60];
	v59 =	vmul.f32 v21, v3;
	[tilespmem:s16+$0x0] =	vst v11;
	v62 =	vadd.f32 v52, v12;
	v52 =	vmul.f32 v18, v4  }
0x24a: {  	v60 =	vmul.f32 v23, v4;
	v3 =	vmul.f32 v22, v3;
	v22 =	vld [tilespmem:s18+$0xC070];
	v55 =	vadd.f32 v16, v15;
	[tilespmem:s16+$0x50] =	vst v61  }
0x24b: {  	v18 =	vld [tilespmem:s18+$0x50];
	v4 =	vmul.f32 v24, v4;
	[tilespmem:s16+$0x20] =	vst v62;
	v58 =	vadd.f32 v52, v63  }
0x24c: {  	v15 =	vld [tilespmem:s18+$0xC060];
	v0 =	vmul.f32 v0, v25;
	v1 =	vmul.f32 v1, v26;
	[tilespmem:s16+$0x30] =	vst v55;
	v62 =	vadd.f32 v60, v59  }
0x24d: {  	v2 =	vmul.f32 v2, v25;
	v21 =	vmul.f32 v9, v26;
	v63 =	vld [tilespmem:s18+$0x70];
	v3 =	vadd.f32 v4, v3;
	[tilespmem:s16+$0x40] =	vst v58  }
0x24e: {  	v23 =	vmul.f32 v10, v25;
	v24 =	vmul.f32 v13, v26;
	v52 =	vld [tilespmem:s18+$0xC040];
	v0 =	vadd.f32 v1, v0;
	[tilespmem:s16+$0x60] =	vst v62  }
0x24f: {  	v10 =	vld [tilespmem:s1+$0xC050];
	v56 =	vmul.f32 v53, v26;
	v55 =	vmul.f32 v51, v25;
	v2 =	vadd.f32 v21, v2;
	[tilespmem:s16+$0x70] =	vst v3  }
0x250: {  	v13 =	vld [tilespmem:s1+$0x60];
	v59 =	vmul.f32 v19, v26;
	v57 =	vadd.f32 v24, v23;
	[tilespmem:s18+$0x0] =	vst v0;
	v58 =	vmul.f32 v18, v25  }
0x251: {  	v61 =	vmul.f32 v20, v25;
	v4 =	vld [tilespmem:s1+$0x50];
	v60 =	vadd.f32 v56, v55;
	[tilespmem:s18+$0x10] =	vst v2;
	v15 =	vmul.f32 v15, v26  }
0x252: {  	v1 =	vld [tilespmem:s1+$0xC040];
	v9 =	vmul.f32 v22, v26;
	[tilespmem:s18+$0x20] =	vst v57;
	v62 =	vadd.f32 v59, v58;
	v12 =	vmul.f32 v63, v25  }
0x253: {  	v20 =	vmul.f32 v54, v25;
	v3 =	vld [tilespmem:s1+$0x40];
	[tilespmem:s18+$0x30] =	vst v60;
	v63 =	vadd.f32 v15, v61;
	v11 =	vmul.f32 v52, v26  }
0x254: {  	v43 =	vmul.f32 v43, v7;
	v44 =	vmul.f32 v44, v8;
	v2 =	vld [tilespmem:s1+$0x70];
	[tilespmem:s18+$0x50] =	vst v62;
	v9 =	vadd.f32 v9, v12  }
0x255: {  	v21 =	vmul.f32 v27, v5;
	v22 =	vmul.f32 v28, v6;
	v12 =	vld [tilespmem:s1+$0xC060];
	v11 =	vadd.f32 v11, v20;
	[tilespmem:s18+$0x60] =	vst v63  }
0x256: {  	s21 =	sor.u32 s19, s14;
	v54 =	vadd.f32 v44, v43;
	v23 =	vmul.f32 v29, v5;
	v24 =	vmul.f32 v30, v6;
	[tilespmem:s18+$0x70] =	vst v9;
	v9 =	vld [tilespmem:s1+$0xC070]  }
0x257: {  	v27 =	vmul.f32 v31, v5;
	v28 =	vmul.f32 v33, v6;
	v0 =	vadd.f32 v22, v21;
	[tilespmem:s18+$0x40] =	vst v11;
	v11 =	vld [tilespmem:s21+$0x0]  }
0x258: {  	v29 =	vmul.f32 v32, v5;
	v30 =	vmul.f32 v34, v6;
	[tilespmem:s1+$0x0] =	vst v54;
	v14 =	vadd.f32 v24, v23;
	v19 =	vld [tilespmem:s21+$0xC000]  }
0x259: {  	v32 =	vmul.f32 v35, v5;
	v33 =	vmul.f32 v36, v6;
	v31 =	vadd.f32 v28, v27;
	[tilespmem:s17+$0x0] =	vst v0;
	v20 =	vld [tilespmem:s21+$0x10]  }
0x25a: {  	v35 =	vmul.f32 v37, v5;
	v36 =	vmul.f32 v38, v6;
	v34 =	vadd.f32 v30, v29;
	[tilespmem:s17+$0x10] =	vst v14;
	v21 =	vld [tilespmem:s21+$0xC010]  }
0x25b: {  	v38 =	vmul.f32 v39, v5;
	v39 =	vmul.f32 v41, v6;
	v37 =	vadd.f32 v33, v32;
	[tilespmem:s17+$0x20] =	vst v31;
	v16 =	vld [tilespmem:s21+$0x20]  }
0x25c: {  	v5 =	vmul.f32 v40, v5;
	v6 =	vmul.f32 v42, v6;
	v41 =	vadd.f32 v36, v35;
	[tilespmem:s17+$0x30] =	vst v34;
	v18 =	vld [tilespmem:s21+$0xC020]  }
0x25d: {  	v51 =	vmul.f32 v45, v7;
	v42 =	vadd.f32 v39, v38;
	[tilespmem:s17+$0x40] =	vst v37;
	v52 =	vmul.f32 v46, v8;
	v53 =	vld [tilespmem:s21+$0x30]  }
0x25e: {  	v55 =	vmul.f32 v47, v7;
	v56 =	vmul.f32 v49, v8;
	v5 =	vadd.f32 v6, v5;
	[tilespmem:s17+$0x50] =	vst v41;
	v57 =	vld [tilespmem:s21+$0xC030]  }
0x25f: {  	v60 =	vmul.f32 v50, v8;
	[tilespmem:s17+$0x60] =	vst v42;
	v59 =	vmul.f32 v48, v7;
	v58 =	vadd.f32 v52, v51;
	v61 =	vld [tilespmem:s21+$0x40]  }
0x260: {  	v28 =	vmul.f32 v10, v8;
	[tilespmem:s17+$0x70] =	vst v5;
	v4 =	vmul.f32 v4, v7;
	v62 =	vadd.f32 v56, v55;
	v63 =	vld [tilespmem:s21+$0xC040]  }
0x261: {  	v1 =	vmul.f32 v1, v8;
	v3 =	vmul.f32 v3, v7;
	v27 =	vadd.f32 v60, v59;
	[tilespmem:s1+$0x10] =	vst v58;
	v29 =	vld [tilespmem:s21+$0x50]  }
0x262: {  	v31 =	vmul.f32 v13, v7;
	v4 =	vadd.f32 v28, v4;
	[tilespmem:s1+$0x20] =	vst v62;
	v33 =	vld [tilespmem:s21+$0xC050];
	v32 =	vmul.f32 v12, v8  }
0x263: {  	v2 =	vmul.f32 v2, v7;
	v30 =	vadd.f32 v1, v3;
	[tilespmem:s1+$0x30] =	vst v27;
	v35 =	vld [tilespmem:s21+$0x60];
	v34 =	vmul.f32 v9, v8  }
0x264: {  	[tilespmem:s1+$0x50] =	vst v4;
	v39 =	vld [tilespmem:s21+$0xC060];
	v36 =	vadd.f32 v32, v31;
	v37 =	vmul.f32 v11, v25;
	v38 =	vmul.f32 v19, v26  }
0x265: {  	v42 =	vld [tilespmem:s21+$0x70];
	[tilespmem:s1+$0x40] =	vst v30;
	v40 =	vmul.f32 v20, v25;
	v41 =	vmul.f32 v21, v26;
	v2 =	vadd.f32 v34, v2  }
0x266: {  	v46 =	vld [tilespmem:s21+$0xC070];
	v44 =	vmul.f32 v16, v25;
	v45 =	vmul.f32 v18, v26;
	[tilespmem:s1+$0x60] =	vst v36;
	v43 =	vadd.f32 v38, v37  }
0x267: {  	v48 =	vmul.f32 v53, v25;
	v49 =	vmul.f32 v57, v26;
	v47 =	vadd.f32 v41, v40;
	[tilespmem:s1+$0x70] =	vst v2  }
0x268: {  	v51 =	vmul.f32 v61, v25;
	v52 =	vmul.f32 v63, v26;
	v50 =	vadd.f32 v45, v44;
	[tilespmem:s21+$0x0] =	vst v43  }
0x269: {  	v54 =	vmul.f32 v29, v25;
	v55 =	vmul.f32 v33, v26;
	v53 =	vadd.f32 v49, v48;
	[tilespmem:s21+$0x10] =	vst v47  }
0x26a: {  	p0 =	slt.u32 s28, $0x3C;
	v57 =	vmul.f32 v35, v25;
	v58 =	vmul.f32 v39, v26;
	v56 =	vadd.f32 v52, v51;
	[tilespmem:s21+$0x20] =	vst v50  }
.Ltmp0:
0x26b: {  	v60 =	vmul.f32 v42, v25;
	v61 =	vmul.f32 v46, v26;
	v59 =	vadd.f32 v55, v54;
	[tilespmem:s21+$0x30] =	vst v53;
	(pc) =	sbr.rel @p0 .LBB2_2-.Ltmp0, $4  }
0x26c: {  	v62 =	vadd.f32 v58, v57;
	[tilespmem:s21+$0x40] =	vst v56  }
0x26d: {  	v63 =	vadd.f32 v61, v60;
	[tilespmem:s21+$0x50] =	vst v59  }
0x26e: {  	[tilespmem:s21+$0x60] =	vst v62  }
0x26f: {  	s29 =	sadd.s32 $0x200, s29;
	s31 =	sadd.s32 $0x200, s31;
	s30 =	sadd.s32 $0x200, s30;
	[tilespmem:s21+$0x70] =	vst v63  }
0x270: {  	s26 =	sadd.s32 $0x1, s26  }
0x271: {  	p0 =	sne.s32 s26, s11  }
.Ltmp1:
0x272: {  	_ = 	snop;
	(pc) =	sbr.rel @p0 .LBB2_1-.Ltmp1, $4  }
0x273: {  	[hbm4b:s10+s2] =	stream.linear.scatter [tilespmem:s2], [sflag:$0x3], $0xC000, $0x38;
	[tilespmem:$0x1C100] =	vst v63  }
0x274: {  	_ =	swait.ge [sflag:s13], $0xC000  }
0x275: {  	[sflag:s13] =	ssyncset.done $0x0  }
0x276: {  	[sflag:s13] =	ssyncadd.s32 $0xFFFF4000  }
0x277: {  	_ =	sfence.sel $0x180000  }
0x278: {  	[bflag:$0x0] =	sbarrier.arrive $0xFFFF  }
0x279: {  	_ =	strace $0x9000004A  }
0x27a: {  	s0 =	stileid.u32;
	[bflag:$0x2] =	sbarrier.arrive $0xFFFF  }
0x27b: {  	p0 =	sne.s32 s0, $0x0;
	s0 =	rddreg [dreg:$0x2]  }
0x27c: {  	s0 =	sadd.s32 @!p0 $0x100000, s0  }
0x27d: {  	[sflag:s0] =	ssyncadd.tile.s32 @!p0 $0x1;
	_ =	shalt  }
.Lfunc_end2:
_tile_overlayer_lowered:
.L_overlay_start_2:
0x27e: {  	(tag) =	ssettag $0x2  }
0x27f: {  	s0 =	rddreg [dreg:$0x0];
	s2 =	stileid.u32  }
0x280: {  	s1 =	rddreg [dreg:$0x1];
	p0 =	sne.s32 s2, $0x0  }
0x281: {  	s3 =	rddreg [dreg:$0x2];
	[bflag:$0x3] =	sbarrier.arrive $0xFFFF;
	s2 =	simm.s32 @!p0 $0x1C03  }
0x282: {  	[timem:s3], [sflag:s2] =	dma.local @!p0 [hbm:s0], s1  }
0x283: {  	s0 =	simm.s32 @!p0 $0x3  }
0x284: {  	_ =	swait.ge @!p0 [sflag:s0], s1  }
0x285: {  	s1 =	ssub.s32 @!p0 $0x0, s1;
	[sflag:s0] =	ssyncset.done @!p0 $0x0  }
0x286: {  	[sflag:s0] =	ssyncadd.s32 @!p0 s1  }
0x287: {  	[bflag:$0x3] =	sbarrier.arrive $0xFFFF  }
0x288: {  	_ =	shalt  }

</sc_bundles>
